<compile_context>
chip_gen: v7x
topology: tpu7x:2x2x1
jax: 0.10.2.dev20260603
libtpu: 0.0.44.dev20260713+nightly
codegen_flags: <defaults>
</compile_context>

<pallas_src>
import functools

import jax
import jax.numpy as jnp
from jax import lax
from jax.experimental import pallas as pl
from jax.experimental.pallas import tpu as pltpu
from jax.experimental.pallas import tpu_sc as plsc

B, L, D = 4096, 200, 128
LANES = 16
PE_ROWS = 216
SLOT_ROWS = 200
NSLOT = 4


def kernel(inputs, pos_embedding):
    info = plsc.get_sparse_core_info()
    nc, ns = info.num_cores, info.num_subcores
    nw = nc * ns
    rows = B // nw

    mesh = plsc.VectorSubcoreMesh(core_axis_name="c", subcore_axis_name="s")

    @functools.partial(
        pl.kernel,
        mesh=mesh,
        out_type=jax.ShapeDtypeStruct((B, L, D), jnp.float32),
        scratch_types=[
            pltpu.VMEM((PE_ROWS, D), jnp.float32),
            pltpu.VMEM((128,), jnp.int32),
            pltpu.VMEM((80,), jnp.int32),
            pltpu.VMEM_SHARED((ns, NSLOT, SLOT_ROWS, D), jnp.float32),
            pltpu.SemaphoreType.DMA,
            pltpu.SemaphoreType.DMA,
            pltpu.SemaphoreType.DMA,
            pltpu.SemaphoreType.DMA,
            pltpu.SemaphoreType.DMA,
            pltpu.SemaphoreType.DMA,
            pltpu.SemaphoreType.DMA,
            pltpu.SemaphoreType.DMA,
        ],
    )
    def sc_add(in_hbm, pe_hbm, out_hbm, pe_v, idx_a, idx_b, sp,
               la0, la1, la2, la3, st0, st1, st2, st3):
        c = lax.axis_index("c")
        s = lax.axis_index("s")
        wid = s * nc + c
        base = wid * rows
        lsems = (la0, la1, la2, la3)
        ssems = (st0, st1, st2, st3)

        pltpu.sync_copy(pe_hbm.at[pl.ds(0, 208)], pe_v.at[pl.ds(0, 208)])
        zero = jnp.zeros((LANES,), jnp.float32)
        for rr in range(201, PE_ROWS):
            for j in range(D // LANES):
                pe_v[rr, pl.ds(j * LANES, LANES)] = zero

        for k in range(8):
            idx_a[pl.ds(k * LANES, LANES)] = (
                lax.iota(jnp.int32, LANES) + k * LANES)
        for k in range(4):
            idx_b[pl.ds(k * LANES, LANES)] = (
                lax.iota(jnp.int32, LANES) + 128 + k * LANES)
        idx_b[pl.ds(4 * LANES, LANES)] = jnp.minimum(
            lax.iota(jnp.int32, LANES) + 192, 199)

        def data(k):
            return sp.at[s, k]

        def load(k, u):
            pltpu.async_copy(in_hbm.at[base + u], data(k), lsems[k])

        def wait_load(k, u):
            pltpu.make_async_copy(in_hbm.at[base + u], data(k),
                                  lsems[k]).wait()

        def store(k, u):
            pltpu.async_copy(data(k), out_hbm.at[base + u], ssems[k])

        def wait_store(k, u):
            pltpu.make_async_copy(data(k), out_hbm.at[base + u],
                                  ssems[k]).wait()

        def start_scatter(k):
            dst = sp.at[s, k]
            cp_a = pltpu.async_copy(
                pe_v.at[pl.ds(1, 128)], dst.at[idx_a], lsems[k], add=True)
            cp_b = pltpu.async_copy(
                pe_v.at[pl.ds(129, 80)], dst.at[idx_b], lsems[k], add=True)
            return cp_a, cp_b

        def process_pair(k0, u0, u1):
            wait_load(k0, u0)
            cps0 = start_scatter(k0)
            wait_load(k0 + 1, u1)
            cps1 = start_scatter(k0 + 1)
            for cp in cps0:
                cp.wait()
            store(k0, u0)
            for cp in cps1:
                cp.wait()
            store(k0 + 1, u1)

        for k in range(NSLOT):
            load(k, k)
        process_pair(0, 0, 1)

        def round2(t2, carry):
            r = 4 * t2
            for k in range(2):
                wait_store(k, r + k)
                load(k, r + 4 + k)
            process_pair(2, r + 2, r + 3)
            process_pair(0, r + 4, r + 5)
            for k in range(2):
                wait_store(2 + k, r + 2 + k)
                load(2 + k, r + 6 + k)
            return carry

        lax.fori_loop(0, (rows - 4) // 4, round2, 0)

        process_pair(2, rows - 2, rows - 1)
        for k in range(2):
            wait_store(k, rows - 4 + k)
        for k in range(2):
            wait_store(2 + k, rows - 2 + k)

    return sc_add(inputs, pos_embedding)

# --- scband reference (transcript-rebuilt; emitter-appended) ---
"""Pipeline reference for scband-positional-embedding-45973329937144 (READ-ONLY COPY).

The authoritative reference and input builder live on the scoring server;
editing this copy changes nothing except your own understanding.
"""

import jax, jax.numpy as jnp
import numpy as np

B, L, D = 4096, 200, 128
MAX_POS = 512

def setup_inputs(seed: int = 0) -> dict:
    key = jax.random.key(seed)
    k1, k2 = jax.random.split(key)
    inputs = jax.random.normal(k1, (B, L, D), dtype=jnp.float32)
    pos_embedding = jax.random.normal(k2, (MAX_POS, D), dtype=jnp.float32) * 0.02
    return {"inputs": inputs, "pos_embedding": pos_embedding}

def reference(inputs, pos_embedding):
    # pos = arange(1, L+1) broadcast over batch (no mask provided)
    pos = jnp.arange(1, inputs.shape[1] + 1, dtype=jnp.int32)[None, :]
    pos = jnp.broadcast_to(pos, (inputs.shape[0], inputs.shape[1]))
    pe = jnp.take(pos_embedding, pos, axis=0)  # [B, L, D] gather
    return inputs + pe

if __name__ == "__main__":
    import jax
    _d = setup_inputs()
    print(jax.jit(kernel)(*tuple(_d.values())))

</pallas_src>

<mosaic_0001>
#map = affine_map<(d0, d1) -> (0, 0, 0)>
#map1 = affine_map<(d0, d1) -> (0, 0)>
module attributes {stable_mosaic.version = 14 : i64} {
  func.func @sc_add(%arg0: i32, %arg1: i32, %arg2: memref<4096x200x128xf32, #tpu.memory_space<hbm>>, %arg3: memref<512x128xf32, #tpu.memory_space<hbm>>, %arg4: memref<4096x200x128xf32, #tpu.memory_space<hbm>>, %arg5: memref<216x128xf32, #tpu.memory_space<vmem>>, %arg6: memref<128xi32, #tpu.memory_space<vmem>>, %arg7: memref<80xi32, #tpu.memory_space<vmem>>, %arg8: memref<16x4x200x128xf32, #tpu.memory_space<vmem_shared>>, %arg9: memref<!tpu.dma_semaphore, #tpu.memory_space<semaphore_mem>>, %arg10: memref<!tpu.dma_semaphore, #tpu.memory_space<semaphore_mem>>, %arg11: memref<!tpu.dma_semaphore, #tpu.memory_space<semaphore_mem>>, %arg12: memref<!tpu.dma_semaphore, #tpu.memory_space<semaphore_mem>>, %arg13: memref<!tpu.dma_semaphore, #tpu.memory_space<semaphore_mem>>, %arg14: memref<!tpu.dma_semaphore, #tpu.memory_space<semaphore_mem>>, %arg15: memref<!tpu.dma_semaphore, #tpu.memory_space<semaphore_mem>>, %arg16: memref<!tpu.dma_semaphore, #tpu.memory_space<semaphore_mem>>) attributes {dimension_semantics = [#tpu.dimension_semantics<core_parallel>, #tpu.dimension_semantics<subcore_parallel>], iteration_bounds = array<i64: 2, 16>, scalar_prefetch = 0 : i64, scratch_operands = 12 : i64, tpu.core_type = #tpu.core_type<sc_vector_subcore>, window_params = [{transform_indices = #map}, {transform_indices = #map1}, {transform_indices = #map}]} {
    %mul3A = arith.constant 2 : i32
    %mul3A_0 = arith.muli %arg1, %mul3A : i32
    %add3A = arith.addi %mul3A_0, %arg0 : i32
    %mul3A_1 = arith.constant 128 : i32
    %mul3A_2 = arith.muli %add3A, %mul3A_1 : i32
    "tpu.region"() ({
      %run_scoped3A = tpu.sem_alloc : memref<!tpu.dma_semaphore, #tpu.memory_space<semaphore_mem>>
      %dma_start3A_1195 = arith.constant 0 : i32
      %dma_start3A_1196 = arith.constant 0 : i32
      %dma_start3A_1197 = tpu.memref_slice %arg5[%dma_start3A_1195, %dma_start3A_1196] : memref<216x128xf32, #tpu.memory_space<vmem>> -> memref<208x128xf32, #tpu.memory_space<vmem>>
      %dma_start3A_1198 = arith.constant 0 : i32
      %dma_start3A_1199 = arith.constant 0 : i32
      %dma_start3A_1200 = tpu.memref_slice %arg3[%dma_start3A_1198, %dma_start3A_1199] : memref<512x128xf32, #tpu.memory_space<hbm>> -> memref<208x128xf32, #tpu.memory_space<hbm>>
      %dma_start3A_1201 = arith.constant 0 : i32
      %dma_start3A_1202 = arith.constant 0 : i32
      %dma_start3A_1203 = tpu.memref_slice %arg5[%dma_start3A_1201, %dma_start3A_1202] : memref<216x128xf32, #tpu.memory_space<vmem>> -> memref<208x128xf32, #tpu.memory_space<vmem>>
      %dma_start3A_1204 = arith.constant 0 : i32
      %dma_start3A_1205 = arith.constant 0 : i32
      %dma_start3A_1206 = tpu.memref_slice %arg3[%dma_start3A_1204, %dma_start3A_1205] : memref<512x128xf32, #tpu.memory_space<hbm>> -> memref<208x128xf32, #tpu.memory_space<hbm>>
      tpu.enqueue_dma source(%dma_start3A_1206 : memref<208x128xf32, #tpu.memory_space<hbm>>) target(%dma_start3A_1203 : memref<208x128xf32, #tpu.memory_space<vmem>>) target_semaphore(%run_scoped3A : memref<!tpu.dma_semaphore, #tpu.memory_space<semaphore_mem>>)
      %dma_wait3A_1207 = arith.constant 0 : i32
      %dma_wait3A_1208 = arith.constant 0 : i32
      %dma_wait3A_1209 = tpu.memref_slice %arg5[%dma_wait3A_1207, %dma_wait3A_1208] : memref<216x128xf32, #tpu.memory_space<vmem>> -> memref<208x128xf32, #tpu.memory_space<vmem>>
      %dma_wait3A_1210 = arith.constant 0 : i32
      %dma_wait3A_1211 = arith.constant 0 : i32
      %dma_wait3A_1212 = tpu.memref_slice %arg3[%dma_wait3A_1210, %dma_wait3A_1211] : memref<512x128xf32, #tpu.memory_space<hbm>> -> memref<208x128xf32, #tpu.memory_space<hbm>>
      %dma_wait3A_1213 = arith.constant 0 : i32
      %dma_wait3A_1214 = arith.constant 0 : i32
      %dma_wait3A_1215 = tpu.memref_slice %arg5[%dma_wait3A_1213, %dma_wait3A_1214] : memref<216x128xf32, #tpu.memory_space<vmem>> -> memref<208x128xf32, #tpu.memory_space<vmem>>
      %dma_wait3A_1216 = arith.constant 0 : i32
      %dma_wait3A_1217 = arith.constant 0 : i32
      %dma_wait3A_1218 = tpu.memref_slice %arg3[%dma_wait3A_1216, %dma_wait3A_1217] : memref<512x128xf32, #tpu.memory_space<hbm>> -> memref<208x128xf32, #tpu.memory_space<hbm>>
      tpu.wait_dma2 semaphore(%run_scoped3A : memref<!tpu.dma_semaphore, #tpu.memory_space<semaphore_mem>>) src(%dma_wait3A_1218 : memref<208x128xf32, #tpu.memory_space<hbm>>) dst(%dma_wait3A_1215 : memref<208x128xf32, #tpu.memory_space<vmem>>)
      tpu.yield
    }) : () -> ()
    %broadcast_in_dim3A = arith.constant 0.000000e+00 : f32
    %broadcast_in_dim3A_3 = vector.broadcast %broadcast_in_dim3A : f32 to vector<16xf32>
    %swap3A = arith.constant 201 : i32
    %swap3A_4 = arith.index_cast %swap3A : i32 to index
    %swap3A_5 = arith.constant 0 : index
    %swap3A_6 = tpu.vector_load %arg5[%swap3A_4, %swap3A_5] {strides = array<i32>} : memref<216x128xf32, #tpu.memory_space<vmem>>, vector<1x16xf32>,
    %swap3A_7 = vector.shape_cast %swap3A_6 : vector<1x16xf32> to vector<16xf32>
    %swap3A_8 = vector.shape_cast %broadcast_in_dim3A_3 : vector<16xf32> to vector<1x16xf32>
    tpu.vector_store %arg5[%swap3A_4, %swap3A_5], %swap3A_8 {strides = array<i32>} : memref<216x128xf32, #tpu.memory_space<vmem>>, vector<1x16xf32>,
    %swap3A_9 = arith.constant 201 : i32
    %swap3A_10 = arith.index_cast %swap3A_9 : i32 to index
    %swap3A_11 = arith.constant 16 : index
    %swap3A_12 = tpu.vector_load %arg5[%swap3A_10, %swap3A_11] {strides = array<i32>} : memref<216x128xf32, #tpu.memory_space<vmem>>, vector<1x16xf32>,
    %swap3A_13 = vector.shape_cast %swap3A_12 : vector<1x16xf32> to vector<16xf32>
    %swap3A_14 = vector.shape_cast %broadcast_in_dim3A_3 : vector<16xf32> to vector<1x16xf32>
    tpu.vector_store %arg5[%swap3A_10, %swap3A_11], %swap3A_14 {strides = array<i32>} : memref<216x128xf32, #tpu.memory_space<vmem>>, vector<1x16xf32>,
    %swap3A_15 = arith.constant 201 : i32
    %swap3A_16 = arith.index_cast %swap3A_15 : i32 to index
    %swap3A_17 = arith.constant 32 : index
    %swap3A_18 = tpu.vector_load %arg5[%swap3A_16, %swap3A_17] {strides = array<i32>} : memref<216x128xf32, #tpu.memory_space<vmem>>, vector<1x16xf32>,
    %swap3A_19 = vector.shape_cast %swap3A_18 : vector<1x16xf32> to vector<16xf32>
    %swap3A_20 = vector.shape_cast %broadcast_in_dim3A_3 : vector<16xf32> to vector<1x16xf32>
    tpu.vector_store %arg5[%swap3A_16, %swap3A_17], %swap3A_20 {strides = array<i32>} : memref<216x128xf32, #tpu.memory_space<vmem>>, vector<1x16xf32>,
    %swap3A_21 = arith.constant 201 : i32
    %swap3A_22 = arith.index_cast %swap3A_21 : i32 to index
    %swap3A_23 = arith.constant 48 : index
    %swap3A_24 = tpu.vector_load %arg5[%swap3A_22, %swap3A_23] {strides = array<i32>} : memref<216x128xf32, #tpu.memory_space<vmem>>, vector<1x16xf32>,
    %swap3A_25 = vector.shape_cast %swap3A_24 : vector<1x16xf32> to vector<16xf32>
    %swap3A_26 = vector.shape_cast %broadcast_in_dim3A_3 : vector<16xf32> to vector<1x16xf32>
    tpu.vector_store %arg5[%swap3A_22, %swap3A_23], %swap3A_26 {strides = array<i32>} : memref<216x128xf32, #tpu.memory_space<vmem>>, vector<1x16xf32>,
    %swap3A_27 = arith.constant 201 : i32
    %swap3A_28 = arith.index_cast %swap3A_27 : i32 to index
    %swap3A_29 = arith.constant 64 : index
    %swap3A_30 = tpu.vector_load %arg5[%swap3A_28, %swap3A_29] {strides = array<i32>} : memref<216x128xf32, #tpu.memory_space<vmem>>, vector<1x16xf32>,
    %swap3A_31 = vector.shape_cast %swap3A_30 : vector<1x16xf32> to vector<16xf32>
    %swap3A_32 = vector.shape_cast %broadcast_in_dim3A_3 : vector<16xf32> to vector<1x16xf32>
    tpu.vector_store %arg5[%swap3A_28, %swap3A_29], %swap3A_32 {strides = array<i32>} : memref<216x128xf32, #tpu.memory_space<vmem>>, vector<1x16xf32>,
    %swap3A_33 = arith.constant 201 : i32
    %swap3A_34 = arith.index_cast %swap3A_33 : i32 to index
    %swap3A_35 = arith.constant 80 : index
    %swap3A_36 = tpu.vector_load %arg5[%swap3A_34, %swap3A_35] {strides = array<i32>} : memref<216x128xf32, #tpu.memory_space<vmem>>, vector<1x16xf32>,
    %swap3A_37 = vector.shape_cast %swap3A_36 : vector<1x16xf32> to vector<16xf32>
    %swap3A_38 = vector.shape_cast %broadcast_in_dim3A_3 : vector<16xf32> to vector<1x16xf32>
    tpu.vector_store %arg5[%swap3A_34, %swap3A_35], %swap3A_38 {strides = array<i32>} : memref<216x128xf32, #tpu.memory_space<vmem>>, vector<1x16xf32>,
    %swap3A_39 = arith.constant 201 : i32
    %swap3A_40 = arith.index_cast %swap3A_39 : i32 to index
    %swap3A_41 = arith.constant 96 : index
    %swap3A_42 = tpu.vector_load %arg5[%swap3A_40, %swap3A_41] {strides = array<i32>} : memref<216x128xf32, #tpu.memory_space<vmem>>, vector<1x16xf32>,
    %swap3A_43 = vector.shape_cast %swap3A_42 : vector<1x16xf32> to vector<16xf32>
    %swap3A_44 = vector.shape_cast %broadcast_in_dim3A_3 : vector<16xf32> to vector<1x16xf32>
    tpu.vector_store %arg5[%swap3A_40, %swap3A_41], %swap3A_44 {strides = array<i32>} : memref<216x128xf32, #tpu.memory_space<vmem>>, vector<1x16xf32>,
    %swap3A_45 = arith.constant 201 : i32
    %swap3A_46 = arith.index_cast %swap3A_45 : i32 to index
    %swap3A_47 = arith.constant 112 : index
    %swap3A_48 = tpu.vector_load %arg5[%swap3A_46, %swap3A_47] {strides = array<i32>} : memref<216x128xf32, #tpu.memory_space<vmem>>, vector<1x16xf32>,
    %swap3A_49 = vector.shape_cast %swap3A_48 : vector<1x16xf32> to vector<16xf32>
    %swap3A_50 = vector.shape_cast %broadcast_in_dim3A_3 : vector<16xf32> to vector<1x16xf32>
    tpu.vector_store %arg5[%swap3A_46, %swap3A_47], %swap3A_50 {strides = array<i32>} : memref<216x128xf32, #tpu.memory_space<vmem>>, vector<1x16xf32>,
    %swap3A_51 = arith.constant 202 : i32
    %swap3A_52 = arith.index_cast %swap3A_51 : i32 to index
    %swap3A_53 = arith.constant 0 : index
    %swap3A_54 = tpu.vector_load %arg5[%swap3A_52, %swap3A_53] {strides = array<i32>} : memref<216x128xf32, #tpu.memory_space<vmem>>, vector<1x16xf32>,
    %swap3A_55 = vector.shape_cast %swap3A_54 : vector<1x16xf32> to vector<16xf32>
    %swap3A_56 = vector.shape_cast %broadcast_in_dim3A_3 : vector<16xf32> to vector<1x16xf32>
    tpu.vector_store %arg5[%swap3A_52, %swap3A_53], %swap3A_56 {strides = array<i32>} : memref<216x128xf32, #tpu.memory_space<vmem>>, vector<1x16xf32>,
    %swap3A_57 = arith.constant 202 : i32
    %swap3A_58 = arith.index_cast %swap3A_57 : i32 to index
    %swap3A_59 = arith.constant 16 : index
    %swap3A_60 = tpu.vector_load %arg5[%swap3A_58, %swap3A_59] {strides = array<i32>} : memref<216x128xf32, #tpu.memory_space<vmem>>, vector<1x16xf32>,
    %swap3A_61 = vector.shape_cast %swap3A_60 : vector<1x16xf32> to vector<16xf32>
    %swap3A_62 = vector.shape_cast %broadcast_in_dim3A_3 : vector<16xf32> to vector<1x16xf32>
    tpu.vector_store %arg5[%swap3A_58, %swap3A_59], %swap3A_62 {strides = array<i32>} : memref<216x128xf32, #tpu.memory_space<vmem>>, vector<1x16xf32>,
    %swap3A_63 = arith.constant 202 : i32
    %swap3A_64 = arith.index_cast %swap3A_63 : i32 to index
    %swap3A_65 = arith.constant 32 : index
    %swap3A_66 = tpu.vector_load %arg5[%swap3A_64, %swap3A_65] {strides = array<i32>} : memref<216x128xf32, #tpu.memory_space<vmem>>, vector<1x16xf32>,
    %swap3A_67 = vector.shape_cast %swap3A_66 : vector<1x16xf32> to vector<16xf32>
    %swap3A_68 = vector.shape_cast %broadcast_in_dim3A_3 : vector<16xf32> to vector<1x16xf32>
    tpu.vector_store %arg5[%swap3A_64, %swap3A_65], %swap3A_68 {strides = array<i32>} : memref<216x128xf32, #tpu.memory_space<vmem>>, vector<1x16xf32>,
    %swap3A_69 = arith.constant 202 : i32
    %swap3A_70 = arith.index_cast %swap3A_69 : i32 to index
    %swap3A_71 = arith.constant 48 : index
    %swap3A_72 = tpu.vector_load %arg5[%swap3A_70, %swap3A_71] {strides = array<i32>} : memref<216x128xf32, #tpu.memory_space<vmem>>, vector<1x16xf32>,
    %swap3A_73 = vector.shape_cast %swap3A_72 : vector<1x16xf32> to vector<16xf32>
    %swap3A_74 = vector.shape_cast %broadcast_in_dim3A_3 : vector<16xf32> to vector<1x16xf32>
    tpu.vector_store %arg5[%swap3A_70, %swap3A_71], %swap3A_74 {strides = array<i32>} : memref<216x128xf32, #tpu.memory_space<vmem>>, vector<1x16xf32>,
    %swap3A_75 = arith.constant 202 : i32
    %swap3A_76 = arith.index_cast %swap3A_75 : i32 to index
    %swap3A_77 = arith.constant 64 : index
    %swap3A_78 = tpu.vector_load %arg5[%swap3A_76, %swap3A_77] {strides = array<i32>} : memref<216x128xf32, #tpu.memory_space<vmem>>, vector<1x16xf32>,
    %swap3A_79 = vector.shape_cast %swap3A_78 : vector<1x16xf32> to vector<16xf32>
    %swap3A_80 = vector.shape_cast %broadcast_in_dim3A_3 : vector<16xf32> to vector<1x16xf32>
    tpu.vector_store %arg5[%swap3A_76, %swap3A_77], %swap3A_80 {strides = array<i32>} : memref<216x128xf32, #tpu.memory_space<vmem>>, vector<1x16xf32>,
    %swap3A_81 = arith.constant 202 : i32
    %swap3A_82 = arith.index_cast %swap3A_81 : i32 to index
    %swap3A_83 = arith.constant 80 : index
    %swap3A_84 = tpu.vector_load %arg5[%swap3A_82, %swap3A_83] {strides = array<i32>} : memref<216x128xf32, #tpu.memory_space<vmem>>, vector<1x16xf32>,
    %swap3A_85 = vector.shape_cast %swap3A_84 : vector<1x16xf32> to vector<16xf32>
    %swap3A_86 = vector.shape_cast %broadcast_in_dim3A_3 : vector<16xf32> to vector<1x16xf32>
    tpu.vector_store %arg5[%swap3A_82, %swap3A_83], %swap3A_86 {strides = array<i32>} : memref<216x128xf32, #tpu.memory_space<vmem>>, vector<1x16xf32>,
    %swap3A_87 = arith.constant 202 : i32
    %swap3A_88 = arith.index_cast %swap3A_87 : i32 to index
    %swap3A_89 = arith.constant 96 : index
    %swap3A_90 = tpu.vector_load %arg5[%swap3A_88, %swap3A_89] {strides = array<i32>} : memref<216x128xf32, #tpu.memory_space<vmem>>, vector<1x16xf32>,
    %swap3A_91 = vector.shape_cast %swap3A_90 : vector<1x16xf32> to vector<16xf32>
    %swap3A_92 = vector.shape_cast %broadcast_in_dim3A_3 : vector<16xf32> to vector<1x16xf32>
    tpu.vector_store %arg5[%swap3A_88, %swap3A_89], %swap3A_92 {strides = array<i32>} : memref<216x128xf32, #tpu.memory_space<vmem>>, vector<1x16xf32>,
    %swap3A_93 = arith.constant 202 : i32
    %swap3A_94 = arith.index_cast %swap3A_93 : i32 to index
    %swap3A_95 = arith.constant 112 : index
    %swap3A_96 = tpu.vector_load %arg5[%swap3A_94, %swap3A_95] {strides = array<i32>} : memref<216x128xf32, #tpu.memory_space<vmem>>, vector<1x16xf32>,
    %swap3A_97 = vector.shape_cast %swap3A_96 : vector<1x16xf32> to vector<16xf32>
    %swap3A_98 = vector.shape_cast %broadcast_in_dim3A_3 : vector<16xf32> to vector<1x16xf32>
    tpu.vector_store %arg5[%swap3A_94, %swap3A_95], %swap3A_98 {strides = array<i32>} : memref<216x128xf32, #tpu.memory_space<vmem>>, vector<1x16xf32>,
    %swap3A_99 = arith.constant 203 : i32
    %swap3A_100 = arith.index_cast %swap3A_99 : i32 to index
    %swap3A_101 = arith.constant 0 : index
    %swap3A_102 = tpu.vector_load %arg5[%swap3A_100, %swap3A_101] {strides = array<i32>} : memref<216x128xf32, #tpu.memory_space<vmem>>, vector<1x16xf32>,
    %swap3A_103 = vector.shape_cast %swap3A_102 : vector<1x16xf32> to vector<16xf32>
    %swap3A_104 = vector.shape_cast %broadcast_in_dim3A_3 : vector<16xf32> to vector<1x16xf32>
    tpu.vector_store %arg5[%swap3A_100, %swap3A_101], %swap3A_104 {strides = array<i32>} : memref<216x128xf32, #tpu.memory_space<vmem>>, vector<1x16xf32>,
    %swap3A_105 = arith.constant 203 : i32
    %swap3A_106 = arith.index_cast %swap3A_105 : i32 to index
    %swap3A_107 = arith.constant 16 : index
    %swap3A_108 = tpu.vector_load %arg5[%swap3A_106, %swap3A_107] {strides = array<i32>} : memref<216x128xf32, #tpu.memory_space<vmem>>, vector<1x16xf32>,
    %swap3A_109 = vector.shape_cast %swap3A_108 : vector<1x16xf32> to vector<16xf32>
    %swap3A_110 = vector.shape_cast %broadcast_in_dim3A_3 : vector<16xf32> to vector<1x16xf32>
    tpu.vector_store %arg5[%swap3A_106, %swap3A_107], %swap3A_110 {strides = array<i32>} : memref<216x128xf32, #tpu.memory_space<vmem>>, vector<1x16xf32>,
    %swap3A_111 = arith.constant 203 : i32
    %swap3A_112 = arith.index_cast %swap3A_111 : i32 to index
    %swap3A_113 = arith.constant 32 : index
    %swap3A_114 = tpu.vector_load %arg5[%swap3A_112, %swap3A_113] {strides = array<i32>} : memref<216x128xf32, #tpu.memory_space<vmem>>, vector<1x16xf32>,
    %swap3A_115 = vector.shape_cast %swap3A_114 : vector<1x16xf32> to vector<16xf32>
    %swap3A_116 = vector.shape_cast %broadcast_in_dim3A_3 : vector<16xf32> to vector<1x16xf32>
    tpu.vector_store %arg5[%swap3A_112, %swap3A_113], %swap3A_116 {strides = array<i32>} : memref<216x128xf32, #tpu.memory_space<vmem>>, vector<1x16xf32>,
    %swap3A_117 = arith.constant 203 : i32
    %swap3A_118 = arith.index_cast %swap3A_117 : i32 to index
    %swap3A_119 = arith.constant 48 : index
    %swap3A_120 = tpu.vector_load %arg5[%swap3A_118, %swap3A_119] {strides = array<i32>} : memref<216x128xf32, #tpu.memory_space<vmem>>, vector<1x16xf32>,
    %swap3A_121 = vector.shape_cast %swap3A_120 : vector<1x16xf32> to vector<16xf32>
    %swap3A_122 = vector.shape_cast %broadcast_in_dim3A_3 : vector<16xf32> to vector<1x16xf32>
    tpu.vector_store %arg5[%swap3A_118, %swap3A_119], %swap3A_122 {strides = array<i32>} : memref<216x128xf32, #tpu.memory_space<vmem>>, vector<1x16xf32>,
    %swap3A_123 = arith.constant 203 : i32
    %swap3A_124 = arith.index_cast %swap3A_123 : i32 to index
    %swap3A_125 = arith.constant 64 : index
    %swap3A_126 = tpu.vector_load %arg5[%swap3A_124, %swap3A_125] {strides = array<i32>} : memref<216x128xf32, #tpu.memory_space<vmem>>, vector<1x16xf32>,
    %swap3A_127 = vector.shape_cast %swap3A_126 : vector<1x16xf32> to vector<16xf32>
    %swap3A_128 = vector.shape_cast %broadcast_in_dim3A_3 : vector<16xf32> to vector<1x16xf32>
    tpu.vector_store %arg5[%swap3A_124, %swap3A_125], %swap3A_128 {strides = array<i32>} : memref<216x128xf32, #tpu.memory_space<vmem>>, vector<1x16xf32>,
    %swap3A_129 = arith.constant 203 : i32
    %swap3A_130 = arith.index_cast %swap3A_129 : i32 to index
    %swap3A_131 = arith.constant 80 : index
    %swap3A_132 = tpu.vector_load %arg5[%swap3A_130, %swap3A_131] {strides = array<i32>} : memref<216x128xf32, #tpu.memory_space<vmem>>, vector<1x16xf32>,
    %swap3A_133 = vector.shape_cast %swap3A_132 : vector<1x16xf32> to vector<16xf32>
    %swap3A_134 = vector.shape_cast %broadcast_in_dim3A_3 : vector<16xf32> to vector<1x16xf32>
    tpu.vector_store %arg5[%swap3A_130, %swap3A_131], %swap3A_134 {strides = array<i32>} : memref<216x128xf32, #tpu.memory_space<vmem>>, vector<1x16xf32>,
    %swap3A_135 = arith.constant 203 : i32
    %swap3A_136 = arith.index_cast %swap3A_135 : i32 to index
    %swap3A_137 = arith.constant 96 : index
    %swap3A_138 = tpu.vector_load %arg5[%swap3A_136, %swap3A_137] {strides = array<i32>} : memref<216x128xf32, #tpu.memory_space<vmem>>, vector<1x16xf32>,
    %swap3A_139 = vector.shape_cast %swap3A_138 : vector<1x16xf32> to vector<16xf32>
    %swap3A_140 = vector.shape_cast %broadcast_in_dim3A_3 : vector<16xf32> to vector<1x16xf32>
    tpu.vector_store %arg5[%swap3A_136, %swap3A_137], %swap3A_140 {strides = array<i32>} : memref<216x128xf32, #tpu.memory_space<vmem>>, vector<1x16xf32>,
    %swap3A_141 = arith.constant 203 : i32
    %swap3A_142 = arith.index_cast %swap3A_141 : i32 to index
    %swap3A_143 = arith.constant 112 : index
    %swap3A_144 = tpu.vector_load %arg5[%swap3A_142, %swap3A_143] {strides = array<i32>} : memref<216x128xf32, #tpu.memory_space<vmem>>, vector<1x16xf32>,
    %swap3A_145 = vector.shape_cast %swap3A_144 : vector<1x16xf32> to vector<16xf32>
    %swap3A_146 = vector.shape_cast %broadcast_in_dim3A_3 : vector<16xf32> to vector<1x16xf32>
    tpu.vector_store %arg5[%swap3A_142, %swap3A_143], %swap3A_146 {strides = array<i32>} : memref<216x128xf32, #tpu.memory_space<vmem>>, vector<1x16xf32>,
    %swap3A_147 = arith.constant 204 : i32
    %swap3A_148 = arith.index_cast %swap3A_147 : i32 to index
    %swap3A_149 = arith.constant 0 : index
    %swap3A_150 = tpu.vector_load %arg5[%swap3A_148, %swap3A_149] {strides = array<i32>} : memref<216x128xf32, #tpu.memory_space<vmem>>, vector<1x16xf32>,
    %swap3A_151 = vector.shape_cast %swap3A_150 : vector<1x16xf32> to vector<16xf32>
    %swap3A_152 = vector.shape_cast %broadcast_in_dim3A_3 : vector<16xf32> to vector<1x16xf32>
    tpu.vector_store %arg5[%swap3A_148, %swap3A_149], %swap3A_152 {strides = array<i32>} : memref<216x128xf32, #tpu.memory_space<vmem>>, vector<1x16xf32>,
    %swap3A_153 = arith.constant 204 : i32
    %swap3A_154 = arith.index_cast %swap3A_153 : i32 to index
    %swap3A_155 = arith.constant 16 : index
    %swap3A_156 = tpu.vector_load %arg5[%swap3A_154, %swap3A_155] {strides = array<i32>} : memref<216x128xf32, #tpu.memory_space<vmem>>, vector<1x16xf32>,
    %swap3A_157 = vector.shape_cast %swap3A_156 : vector<1x16xf32> to vector<16xf32>
    %swap3A_158 = vector.shape_cast %broadcast_in_dim3A_3 : vector<16xf32> to vector<1x16xf32>
    tpu.vector_store %arg5[%swap3A_154, %swap3A_155], %swap3A_158 {strides = array<i32>} : memref<216x128xf32, #tpu.memory_space<vmem>>, vector<1x16xf32>,
    %swap3A_159 = arith.constant 204 : i32
    %swap3A_160 = arith.index_cast %swap3A_159 : i32 to index
    %swap3A_161 = arith.constant 32 : index
    %swap3A_162 = tpu.vector_load %arg5[%swap3A_160, %swap3A_161] {strides = array<i32>} : memref<216x128xf32, #tpu.memory_space<vmem>>, vector<1x16xf32>,
    %swap3A_163 = vector.shape_cast %swap3A_162 : vector<1x16xf32> to vector<16xf32>
    %swap3A_164 = vector.shape_cast %broadcast_in_dim3A_3 : vector<16xf32> to vector<1x16xf32>
    tpu.vector_store %arg5[%swap3A_160, %swap3A_161], %swap3A_164 {strides = array<i32>} : memref<216x128xf32, #tpu.memory_space<vmem>>, vector<1x16xf32>,
    %swap3A_165 = arith.constant 204 : i32
    %swap3A_166 = arith.index_cast %swap3A_165 : i32 to index
    %swap3A_167 = arith.constant 48 : index
    %swap3A_168 = tpu.vector_load %arg5[%swap3A_166, %swap3A_167] {strides = array<i32>} : memref<216x128xf32, #tpu.memory_space<vmem>>, vector<1x16xf32>,
    %swap3A_169 = vector.shape_cast %swap3A_168 : vector<1x16xf32> to vector<16xf32>
    %swap3A_170 = vector.shape_cast %broadcast_in_dim3A_3 : vector<16xf32> to vector<1x16xf32>
    tpu.vector_store %arg5[%swap3A_166, %swap3A_167], %swap3A_170 {strides = array<i32>} : memref<216x128xf32, #tpu.memory_space<vmem>>, vector<1x16xf32>,
    %swap3A_171 = arith.constant 204 : i32
    %swap3A_172 = arith.index_cast %swap3A_171 : i32 to index
    %swap3A_173 = arith.constant 64 : index
    %swap3A_174 = tpu.vector_load %arg5[%swap3A_172, %swap3A_173] {strides = array<i32>} : memref<216x128xf32, #tpu.memory_space<vmem>>, vector<1x16xf32>,
    %swap3A_175 = vector.shape_cast %swap3A_174 : vector<1x16xf32> to vector<16xf32>
    %swap3A_176 = vector.shape_cast %broadcast_in_dim3A_3 : vector<16xf32> to vector<1x16xf32>
    tpu.vector_store %arg5[%swap3A_172, %swap3A_173], %swap3A_176 {strides = array<i32>} : memref<216x128xf32, #tpu.memory_space<vmem>>, vector<1x16xf32>,
    %swap3A_177 = arith.constant 204 : i32
    %swap3A_178 = arith.index_cast %swap3A_177 : i32 to index
    %swap3A_179 = arith.constant 80 : index
    %swap3A_180 = tpu.vector_load %arg5[%swap3A_178, %swap3A_179] {strides = array<i32>} : memref<216x128xf32, #tpu.memory_space<vmem>>, vector<1x16xf32>,
    %swap3A_181 = vector.shape_cast %swap3A_180 : vector<1x16xf32> to vector<16xf32>
    %swap3A_182 = vector.shape_cast %broadcast_in_dim3A_3 : vector<16xf32> to vector<1x16xf32>
    tpu.vector_store %arg5[%swap3A_178, %swap3A_179], %swap3A_182 {strides = array<i32>} : memref<216x128xf32, #tpu.memory_space<vmem>>, vector<1x16xf32>,
    %swap3A_183 = arith.constant 204 : i32
    %swap3A_184 = arith.index_cast %swap3A_183 : i32 to index
    %swap3A_185 = arith.constant 96 : index
    %swap3A_186 = tpu.vector_load %arg5[%swap3A_184, %swap3A_185] {strides = array<i32>} : memref<216x128xf32, #tpu.memory_space<vmem>>, vector<1x16xf32>,
    %swap3A_187 = vector.shape_cast %swap3A_186 : vector<1x16xf32> to vector<16xf32>
    %swap3A_188 = vector.shape_cast %broadcast_in_dim3A_3 : vector<16xf32> to vector<1x16xf32>
    tpu.vector_store %arg5[%swap3A_184, %swap3A_185], %swap3A_188 {strides = array<i32>} : memref<216x128xf32, #tpu.memory_space<vmem>>, vector<1x16xf32>,
    %swap3A_189 = arith.constant 204 : i32
    %swap3A_190 = arith.index_cast %swap3A_189 : i32 to index
    %swap3A_191 = arith.constant 112 : index
    %swap3A_192 = tpu.vector_load %arg5[%swap3A_190, %swap3A_191] {strides = array<i32>} : memref<216x128xf32, #tpu.memory_space<vmem>>, vector<1x16xf32>,
    %swap3A_193 = vector.shape_cast %swap3A_192 : vector<1x16xf32> to vector<16xf32>
    %swap3A_194 = vector.shape_cast %broadcast_in_dim3A_3 : vector<16xf32> to vector<1x16xf32>
    tpu.vector_store %arg5[%swap3A_190, %swap3A_191], %swap3A_194 {strides = array<i32>} : memref<216x128xf32, #tpu.memory_space<vmem>>, vector<1x16xf32>,
    %swap3A_195 = arith.constant 205 : i32
    %swap3A_196 = arith.index_cast %swap3A_195 : i32 to index
    %swap3A_197 = arith.constant 0 : index
    %swap3A_198 = tpu.vector_load %arg5[%swap3A_196, %swap3A_197] {strides = array<i32>} : memref<216x128xf32, #tpu.memory_space<vmem>>, vector<1x16xf32>,
    %swap3A_199 = vector.shape_cast %swap3A_198 : vector<1x16xf32> to vector<16xf32>
    %swap3A_200 = vector.shape_cast %broadcast_in_dim3A_3 : vector<16xf32> to vector<1x16xf32>
    tpu.vector_store %arg5[%swap3A_196, %swap3A_197], %swap3A_200 {strides = array<i32>} : memref<216x128xf32, #tpu.memory_space<vmem>>, vector<1x16xf32>,
    %swap3A_201 = arith.constant 205 : i32
    %swap3A_202 = arith.index_cast %swap3A_201 : i32 to index
    %swap3A_203 = arith.constant 16 : index
    %swap3A_204 = tpu.vector_load %arg5[%swap3A_202, %swap3A_203] {strides = array<i32>} : memref<216x128xf32, #tpu.memory_space<vmem>>, vector<1x16xf32>,
    %swap3A_205 = vector.shape_cast %swap3A_204 : vector<1x16xf32> to vector<16xf32>
    %swap3A_206 = vector.shape_cast %broadcast_in_dim3A_3 : vector<16xf32> to vector<1x16xf32>
    tpu.vector_store %arg5[%swap3A_202, %swap3A_203], %swap3A_206 {strides = array<i32>} : memref<216x128xf32, #tpu.memory_space<vmem>>, vector<1x16xf32>,
    %swap3A_207 = arith.constant 205 : i32
    %swap3A_208 = arith.index_cast %swap3A_207 : i32 to index
    %swap3A_209 = arith.constant 32 : index
    %swap3A_210 = tpu.vector_load %arg5[%swap3A_208, %swap3A_209] {strides = array<i32>} : memref<216x128xf32, #tpu.memory_space<vmem>>, vector<1x16xf32>,
    %swap3A_211 = vector.shape_cast %swap3A_210 : vector<1x16xf32> to vector<16xf32>
    %swap3A_212 = vector.shape_cast %broadcast_in_dim3A_3 : vector<16xf32> to vector<1x16xf32>
    tpu.vector_store %arg5[%swap3A_208, %swap3A_209], %swap3A_212 {strides = array<i32>} : memref<216x128xf32, #tpu.memory_space<vmem>>, vector<1x16xf32>,
    %swap3A_213 = arith.constant 205 : i32
    %swap3A_214 = arith.index_cast %swap3A_213 : i32 to index
    %swap3A_215 = arith.constant 48 : index
    %swap3A_216 = tpu.vector_load %arg5[%swap3A_214, %swap3A_215] {strides = array<i32>} : memref<216x128xf32, #tpu.memory_space<vmem>>, vector<1x16xf32>,
    %swap3A_217 = vector.shape_cast %swap3A_216 : vector<1x16xf32> to vector<16xf32>
    %swap3A_218 = vector.shape_cast %broadcast_in_dim3A_3 : vector<16xf32> to vector<1x16xf32>
    tpu.vector_store %arg5[%swap3A_214, %swap3A_215], %swap3A_218 {strides = array<i32>} : memref<216x128xf32, #tpu.memory_space<vmem>>, vector<1x16xf32>,
    %swap3A_219 = arith.constant 205 : i32
    %swap3A_220 = arith.index_cast %swap3A_219 : i32 to index
    %swap3A_221 = arith.constant 64 : index
    %swap3A_222 = tpu.vector_load %arg5[%swap3A_220, %swap3A_221] {strides = array<i32>} : memref<216x128xf32, #tpu.memory_space<vmem>>, vector<1x16xf32>,
    %swap3A_223 = vector.shape_cast %swap3A_222 : vector<1x16xf32> to vector<16xf32>
    %swap3A_224 = vector.shape_cast %broadcast_in_dim3A_3 : vector<16xf32> to vector<1x16xf32>
    tpu.vector_store %arg5[%swap3A_220, %swap3A_221], %swap3A_224 {strides = array<i32>} : memref<216x128xf32, #tpu.memory_space<vmem>>, vector<1x16xf32>,
    %swap3A_225 = arith.constant 205 : i32
    %swap3A_226 = arith.index_cast %swap3A_225 : i32 to index
    %swap3A_227 = arith.constant 80 : index
    %swap3A_228 = tpu.vector_load %arg5[%swap3A_226, %swap3A_227] {strides = array<i32>} : memref<216x128xf32, #tpu.memory_space<vmem>>, vector<1x16xf32>,
    %swap3A_229 = vector.shape_cast %swap3A_228 : vector<1x16xf32> to vector<16xf32>
    %swap3A_230 = vector.shape_cast %broadcast_in_dim3A_3 : vector<16xf32> to vector<1x16xf32>
    tpu.vector_store %arg5[%swap3A_226, %swap3A_227], %swap3A_230 {strides = array<i32>} : memref<216x128xf32, #tpu.memory_space<vmem>>, vector<1x16xf32>,
    %swap3A_231 = arith.constant 205 : i32
    %swap3A_232 = arith.index_cast %swap3A_231 : i32 to index
    %swap3A_233 = arith.constant 96 : index
    %swap3A_234 = tpu.vector_load %arg5[%swap3A_232, %swap3A_233] {strides = array<i32>} : memref<216x128xf32, #tpu.memory_space<vmem>>, vector<1x16xf32>,
    %swap3A_235 = vector.shape_cast %swap3A_234 : vector<1x16xf32> to vector<16xf32>
    %swap3A_236 = vector.shape_cast %broadcast_in_dim3A_3 : vector<16xf32> to vector<1x16xf32>
    tpu.vector_store %arg5[%swap3A_232, %swap3A_233], %swap3A_236 {strides = array<i32>} : memref<216x128xf32, #tpu.memory_space<vmem>>, vector<1x16xf32>,
    %swap3A_237 = arith.constant 205 : i32
    %swap3A_238 = arith.index_cast %swap3A_237 : i32 to index
    %swap3A_239 = arith.constant 112 : index
    %swap3A_240 = tpu.vector_load %arg5[%swap3A_238, %swap3A_239] {strides = array<i32>} : memref<216x128xf32, #tpu.memory_space<vmem>>, vector<1x16xf32>,
    %swap3A_241 = vector.shape_cast %swap3A_240 : vector<1x16xf32> to vector<16xf32>
    %swap3A_242 = vector.shape_cast %broadcast_in_dim3A_3 : vector<16xf32> to vector<1x16xf32>
    tpu.vector_store %arg5[%swap3A_238, %swap3A_239], %swap3A_242 {strides = array<i32>} : memref<216x128xf32, #tpu.memory_space<vmem>>, vector<1x16xf32>,
    %swap3A_243 = arith.constant 206 : i32
    %swap3A_244 = arith.index_cast %swap3A_243 : i32 to index
    %swap3A_245 = arith.constant 0 : index
    %swap3A_246 = tpu.vector_load %arg5[%swap3A_244, %swap3A_245] {strides = array<i32>} : memref<216x128xf32, #tpu.memory_space<vmem>>, vector<1x16xf32>,
    %swap3A_247 = vector.shape_cast %swap3A_246 : vector<1x16xf32> to vector<16xf32>
    %swap3A_248 = vector.shape_cast %broadcast_in_dim3A_3 : vector<16xf32> to vector<1x16xf32>
    tpu.vector_store %arg5[%swap3A_244, %swap3A_245], %swap3A_248 {strides = array<i32>} : memref<216x128xf32, #tpu.memory_space<vmem>>, vector<1x16xf32>,
    %swap3A_249 = arith.constant 206 : i32
    %swap3A_250 = arith.index_cast %swap3A_249 : i32 to index
    %swap3A_251 = arith.constant 16 : index
    %swap3A_252 = tpu.vector_load %arg5[%swap3A_250, %swap3A_251] {strides = array<i32>} : memref<216x128xf32, #tpu.memory_space<vmem>>, vector<1x16xf32>,
    %swap3A_253 = vector.shape_cast %swap3A_252 : vector<1x16xf32> to vector<16xf32>
    %swap3A_254 = vector.shape_cast %broadcast_in_dim3A_3 : vector<16xf32> to vector<1x16xf32>
    tpu.vector_store %arg5[%swap3A_250, %swap3A_251], %swap3A_254 {strides = array<i32>} : memref<216x128xf32, #tpu.memory_space<vmem>>, vector<1x16xf32>,
    %swap3A_255 = arith.constant 206 : i32
    %swap3A_256 = arith.index_cast %swap3A_255 : i32 to index
    %swap3A_257 = arith.constant 32 : index
    %swap3A_258 = tpu.vector_load %arg5[%swap3A_256, %swap3A_257] {strides = array<i32>} : memref<216x128xf32, #tpu.memory_space<vmem>>, vector<1x16xf32>,
    %swap3A_259 = vector.shape_cast %swap3A_258 : vector<1x16xf32> to vector<16xf32>
    %swap3A_260 = vector.shape_cast %broadcast_in_dim3A_3 : vector<16xf32> to vector<1x16xf32>
    tpu.vector_store %arg5[%swap3A_256, %swap3A_257], %swap3A_260 {strides = array<i32>} : memref<216x128xf32, #tpu.memory_space<vmem>>, vector<1x16xf32>,
    %swap3A_261 = arith.constant 206 : i32
    %swap3A_262 = arith.index_cast %swap3A_261 : i32 to index
    %swap3A_263 = arith.constant 48 : index
    %swap3A_264 = tpu.vector_load %arg5[%swap3A_262, %swap3A_263] {strides = array<i32>} : memref<216x128xf32, #tpu.memory_space<vmem>>, vector<1x16xf32>,
    %swap3A_265 = vector.shape_cast %swap3A_264 : vector<1x16xf32> to vector<16xf32>
    %swap3A_266 = vector.shape_cast %broadcast_in_dim3A_3 : vector<16xf32> to vector<1x16xf32>
    tpu.vector_store %arg5[%swap3A_262, %swap3A_263], %swap3A_266 {strides = array<i32>} : memref<216x128xf32, #tpu.memory_space<vmem>>, vector<1x16xf32>,
    %swap3A_267 = arith.constant 206 : i32
    %swap3A_268 = arith.index_cast %swap3A_267 : i32 to index
    %swap3A_269 = arith.constant 64 : index
    %swap3A_270 = tpu.vector_load %arg5[%swap3A_268, %swap3A_269] {strides = array<i32>} : memref<216x128xf32, #tpu.memory_space<vmem>>, vector<1x16xf32>,
    %swap3A_271 = vector.shape_cast %swap3A_270 : vector<1x16xf32> to vector<16xf32>
    %swap3A_272 = vector.shape_cast %broadcast_in_dim3A_3 : vector<16xf32> to vector<1x16xf32>
    tpu.vector_store %arg5[%swap3A_268, %swap3A_269], %swap3A_272 {strides = array<i32>} : memref<216x128xf32, #tpu.memory_space<vmem>>, vector<1x16xf32>,
    %swap3A_273 = arith.constant 206 : i32
    %swap3A_274 = arith.index_cast %swap3A_273 : i32 to index
    %swap3A_275 = arith.constant 80 : index
    %swap3A_276 = tpu.vector_load %arg5[%swap3A_274, %swap3A_275] {strides = array<i32>} : memref<216x128xf32, #tpu.memory_space<vmem>>, vector<1x16xf32>,
    %swap3A_277 = vector.shape_cast %swap3A_276 : vector<1x16xf32> to vector<16xf32>
    %swap3A_278 = vector.shape_cast %broadcast_in_dim3A_3 : vector<16xf32> to vector<1x16xf32>
    tpu.vector_store %arg5[%swap3A_274, %swap3A_275], %swap3A_278 {strides = array<i32>} : memref<216x128xf32, #tpu.memory_space<vmem>>, vector<1x16xf32>,
    %swap3A_279 = arith.constant 206 : i32
    %swap3A_280 = arith.index_cast %swap3A_279 : i32 to index
    %swap3A_281 = arith.constant 96 : index
    %swap3A_282 = tpu.vector_load %arg5[%swap3A_280, %swap3A_281] {strides = array<i32>} : memref<216x128xf32, #tpu.memory_space<vmem>>, vector<1x16xf32>,
    %swap3A_283 = vector.shape_cast %swap3A_282 : vector<1x16xf32> to vector<16xf32>
    %swap3A_284 = vector.shape_cast %broadcast_in_dim3A_3 : vector<16xf32> to vector<1x16xf32>
    tpu.vector_store %arg5[%swap3A_280, %swap3A_281], %swap3A_284 {strides = array<i32>} : memref<216x128xf32, #tpu.memory_space<vmem>>, vector<1x16xf32>,
    %swap3A_285 = arith.constant 206 : i32
    %swap3A_286 = arith.index_cast %swap3A_285 : i32 to index
    %swap3A_287 = arith.constant 112 : index
    %swap3A_288 = tpu.vector_load %arg5[%swap3A_286, %swap3A_287] {strides = array<i32>} : memref<216x128xf32, #tpu.memory_space<vmem>>, vector<1x16xf32>,
    %swap3A_289 = vector.shape_cast %swap3A_288 : vector<1x16xf32> to vector<16xf32>
    %swap3A_290 = vector.shape_cast %broadcast_in_dim3A_3 : vector<16xf32> to vector<1x16xf32>
    tpu.vector_store %arg5[%swap3A_286, %swap3A_287], %swap3A_290 {strides = array<i32>} : memref<216x128xf32, #tpu.memory_space<vmem>>, vector<1x16xf32>,
    %swap3A_291 = arith.constant 207 : i32
    %swap3A_292 = arith.index_cast %swap3A_291 : i32 to index
    %swap3A_293 = arith.constant 0 : index
    %swap3A_294 = tpu.vector_load %arg5[%swap3A_292, %swap3A_293] {strides = array<i32>} : memref<216x128xf32, #tpu.memory_space<vmem>>, vector<1x16xf32>,
    %swap3A_295 = vector.shape_cast %swap3A_294 : vector<1x16xf32> to vector<16xf32>
    %swap3A_296 = vector.shape_cast %broadcast_in_dim3A_3 : vector<16xf32> to vector<1x16xf32>
    tpu.vector_store %arg5[%swap3A_292, %swap3A_293], %swap3A_296 {strides = array<i32>} : memref<216x128xf32, #tpu.memory_space<vmem>>, vector<1x16xf32>,
    %swap3A_297 = arith.constant 207 : i32
    %swap3A_298 = arith.index_cast %swap3A_297 : i32 to index
    %swap3A_299 = arith.constant 16 : index
    %swap3A_300 = tpu.vector_load %arg5[%swap3A_298, %swap3A_299] {strides = array<i32>} : memref<216x128xf32, #tpu.memory_space<vmem>>, vector<1x16xf32>,
    %swap3A_301 = vector.shape_cast %swap3A_300 : vector<1x16xf32> to vector<16xf32>
    %swap3A_302 = vector.shape_cast %broadcast_in_dim3A_3 : vector<16xf32> to vector<1x16xf32>
    tpu.vector_store %arg5[%swap3A_298, %swap3A_299], %swap3A_302 {strides = array<i32>} : memref<216x128xf32, #tpu.memory_space<vmem>>, vector<1x16xf32>,
    %swap3A_303 = arith.constant 207 : i32
    %swap3A_304 = arith.index_cast %swap3A_303 : i32 to index
    %swap3A_305 = arith.constant 32 : index
    %swap3A_306 = tpu.vector_load %arg5[%swap3A_304, %swap3A_305] {strides = array<i32>} : memref<216x128xf32, #tpu.memory_space<vmem>>, vector<1x16xf32>,
    %swap3A_307 = vector.shape_cast %swap3A_306 : vector<1x16xf32> to vector<16xf32>
    %swap3A_308 = vector.shape_cast %broadcast_in_dim3A_3 : vector<16xf32> to vector<1x16xf32>
    tpu.vector_store %arg5[%swap3A_304, %swap3A_305], %swap3A_308 {strides = array<i32>} : memref<216x128xf32, #tpu.memory_space<vmem>>, vector<1x16xf32>,
    %swap3A_309 = arith.constant 207 : i32
    %swap3A_310 = arith.index_cast %swap3A_309 : i32 to index
    %swap3A_311 = arith.constant 48 : index
    %swap3A_312 = tpu.vector_load %arg5[%swap3A_310, %swap3A_311] {strides = array<i32>} : memref<216x128xf32, #tpu.memory_space<vmem>>, vector<1x16xf32>,
    %swap3A_313 = vector.shape_cast %swap3A_312 : vector<1x16xf32> to vector<16xf32>
    %swap3A_314 = vector.shape_cast %broadcast_in_dim3A_3 : vector<16xf32> to vector<1x16xf32>
    tpu.vector_store %arg5[%swap3A_310, %swap3A_311], %swap3A_314 {strides = array<i32>} : memref<216x128xf32, #tpu.memory_space<vmem>>, vector<1x16xf32>,
    %swap3A_315 = arith.constant 207 : i32
    %swap3A_316 = arith.index_cast %swap3A_315 : i32 to index
    %swap3A_317 = arith.constant 64 : index
    %swap3A_318 = tpu.vector_load %arg5[%swap3A_316, %swap3A_317] {strides = array<i32>} : memref<216x128xf32, #tpu.memory_space<vmem>>, vector<1x16xf32>,
    %swap3A_319 = vector.shape_cast %swap3A_318 : vector<1x16xf32> to vector<16xf32>
    %swap3A_320 = vector.shape_cast %broadcast_in_dim3A_3 : vector<16xf32> to vector<1x16xf32>
    tpu.vector_store %arg5[%swap3A_316, %swap3A_317], %swap3A_320 {strides = array<i32>} : memref<216x128xf32, #tpu.memory_space<vmem>>, vector<1x16xf32>,
    %swap3A_321 = arith.constant 207 : i32
    %swap3A_322 = arith.index_cast %swap3A_321 : i32 to index
    %swap3A_323 = arith.constant 80 : index
    %swap3A_324 = tpu.vector_load %arg5[%swap3A_322, %swap3A_323] {strides = array<i32>} : memref<216x128xf32, #tpu.memory_space<vmem>>, vector<1x16xf32>,
    %swap3A_325 = vector.shape_cast %swap3A_324 : vector<1x16xf32> to vector<16xf32>
    %swap3A_326 = vector.shape_cast %broadcast_in_dim3A_3 : vector<16xf32> to vector<1x16xf32>
    tpu.vector_store %arg5[%swap3A_322, %swap3A_323], %swap3A_326 {strides = array<i32>} : memref<216x128xf32, #tpu.memory_space<vmem>>, vector<1x16xf32>,
    %swap3A_327 = arith.constant 207 : i32
    %swap3A_328 = arith.index_cast %swap3A_327 : i32 to index
    %swap3A_329 = arith.constant 96 : index
    %swap3A_330 = tpu.vector_load %arg5[%swap3A_328, %swap3A_329] {strides = array<i32>} : memref<216x128xf32, #tpu.memory_space<vmem>>, vector<1x16xf32>,
    %swap3A_331 = vector.shape_cast %swap3A_330 : vector<1x16xf32> to vector<16xf32>
    %swap3A_332 = vector.shape_cast %broadcast_in_dim3A_3 : vector<16xf32> to vector<1x16xf32>
    tpu.vector_store %arg5[%swap3A_328, %swap3A_329], %swap3A_332 {strides = array<i32>} : memref<216x128xf32, #tpu.memory_space<vmem>>, vector<1x16xf32>,
    %swap3A_333 = arith.constant 207 : i32
    %swap3A_334 = arith.index_cast %swap3A_333 : i32 to index
    %swap3A_335 = arith.constant 112 : index
    %swap3A_336 = tpu.vector_load %arg5[%swap3A_334, %swap3A_335] {strides = array<i32>} : memref<216x128xf32, #tpu.memory_space<vmem>>, vector<1x16xf32>,
    %swap3A_337 = vector.shape_cast %swap3A_336 : vector<1x16xf32> to vector<16xf32>
    %swap3A_338 = vector.shape_cast %broadcast_in_dim3A_3 : vector<16xf32> to vector<1x16xf32>
    tpu.vector_store %arg5[%swap3A_334, %swap3A_335], %swap3A_338 {strides = array<i32>} : memref<216x128xf32, #tpu.memory_space<vmem>>, vector<1x16xf32>,
    %swap3A_339 = arith.constant 208 : i32
    %swap3A_340 = arith.index_cast %swap3A_339 : i32 to index
    %swap3A_341 = arith.constant 0 : index
    %swap3A_342 = tpu.vector_load %arg5[%swap3A_340, %swap3A_341] {strides = array<i32>} : memref<216x128xf32, #tpu.memory_space<vmem>>, vector<1x16xf32>,
    %swap3A_343 = vector.shape_cast %swap3A_342 : vector<1x16xf32> to vector<16xf32>
    %swap3A_344 = vector.shape_cast %broadcast_in_dim3A_3 : vector<16xf32> to vector<1x16xf32>
    tpu.vector_store %arg5[%swap3A_340, %swap3A_341], %swap3A_344 {strides = array<i32>} : memref<216x128xf32, #tpu.memory_space<vmem>>, vector<1x16xf32>,
    %swap3A_345 = arith.constant 208 : i32
    %swap3A_346 = arith.index_cast %swap3A_345 : i32 to index
    %swap3A_347 = arith.constant 16 : index
    %swap3A_348 = tpu.vector_load %arg5[%swap3A_346, %swap3A_347] {strides = array<i32>} : memref<216x128xf32, #tpu.memory_space<vmem>>, vector<1x16xf32>,
    %swap3A_349 = vector.shape_cast %swap3A_348 : vector<1x16xf32> to vector<16xf32>
    %swap3A_350 = vector.shape_cast %broadcast_in_dim3A_3 : vector<16xf32> to vector<1x16xf32>
    tpu.vector_store %arg5[%swap3A_346, %swap3A_347], %swap3A_350 {strides = array<i32>} : memref<216x128xf32, #tpu.memory_space<vmem>>, vector<1x16xf32>,
    %swap3A_351 = arith.constant 208 : i32
    %swap3A_352 = arith.index_cast %swap3A_351 : i32 to index
    %swap3A_353 = arith.constant 32 : index
    %swap3A_354 = tpu.vector_load %arg5[%swap3A_352, %swap3A_353] {strides = array<i32>} : memref<216x128xf32, #tpu.memory_space<vmem>>, vector<1x16xf32>,
    %swap3A_355 = vector.shape_cast %swap3A_354 : vector<1x16xf32> to vector<16xf32>
    %swap3A_356 = vector.shape_cast %broadcast_in_dim3A_3 : vector<16xf32> to vector<1x16xf32>
    tpu.vector_store %arg5[%swap3A_352, %swap3A_353], %swap3A_356 {strides = array<i32>} : memref<216x128xf32, #tpu.memory_space<vmem>>, vector<1x16xf32>,
    %swap3A_357 = arith.constant 208 : i32
    %swap3A_358 = arith.index_cast %swap3A_357 : i32 to index
    %swap3A_359 = arith.constant 48 : index
    %swap3A_360 = tpu.vector_load %arg5[%swap3A_358, %swap3A_359] {strides = array<i32>} : memref<216x128xf32, #tpu.memory_space<vmem>>, vector<1x16xf32>,
    %swap3A_361 = vector.shape_cast %swap3A_360 : vector<1x16xf32> to vector<16xf32>
    %swap3A_362 = vector.shape_cast %broadcast_in_dim3A_3 : vector<16xf32> to vector<1x16xf32>
    tpu.vector_store %arg5[%swap3A_358, %swap3A_359], %swap3A_362 {strides = array<i32>} : memref<216x128xf32, #tpu.memory_space<vmem>>, vector<1x16xf32>,
    %swap3A_363 = arith.constant 208 : i32
    %swap3A_364 = arith.index_cast %swap3A_363 : i32 to index
    %swap3A_365 = arith.constant 64 : index
    %swap3A_366 = tpu.vector_load %arg5[%swap3A_364, %swap3A_365] {strides = array<i32>} : memref<216x128xf32, #tpu.memory_space<vmem>>, vector<1x16xf32>,
    %swap3A_367 = vector.shape_cast %swap3A_366 : vector<1x16xf32> to vector<16xf32>
    %swap3A_368 = vector.shape_cast %broadcast_in_dim3A_3 : vector<16xf32> to vector<1x16xf32>
    tpu.vector_store %arg5[%swap3A_364, %swap3A_365], %swap3A_368 {strides = array<i32>} : memref<216x128xf32, #tpu.memory_space<vmem>>, vector<1x16xf32>,
    %swap3A_369 = arith.constant 208 : i32
    %swap3A_370 = arith.index_cast %swap3A_369 : i32 to index
    %swap3A_371 = arith.constant 80 : index
    %swap3A_372 = tpu.vector_load %arg5[%swap3A_370, %swap3A_371] {strides = array<i32>} : memref<216x128xf32, #tpu.memory_space<vmem>>, vector<1x16xf32>,
    %swap3A_373 = vector.shape_cast %swap3A_372 : vector<1x16xf32> to vector<16xf32>
    %swap3A_374 = vector.shape_cast %broadcast_in_dim3A_3 : vector<16xf32> to vector<1x16xf32>
    tpu.vector_store %arg5[%swap3A_370, %swap3A_371], %swap3A_374 {strides = array<i32>} : memref<216x128xf32, #tpu.memory_space<vmem>>, vector<1x16xf32>,
    %swap3A_375 = arith.constant 208 : i32
    %swap3A_376 = arith.index_cast %swap3A_375 : i32 to index
    %swap3A_377 = arith.constant 96 : index
    %swap3A_378 = tpu.vector_load %arg5[%swap3A_376, %swap3A_377] {strides = array<i32>} : memref<216x128xf32, #tpu.memory_space<vmem>>, vector<1x16xf32>,
    %swap3A_379 = vector.shape_cast %swap3A_378 : vector<1x16xf32> to vector<16xf32>
    %swap3A_380 = vector.shape_cast %broadcast_in_dim3A_3 : vector<16xf32> to vector<1x16xf32>
    tpu.vector_store %arg5[%swap3A_376, %swap3A_377], %swap3A_380 {strides = array<i32>} : memref<216x128xf32, #tpu.memory_space<vmem>>, vector<1x16xf32>,
    %swap3A_381 = arith.constant 208 : i32
    %swap3A_382 = arith.index_cast %swap3A_381 : i32 to index
    %swap3A_383 = arith.constant 112 : index
    %swap3A_384 = tpu.vector_load %arg5[%swap3A_382, %swap3A_383] {strides = array<i32>} : memref<216x128xf32, #tpu.memory_space<vmem>>, vector<1x16xf32>,
    %swap3A_385 = vector.shape_cast %swap3A_384 : vector<1x16xf32> to vector<16xf32>
    %swap3A_386 = vector.shape_cast %broadcast_in_dim3A_3 : vector<16xf32> to vector<1x16xf32>
    tpu.vector_store %arg5[%swap3A_382, %swap3A_383], %swap3A_386 {strides = array<i32>} : memref<216x128xf32, #tpu.memory_space<vmem>>, vector<1x16xf32>,
    %swap3A_387 = arith.constant 209 : i32
    %swap3A_388 = arith.index_cast %swap3A_387 : i32 to index
    %swap3A_389 = arith.constant 0 : index
    %swap3A_390 = tpu.vector_load %arg5[%swap3A_388, %swap3A_389] {strides = array<i32>} : memref<216x128xf32, #tpu.memory_space<vmem>>, vector<1x16xf32>,
    %swap3A_391 = vector.shape_cast %swap3A_390 : vector<1x16xf32> to vector<16xf32>
    %swap3A_392 = vector.shape_cast %broadcast_in_dim3A_3 : vector<16xf32> to vector<1x16xf32>
    tpu.vector_store %arg5[%swap3A_388, %swap3A_389], %swap3A_392 {strides = array<i32>} : memref<216x128xf32, #tpu.memory_space<vmem>>, vector<1x16xf32>,
    %swap3A_393 = arith.constant 209 : i32
    %swap3A_394 = arith.index_cast %swap3A_393 : i32 to index
    %swap3A_395 = arith.constant 16 : index
    %swap3A_396 = tpu.vector_load %arg5[%swap3A_394, %swap3A_395] {strides = array<i32>} : memref<216x128xf32, #tpu.memory_space<vmem>>, vector<1x16xf32>,
    %swap3A_397 = vector.shape_cast %swap3A_396 : vector<1x16xf32> to vector<16xf32>
    %swap3A_398 = vector.shape_cast %broadcast_in_dim3A_3 : vector<16xf32> to vector<1x16xf32>
    tpu.vector_store %arg5[%swap3A_394, %swap3A_395], %swap3A_398 {strides = array<i32>} : memref<216x128xf32, #tpu.memory_space<vmem>>, vector<1x16xf32>,
    %swap3A_399 = arith.constant 209 : i32
    %swap3A_400 = arith.index_cast %swap3A_399 : i32 to index
    %swap3A_401 = arith.constant 32 : index
    %swap3A_402 = tpu.vector_load %arg5[%swap3A_400, %swap3A_401] {strides = array<i32>} : memref<216x128xf32, #tpu.memory_space<vmem>>, vector<1x16xf32>,
    %swap3A_403 = vector.shape_cast %swap3A_402 : vector<1x16xf32> to vector<16xf32>
    %swap3A_404 = vector.shape_cast %broadcast_in_dim3A_3 : vector<16xf32> to vector<1x16xf32>
    tpu.vector_store %arg5[%swap3A_400, %swap3A_401], %swap3A_404 {strides = array<i32>} : memref<216x128xf32, #tpu.memory_space<vmem>>, vector<1x16xf32>,
    %swap3A_405 = arith.constant 209 : i32
    %swap3A_406 = arith.index_cast %swap3A_405 : i32 to index
    %swap3A_407 = arith.constant 48 : index
    %swap3A_408 = tpu.vector_load %arg5[%swap3A_406, %swap3A_407] {strides = array<i32>} : memref<216x128xf32, #tpu.memory_space<vmem>>, vector<1x16xf32>,
    %swap3A_409 = vector.shape_cast %swap3A_408 : vector<1x16xf32> to vector<16xf32>
    %swap3A_410 = vector.shape_cast %broadcast_in_dim3A_3 : vector<16xf32> to vector<1x16xf32>
    tpu.vector_store %arg5[%swap3A_406, %swap3A_407], %swap3A_410 {strides = array<i32>} : memref<216x128xf32, #tpu.memory_space<vmem>>, vector<1x16xf32>,
    %swap3A_411 = arith.constant 209 : i32
    %swap3A_412 = arith.index_cast %swap3A_411 : i32 to index
    %swap3A_413 = arith.constant 64 : index
    %swap3A_414 = tpu.vector_load %arg5[%swap3A_412, %swap3A_413] {strides = array<i32>} : memref<216x128xf32, #tpu.memory_space<vmem>>, vector<1x16xf32>,
    %swap3A_415 = vector.shape_cast %swap3A_414 : vector<1x16xf32> to vector<16xf32>
    %swap3A_416 = vector.shape_cast %broadcast_in_dim3A_3 : vector<16xf32> to vector<1x16xf32>
    tpu.vector_store %arg5[%swap3A_412, %swap3A_413], %swap3A_416 {strides = array<i32>} : memref<216x128xf32, #tpu.memory_space<vmem>>, vector<1x16xf32>,
    %swap3A_417 = arith.constant 209 : i32
    %swap3A_418 = arith.index_cast %swap3A_417 : i32 to index
    %swap3A_419 = arith.constant 80 : index
    %swap3A_420 = tpu.vector_load %arg5[%swap3A_418, %swap3A_419] {strides = array<i32>} : memref<216x128xf32, #tpu.memory_space<vmem>>, vector<1x16xf32>,
    %swap3A_421 = vector.shape_cast %swap3A_420 : vector<1x16xf32> to vector<16xf32>
    %swap3A_422 = vector.shape_cast %broadcast_in_dim3A_3 : vector<16xf32> to vector<1x16xf32>
    tpu.vector_store %arg5[%swap3A_418, %swap3A_419], %swap3A_422 {strides = array<i32>} : memref<216x128xf32, #tpu.memory_space<vmem>>, vector<1x16xf32>,
    %swap3A_423 = arith.constant 209 : i32
    %swap3A_424 = arith.index_cast %swap3A_423 : i32 to index
    %swap3A_425 = arith.constant 96 : index
    %swap3A_426 = tpu.vector_load %arg5[%swap3A_424, %swap3A_425] {strides = array<i32>} : memref<216x128xf32, #tpu.memory_space<vmem>>, vector<1x16xf32>,
    %swap3A_427 = vector.shape_cast %swap3A_426 : vector<1x16xf32> to vector<16xf32>
    %swap3A_428 = vector.shape_cast %broadcast_in_dim3A_3 : vector<16xf32> to vector<1x16xf32>
    tpu.vector_store %arg5[%swap3A_424, %swap3A_425], %swap3A_428 {strides = array<i32>} : memref<216x128xf32, #tpu.memory_space<vmem>>, vector<1x16xf32>,
    %swap3A_429 = arith.constant 209 : i32
    %swap3A_430 = arith.index_cast %swap3A_429 : i32 to index
    %swap3A_431 = arith.constant 112 : index
    %swap3A_432 = tpu.vector_load %arg5[%swap3A_430, %swap3A_431] {strides = array<i32>} : memref<216x128xf32, #tpu.memory_space<vmem>>, vector<1x16xf32>,
    %swap3A_433 = vector.shape_cast %swap3A_432 : vector<1x16xf32> to vector<16xf32>
    %swap3A_434 = vector.shape_cast %broadcast_in_dim3A_3 : vector<16xf32> to vector<1x16xf32>
    tpu.vector_store %arg5[%swap3A_430, %swap3A_431], %swap3A_434 {strides = array<i32>} : memref<216x128xf32, #tpu.memory_space<vmem>>, vector<1x16xf32>,
    %swap3A_435 = arith.constant 210 : i32
    %swap3A_436 = arith.index_cast %swap3A_435 : i32 to index
    %swap3A_437 = arith.constant 0 : index
    %swap3A_438 = tpu.vector_load %arg5[%swap3A_436, %swap3A_437] {strides = array<i32>} : memref<216x128xf32, #tpu.memory_space<vmem>>, vector<1x16xf32>,
    %swap3A_439 = vector.shape_cast %swap3A_438 : vector<1x16xf32> to vector<16xf32>
    %swap3A_440 = vector.shape_cast %broadcast_in_dim3A_3 : vector<16xf32> to vector<1x16xf32>
    tpu.vector_store %arg5[%swap3A_436, %swap3A_437], %swap3A_440 {strides = array<i32>} : memref<216x128xf32, #tpu.memory_space<vmem>>, vector<1x16xf32>,
    %swap3A_441 = arith.constant 210 : i32
    %swap3A_442 = arith.index_cast %swap3A_441 : i32 to index
    %swap3A_443 = arith.constant 16 : index
    %swap3A_444 = tpu.vector_load %arg5[%swap3A_442, %swap3A_443] {strides = array<i32>} : memref<216x128xf32, #tpu.memory_space<vmem>>, vector<1x16xf32>,
    %swap3A_445 = vector.shape_cast %swap3A_444 : vector<1x16xf32> to vector<16xf32>
    %swap3A_446 = vector.shape_cast %broadcast_in_dim3A_3 : vector<16xf32> to vector<1x16xf32>
    tpu.vector_store %arg5[%swap3A_442, %swap3A_443], %swap3A_446 {strides = array<i32>} : memref<216x128xf32, #tpu.memory_space<vmem>>, vector<1x16xf32>,
    %swap3A_447 = arith.constant 210 : i32
    %swap3A_448 = arith.index_cast %swap3A_447 : i32 to index
    %swap3A_449 = arith.constant 32 : index
    %swap3A_450 = tpu.vector_load %arg5[%swap3A_448, %swap3A_449] {strides = array<i32>} : memref<216x128xf32, #tpu.memory_space<vmem>>, vector<1x16xf32>,
    %swap3A_451 = vector.shape_cast %swap3A_450 : vector<1x16xf32> to vector<16xf32>
    %swap3A_452 = vector.shape_cast %broadcast_in_dim3A_3 : vector<16xf32> to vector<1x16xf32>
    tpu.vector_store %arg5[%swap3A_448, %swap3A_449], %swap3A_452 {strides = array<i32>} : memref<216x128xf32, #tpu.memory_space<vmem>>, vector<1x16xf32>,
    %swap3A_453 = arith.constant 210 : i32
    %swap3A_454 = arith.index_cast %swap3A_453 : i32 to index
    %swap3A_455 = arith.constant 48 : index
    %swap3A_456 = tpu.vector_load %arg5[%swap3A_454, %swap3A_455] {strides = array<i32>} : memref<216x128xf32, #tpu.memory_space<vmem>>, vector<1x16xf32>,
    %swap3A_457 = vector.shape_cast %swap3A_456 : vector<1x16xf32> to vector<16xf32>
    %swap3A_458 = vector.shape_cast %broadcast_in_dim3A_3 : vector<16xf32> to vector<1x16xf32>
    tpu.vector_store %arg5[%swap3A_454, %swap3A_455], %swap3A_458 {strides = array<i32>} : memref<216x128xf32, #tpu.memory_space<vmem>>, vector<1x16xf32>,
    %swap3A_459 = arith.constant 210 : i32
    %swap3A_460 = arith.index_cast %swap3A_459 : i32 to index
    %swap3A_461 = arith.constant 64 : index
    %swap3A_462 = tpu.vector_load %arg5[%swap3A_460, %swap3A_461] {strides = array<i32>} : memref<216x128xf32, #tpu.memory_space<vmem>>, vector<1x16xf32>,
    %swap3A_463 = vector.shape_cast %swap3A_462 : vector<1x16xf32> to vector<16xf32>
    %swap3A_464 = vector.shape_cast %broadcast_in_dim3A_3 : vector<16xf32> to vector<1x16xf32>
    tpu.vector_store %arg5[%swap3A_460, %swap3A_461], %swap3A_464 {strides = array<i32>} : memref<216x128xf32, #tpu.memory_space<vmem>>, vector<1x16xf32>,
    %swap3A_465 = arith.constant 210 : i32
    %swap3A_466 = arith.index_cast %swap3A_465 : i32 to index
    %swap3A_467 = arith.constant 80 : index
    %swap3A_468 = tpu.vector_load %arg5[%swap3A_466, %swap3A_467] {strides = array<i32>} : memref<216x128xf32, #tpu.memory_space<vmem>>, vector<1x16xf32>,
    %swap3A_469 = vector.shape_cast %swap3A_468 : vector<1x16xf32> to vector<16xf32>
    %swap3A_470 = vector.shape_cast %broadcast_in_dim3A_3 : vector<16xf32> to vector<1x16xf32>
    tpu.vector_store %arg5[%swap3A_466, %swap3A_467], %swap3A_470 {strides = array<i32>} : memref<216x128xf32, #tpu.memory_space<vmem>>, vector<1x16xf32>,
    %swap3A_471 = arith.constant 210 : i32
    %swap3A_472 = arith.index_cast %swap3A_471 : i32 to index
    %swap3A_473 = arith.constant 96 : index
    %swap3A_474 = tpu.vector_load %arg5[%swap3A_472, %swap3A_473] {strides = array<i32>} : memref<216x128xf32, #tpu.memory_space<vmem>>, vector<1x16xf32>,
    %swap3A_475 = vector.shape_cast %swap3A_474 : vector<1x16xf32> to vector<16xf32>
    %swap3A_476 = vector.shape_cast %broadcast_in_dim3A_3 : vector<16xf32> to vector<1x16xf32>
    tpu.vector_store %arg5[%swap3A_472, %swap3A_473], %swap3A_476 {strides = array<i32>} : memref<216x128xf32, #tpu.memory_space<vmem>>, vector<1x16xf32>,
    %swap3A_477 = arith.constant 210 : i32
    %swap3A_478 = arith.index_cast %swap3A_477 : i32 to index
    %swap3A_479 = arith.constant 112 : index
    %swap3A_480 = tpu.vector_load %arg5[%swap3A_478, %swap3A_479] {strides = array<i32>} : memref<216x128xf32, #tpu.memory_space<vmem>>, vector<1x16xf32>,
    %swap3A_481 = vector.shape_cast %swap3A_480 : vector<1x16xf32> to vector<16xf32>
    %swap3A_482 = vector.shape_cast %broadcast_in_dim3A_3 : vector<16xf32> to vector<1x16xf32>
    tpu.vector_store %arg5[%swap3A_478, %swap3A_479], %swap3A_482 {strides = array<i32>} : memref<216x128xf32, #tpu.memory_space<vmem>>, vector<1x16xf32>,
    %swap3A_483 = arith.constant 211 : i32
    %swap3A_484 = arith.index_cast %swap3A_483 : i32 to index
    %swap3A_485 = arith.constant 0 : index
    %swap3A_486 = tpu.vector_load %arg5[%swap3A_484, %swap3A_485] {strides = array<i32>} : memref<216x128xf32, #tpu.memory_space<vmem>>, vector<1x16xf32>,
    %swap3A_487 = vector.shape_cast %swap3A_486 : vector<1x16xf32> to vector<16xf32>
    %swap3A_488 = vector.shape_cast %broadcast_in_dim3A_3 : vector<16xf32> to vector<1x16xf32>
    tpu.vector_store %arg5[%swap3A_484, %swap3A_485], %swap3A_488 {strides = array<i32>} : memref<216x128xf32, #tpu.memory_space<vmem>>, vector<1x16xf32>,
    %swap3A_489 = arith.constant 211 : i32
    %swap3A_490 = arith.index_cast %swap3A_489 : i32 to index
    %swap3A_491 = arith.constant 16 : index
    %swap3A_492 = tpu.vector_load %arg5[%swap3A_490, %swap3A_491] {strides = array<i32>} : memref<216x128xf32, #tpu.memory_space<vmem>>, vector<1x16xf32>,
    %swap3A_493 = vector.shape_cast %swap3A_492 : vector<1x16xf32> to vector<16xf32>
    %swap3A_494 = vector.shape_cast %broadcast_in_dim3A_3 : vector<16xf32> to vector<1x16xf32>
    tpu.vector_store %arg5[%swap3A_490, %swap3A_491], %swap3A_494 {strides = array<i32>} : memref<216x128xf32, #tpu.memory_space<vmem>>, vector<1x16xf32>,
    %swap3A_495 = arith.constant 211 : i32
    %swap3A_496 = arith.index_cast %swap3A_495 : i32 to index
    %swap3A_497 = arith.constant 32 : index
    %swap3A_498 = tpu.vector_load %arg5[%swap3A_496, %swap3A_497] {strides = array<i32>} : memref<216x128xf32, #tpu.memory_space<vmem>>, vector<1x16xf32>,
    %swap3A_499 = vector.shape_cast %swap3A_498 : vector<1x16xf32> to vector<16xf32>
    %swap3A_500 = vector.shape_cast %broadcast_in_dim3A_3 : vector<16xf32> to vector<1x16xf32>
    tpu.vector_store %arg5[%swap3A_496, %swap3A_497], %swap3A_500 {strides = array<i32>} : memref<216x128xf32, #tpu.memory_space<vmem>>, vector<1x16xf32>,
    %swap3A_501 = arith.constant 211 : i32
    %swap3A_502 = arith.index_cast %swap3A_501 : i32 to index
    %swap3A_503 = arith.constant 48 : index
    %swap3A_504 = tpu.vector_load %arg5[%swap3A_502, %swap3A_503] {strides = array<i32>} : memref<216x128xf32, #tpu.memory_space<vmem>>, vector<1x16xf32>,
    %swap3A_505 = vector.shape_cast %swap3A_504 : vector<1x16xf32> to vector<16xf32>
    %swap3A_506 = vector.shape_cast %broadcast_in_dim3A_3 : vector<16xf32> to vector<1x16xf32>
    tpu.vector_store %arg5[%swap3A_502, %swap3A_503], %swap3A_506 {strides = array<i32>} : memref<216x128xf32, #tpu.memory_space<vmem>>, vector<1x16xf32>,
    %swap3A_507 = arith.constant 211 : i32
    %swap3A_508 = arith.index_cast %swap3A_507 : i32 to index
    %swap3A_509 = arith.constant 64 : index
    %swap3A_510 = tpu.vector_load %arg5[%swap3A_508, %swap3A_509] {strides = array<i32>} : memref<216x128xf32, #tpu.memory_space<vmem>>, vector<1x16xf32>,
    %swap3A_511 = vector.shape_cast %swap3A_510 : vector<1x16xf32> to vector<16xf32>
    %swap3A_512 = vector.shape_cast %broadcast_in_dim3A_3 : vector<16xf32> to vector<1x16xf32>
    tpu.vector_store %arg5[%swap3A_508, %swap3A_509], %swap3A_512 {strides = array<i32>} : memref<216x128xf32, #tpu.memory_space<vmem>>, vector<1x16xf32>,
    %swap3A_513 = arith.constant 211 : i32
    %swap3A_514 = arith.index_cast %swap3A_513 : i32 to index
    %swap3A_515 = arith.constant 80 : index
    %swap3A_516 = tpu.vector_load %arg5[%swap3A_514, %swap3A_515] {strides = array<i32>} : memref<216x128xf32, #tpu.memory_space<vmem>>, vector<1x16xf32>,
    %swap3A_517 = vector.shape_cast %swap3A_516 : vector<1x16xf32> to vector<16xf32>
    %swap3A_518 = vector.shape_cast %broadcast_in_dim3A_3 : vector<16xf32> to vector<1x16xf32>
    tpu.vector_store %arg5[%swap3A_514, %swap3A_515], %swap3A_518 {strides = array<i32>} : memref<216x128xf32, #tpu.memory_space<vmem>>, vector<1x16xf32>,
    %swap3A_519 = arith.constant 211 : i32
    %swap3A_520 = arith.index_cast %swap3A_519 : i32 to index
    %swap3A_521 = arith.constant 96 : index
    %swap3A_522 = tpu.vector_load %arg5[%swap3A_520, %swap3A_521] {strides = array<i32>} : memref<216x128xf32, #tpu.memory_space<vmem>>, vector<1x16xf32>,
    %swap3A_523 = vector.shape_cast %swap3A_522 : vector<1x16xf32> to vector<16xf32>
    %swap3A_524 = vector.shape_cast %broadcast_in_dim3A_3 : vector<16xf32> to vector<1x16xf32>
    tpu.vector_store %arg5[%swap3A_520, %swap3A_521], %swap3A_524 {strides = array<i32>} : memref<216x128xf32, #tpu.memory_space<vmem>>, vector<1x16xf32>,
    %swap3A_525 = arith.constant 211 : i32
    %swap3A_526 = arith.index_cast %swap3A_525 : i32 to index
    %swap3A_527 = arith.constant 112 : index
    %swap3A_528 = tpu.vector_load %arg5[%swap3A_526, %swap3A_527] {strides = array<i32>} : memref<216x128xf32, #tpu.memory_space<vmem>>, vector<1x16xf32>,
    %swap3A_529 = vector.shape_cast %swap3A_528 : vector<1x16xf32> to vector<16xf32>
    %swap3A_530 = vector.shape_cast %broadcast_in_dim3A_3 : vector<16xf32> to vector<1x16xf32>
    tpu.vector_store %arg5[%swap3A_526, %swap3A_527], %swap3A_530 {strides = array<i32>} : memref<216x128xf32, #tpu.memory_space<vmem>>, vector<1x16xf32>,
    %swap3A_531 = arith.constant 212 : i32
    %swap3A_532 = arith.index_cast %swap3A_531 : i32 to index
    %swap3A_533 = arith.constant 0 : index
    %swap3A_534 = tpu.vector_load %arg5[%swap3A_532, %swap3A_533] {strides = array<i32>} : memref<216x128xf32, #tpu.memory_space<vmem>>, vector<1x16xf32>,
    %swap3A_535 = vector.shape_cast %swap3A_534 : vector<1x16xf32> to vector<16xf32>
    %swap3A_536 = vector.shape_cast %broadcast_in_dim3A_3 : vector<16xf32> to vector<1x16xf32>
    tpu.vector_store %arg5[%swap3A_532, %swap3A_533], %swap3A_536 {strides = array<i32>} : memref<216x128xf32, #tpu.memory_space<vmem>>, vector<1x16xf32>,
    %swap3A_537 = arith.constant 212 : i32
    %swap3A_538 = arith.index_cast %swap3A_537 : i32 to index
    %swap3A_539 = arith.constant 16 : index
    %swap3A_540 = tpu.vector_load %arg5[%swap3A_538, %swap3A_539] {strides = array<i32>} : memref<216x128xf32, #tpu.memory_space<vmem>>, vector<1x16xf32>,
    %swap3A_541 = vector.shape_cast %swap3A_540 : vector<1x16xf32> to vector<16xf32>
    %swap3A_542 = vector.shape_cast %broadcast_in_dim3A_3 : vector<16xf32> to vector<1x16xf32>
    tpu.vector_store %arg5[%swap3A_538, %swap3A_539], %swap3A_542 {strides = array<i32>} : memref<216x128xf32, #tpu.memory_space<vmem>>, vector<1x16xf32>,
    %swap3A_543 = arith.constant 212 : i32
    %swap3A_544 = arith.index_cast %swap3A_543 : i32 to index
    %swap3A_545 = arith.constant 32 : index
    %swap3A_546 = tpu.vector_load %arg5[%swap3A_544, %swap3A_545] {strides = array<i32>} : memref<216x128xf32, #tpu.memory_space<vmem>>, vector<1x16xf32>,
    %swap3A_547 = vector.shape_cast %swap3A_546 : vector<1x16xf32> to vector<16xf32>
    %swap3A_548 = vector.shape_cast %broadcast_in_dim3A_3 : vector<16xf32> to vector<1x16xf32>
    tpu.vector_store %arg5[%swap3A_544, %swap3A_545], %swap3A_548 {strides = array<i32>} : memref<216x128xf32, #tpu.memory_space<vmem>>, vector<1x16xf32>,
    %swap3A_549 = arith.constant 212 : i32
    %swap3A_550 = arith.index_cast %swap3A_549 : i32 to index
    %swap3A_551 = arith.constant 48 : index
    %swap3A_552 = tpu.vector_load %arg5[%swap3A_550, %swap3A_551] {strides = array<i32>} : memref<216x128xf32, #tpu.memory_space<vmem>>, vector<1x16xf32>,
    %swap3A_553 = vector.shape_cast %swap3A_552 : vector<1x16xf32> to vector<16xf32>
    %swap3A_554 = vector.shape_cast %broadcast_in_dim3A_3 : vector<16xf32> to vector<1x16xf32>
    tpu.vector_store %arg5[%swap3A_550, %swap3A_551], %swap3A_554 {strides = array<i32>} : memref<216x128xf32, #tpu.memory_space<vmem>>, vector<1x16xf32>,
    %swap3A_555 = arith.constant 212 : i32
    %swap3A_556 = arith.index_cast %swap3A_555 : i32 to index
    %swap3A_557 = arith.constant 64 : index
    %swap3A_558 = tpu.vector_load %arg5[%swap3A_556, %swap3A_557] {strides = array<i32>} : memref<216x128xf32, #tpu.memory_space<vmem>>, vector<1x16xf32>,
    %swap3A_559 = vector.shape_cast %swap3A_558 : vector<1x16xf32> to vector<16xf32>
    %swap3A_560 = vector.shape_cast %broadcast_in_dim3A_3 : vector<16xf32> to vector<1x16xf32>
    tpu.vector_store %arg5[%swap3A_556, %swap3A_557], %swap3A_560 {strides = array<i32>} : memref<216x128xf32, #tpu.memory_space<vmem>>, vector<1x16xf32>,
    %swap3A_561 = arith.constant 212 : i32
    %swap3A_562 = arith.index_cast %swap3A_561 : i32 to index
    %swap3A_563 = arith.constant 80 : index
    %swap3A_564 = tpu.vector_load %arg5[%swap3A_562, %swap3A_563] {strides = array<i32>} : memref<216x128xf32, #tpu.memory_space<vmem>>, vector<1x16xf32>,
    %swap3A_565 = vector.shape_cast %swap3A_564 : vector<1x16xf32> to vector<16xf32>
    %swap3A_566 = vector.shape_cast %broadcast_in_dim3A_3 : vector<16xf32> to vector<1x16xf32>
    tpu.vector_store %arg5[%swap3A_562, %swap3A_563], %swap3A_566 {strides = array<i32>} : memref<216x128xf32, #tpu.memory_space<vmem>>, vector<1x16xf32>,
    %swap3A_567 = arith.constant 212 : i32
    %swap3A_568 = arith.index_cast %swap3A_567 : i32 to index
    %swap3A_569 = arith.constant 96 : index
    %swap3A_570 = tpu.vector_load %arg5[%swap3A_568, %swap3A_569] {strides = array<i32>} : memref<216x128xf32, #tpu.memory_space<vmem>>, vector<1x16xf32>,
    %swap3A_571 = vector.shape_cast %swap3A_570 : vector<1x16xf32> to vector<16xf32>
    %swap3A_572 = vector.shape_cast %broadcast_in_dim3A_3 : vector<16xf32> to vector<1x16xf32>
    tpu.vector_store %arg5[%swap3A_568, %swap3A_569], %swap3A_572 {strides = array<i32>} : memref<216x128xf32, #tpu.memory_space<vmem>>, vector<1x16xf32>,
    %swap3A_573 = arith.constant 212 : i32
    %swap3A_574 = arith.index_cast %swap3A_573 : i32 to index
    %swap3A_575 = arith.constant 112 : index
    %swap3A_576 = tpu.vector_load %arg5[%swap3A_574, %swap3A_575] {strides = array<i32>} : memref<216x128xf32, #tpu.memory_space<vmem>>, vector<1x16xf32>,
    %swap3A_577 = vector.shape_cast %swap3A_576 : vector<1x16xf32> to vector<16xf32>
    %swap3A_578 = vector.shape_cast %broadcast_in_dim3A_3 : vector<16xf32> to vector<1x16xf32>
    tpu.vector_store %arg5[%swap3A_574, %swap3A_575], %swap3A_578 {strides = array<i32>} : memref<216x128xf32, #tpu.memory_space<vmem>>, vector<1x16xf32>,
    %swap3A_579 = arith.constant 213 : i32
    %swap3A_580 = arith.index_cast %swap3A_579 : i32 to index
    %swap3A_581 = arith.constant 0 : index
    %swap3A_582 = tpu.vector_load %arg5[%swap3A_580, %swap3A_581] {strides = array<i32>} : memref<216x128xf32, #tpu.memory_space<vmem>>, vector<1x16xf32>,
    %swap3A_583 = vector.shape_cast %swap3A_582 : vector<1x16xf32> to vector<16xf32>
    %swap3A_584 = vector.shape_cast %broadcast_in_dim3A_3 : vector<16xf32> to vector<1x16xf32>
    tpu.vector_store %arg5[%swap3A_580, %swap3A_581], %swap3A_584 {strides = array<i32>} : memref<216x128xf32, #tpu.memory_space<vmem>>, vector<1x16xf32>,
    %swap3A_585 = arith.constant 213 : i32
    %swap3A_586 = arith.index_cast %swap3A_585 : i32 to index
    %swap3A_587 = arith.constant 16 : index
    %swap3A_588 = tpu.vector_load %arg5[%swap3A_586, %swap3A_587] {strides = array<i32>} : memref<216x128xf32, #tpu.memory_space<vmem>>, vector<1x16xf32>,
    %swap3A_589 = vector.shape_cast %swap3A_588 : vector<1x16xf32> to vector<16xf32>
    %swap3A_590 = vector.shape_cast %broadcast_in_dim3A_3 : vector<16xf32> to vector<1x16xf32>
    tpu.vector_store %arg5[%swap3A_586, %swap3A_587], %swap3A_590 {strides = array<i32>} : memref<216x128xf32, #tpu.memory_space<vmem>>, vector<1x16xf32>,
    %swap3A_591 = arith.constant 213 : i32
    %swap3A_592 = arith.index_cast %swap3A_591 : i32 to index
    %swap3A_593 = arith.constant 32 : index
    %swap3A_594 = tpu.vector_load %arg5[%swap3A_592, %swap3A_593] {strides = array<i32>} : memref<216x128xf32, #tpu.memory_space<vmem>>, vector<1x16xf32>,
    %swap3A_595 = vector.shape_cast %swap3A_594 : vector<1x16xf32> to vector<16xf32>
    %swap3A_596 = vector.shape_cast %broadcast_in_dim3A_3 : vector<16xf32> to vector<1x16xf32>
    tpu.vector_store %arg5[%swap3A_592, %swap3A_593], %swap3A_596 {strides = array<i32>} : memref<216x128xf32, #tpu.memory_space<vmem>>, vector<1x16xf32>,
    %swap3A_597 = arith.constant 213 : i32
    %swap3A_598 = arith.index_cast %swap3A_597 : i32 to index
    %swap3A_599 = arith.constant 48 : index
    %swap3A_600 = tpu.vector_load %arg5[%swap3A_598, %swap3A_599] {strides = array<i32>} : memref<216x128xf32, #tpu.memory_space<vmem>>, vector<1x16xf32>,
    %swap3A_601 = vector.shape_cast %swap3A_600 : vector<1x16xf32> to vector<16xf32>
    %swap3A_602 = vector.shape_cast %broadcast_in_dim3A_3 : vector<16xf32> to vector<1x16xf32>
    tpu.vector_store %arg5[%swap3A_598, %swap3A_599], %swap3A_602 {strides = array<i32>} : memref<216x128xf32, #tpu.memory_space<vmem>>, vector<1x16xf32>,
    %swap3A_603 = arith.constant 213 : i32
    %swap3A_604 = arith.index_cast %swap3A_603 : i32 to index
    %swap3A_605 = arith.constant 64 : index
    %swap3A_606 = tpu.vector_load %arg5[%swap3A_604, %swap3A_605] {strides = array<i32>} : memref<216x128xf32, #tpu.memory_space<vmem>>, vector<1x16xf32>,
    %swap3A_607 = vector.shape_cast %swap3A_606 : vector<1x16xf32> to vector<16xf32>
    %swap3A_608 = vector.shape_cast %broadcast_in_dim3A_3 : vector<16xf32> to vector<1x16xf32>
    tpu.vector_store %arg5[%swap3A_604, %swap3A_605], %swap3A_608 {strides = array<i32>} : memref<216x128xf32, #tpu.memory_space<vmem>>, vector<1x16xf32>,
    %swap3A_609 = arith.constant 213 : i32
    %swap3A_610 = arith.index_cast %swap3A_609 : i32 to index
    %swap3A_611 = arith.constant 80 : index
    %swap3A_612 = tpu.vector_load %arg5[%swap3A_610, %swap3A_611] {strides = array<i32>} : memref<216x128xf32, #tpu.memory_space<vmem>>, vector<1x16xf32>,
    %swap3A_613 = vector.shape_cast %swap3A_612 : vector<1x16xf32> to vector<16xf32>
    %swap3A_614 = vector.shape_cast %broadcast_in_dim3A_3 : vector<16xf32> to vector<1x16xf32>
    tpu.vector_store %arg5[%swap3A_610, %swap3A_611], %swap3A_614 {strides = array<i32>} : memref<216x128xf32, #tpu.memory_space<vmem>>, vector<1x16xf32>,
    %swap3A_615 = arith.constant 213 : i32
    %swap3A_616 = arith.index_cast %swap3A_615 : i32 to index
    %swap3A_617 = arith.constant 96 : index
    %swap3A_618 = tpu.vector_load %arg5[%swap3A_616, %swap3A_617] {strides = array<i32>} : memref<216x128xf32, #tpu.memory_space<vmem>>, vector<1x16xf32>,
    %swap3A_619 = vector.shape_cast %swap3A_618 : vector<1x16xf32> to vector<16xf32>
    %swap3A_620 = vector.shape_cast %broadcast_in_dim3A_3 : vector<16xf32> to vector<1x16xf32>
    tpu.vector_store %arg5[%swap3A_616, %swap3A_617], %swap3A_620 {strides = array<i32>} : memref<216x128xf32, #tpu.memory_space<vmem>>, vector<1x16xf32>,
    %swap3A_621 = arith.constant 213 : i32
    %swap3A_622 = arith.index_cast %swap3A_621 : i32 to index
    %swap3A_623 = arith.constant 112 : index
    %swap3A_624 = tpu.vector_load %arg5[%swap3A_622, %swap3A_623] {strides = array<i32>} : memref<216x128xf32, #tpu.memory_space<vmem>>, vector<1x16xf32>,
    %swap3A_625 = vector.shape_cast %swap3A_624 : vector<1x16xf32> to vector<16xf32>
    %swap3A_626 = vector.shape_cast %broadcast_in_dim3A_3 : vector<16xf32> to vector<1x16xf32>
    tpu.vector_store %arg5[%swap3A_622, %swap3A_623], %swap3A_626 {strides = array<i32>} : memref<216x128xf32, #tpu.memory_space<vmem>>, vector<1x16xf32>,
    %swap3A_627 = arith.constant 214 : i32
    %swap3A_628 = arith.index_cast %swap3A_627 : i32 to index
    %swap3A_629 = arith.constant 0 : index
    %swap3A_630 = tpu.vector_load %arg5[%swap3A_628, %swap3A_629] {strides = array<i32>} : memref<216x128xf32, #tpu.memory_space<vmem>>, vector<1x16xf32>,
    %swap3A_631 = vector.shape_cast %swap3A_630 : vector<1x16xf32> to vector<16xf32>
    %swap3A_632 = vector.shape_cast %broadcast_in_dim3A_3 : vector<16xf32> to vector<1x16xf32>
    tpu.vector_store %arg5[%swap3A_628, %swap3A_629], %swap3A_632 {strides = array<i32>} : memref<216x128xf32, #tpu.memory_space<vmem>>, vector<1x16xf32>,
    %swap3A_633 = arith.constant 214 : i32
    %swap3A_634 = arith.index_cast %swap3A_633 : i32 to index
    %swap3A_635 = arith.constant 16 : index
    %swap3A_636 = tpu.vector_load %arg5[%swap3A_634, %swap3A_635] {strides = array<i32>} : memref<216x128xf32, #tpu.memory_space<vmem>>, vector<1x16xf32>,
    %swap3A_637 = vector.shape_cast %swap3A_636 : vector<1x16xf32> to vector<16xf32>
    %swap3A_638 = vector.shape_cast %broadcast_in_dim3A_3 : vector<16xf32> to vector<1x16xf32>
    tpu.vector_store %arg5[%swap3A_634, %swap3A_635], %swap3A_638 {strides = array<i32>} : memref<216x128xf32, #tpu.memory_space<vmem>>, vector<1x16xf32>,
    %swap3A_639 = arith.constant 214 : i32
    %swap3A_640 = arith.index_cast %swap3A_639 : i32 to index
    %swap3A_641 = arith.constant 32 : index
    %swap3A_642 = tpu.vector_load %arg5[%swap3A_640, %swap3A_641] {strides = array<i32>} : memref<216x128xf32, #tpu.memory_space<vmem>>, vector<1x16xf32>,
    %swap3A_643 = vector.shape_cast %swap3A_642 : vector<1x16xf32> to vector<16xf32>
    %swap3A_644 = vector.shape_cast %broadcast_in_dim3A_3 : vector<16xf32> to vector<1x16xf32>
    tpu.vector_store %arg5[%swap3A_640, %swap3A_641], %swap3A_644 {strides = array<i32>} : memref<216x128xf32, #tpu.memory_space<vmem>>, vector<1x16xf32>,
    %swap3A_645 = arith.constant 214 : i32
    %swap3A_646 = arith.index_cast %swap3A_645 : i32 to index
    %swap3A_647 = arith.constant 48 : index
    %swap3A_648 = tpu.vector_load %arg5[%swap3A_646, %swap3A_647] {strides = array<i32>} : memref<216x128xf32, #tpu.memory_space<vmem>>, vector<1x16xf32>,
    %swap3A_649 = vector.shape_cast %swap3A_648 : vector<1x16xf32> to vector<16xf32>
    %swap3A_650 = vector.shape_cast %broadcast_in_dim3A_3 : vector<16xf32> to vector<1x16xf32>
    tpu.vector_store %arg5[%swap3A_646, %swap3A_647], %swap3A_650 {strides = array<i32>} : memref<216x128xf32, #tpu.memory_space<vmem>>, vector<1x16xf32>,
    %swap3A_651 = arith.constant 214 : i32
    %swap3A_652 = arith.index_cast %swap3A_651 : i32 to index
    %swap3A_653 = arith.constant 64 : index
    %swap3A_654 = tpu.vector_load %arg5[%swap3A_652, %swap3A_653] {strides = array<i32>} : memref<216x128xf32, #tpu.memory_space<vmem>>, vector<1x16xf32>,
    %swap3A_655 = vector.shape_cast %swap3A_654 : vector<1x16xf32> to vector<16xf32>
    %swap3A_656 = vector.shape_cast %broadcast_in_dim3A_3 : vector<16xf32> to vector<1x16xf32>
    tpu.vector_store %arg5[%swap3A_652, %swap3A_653], %swap3A_656 {strides = array<i32>} : memref<216x128xf32, #tpu.memory_space<vmem>>, vector<1x16xf32>,
    %swap3A_657 = arith.constant 214 : i32
    %swap3A_658 = arith.index_cast %swap3A_657 : i32 to index
    %swap3A_659 = arith.constant 80 : index
    %swap3A_660 = tpu.vector_load %arg5[%swap3A_658, %swap3A_659] {strides = array<i32>} : memref<216x128xf32, #tpu.memory_space<vmem>>, vector<1x16xf32>,
    %swap3A_661 = vector.shape_cast %swap3A_660 : vector<1x16xf32> to vector<16xf32>
    %swap3A_662 = vector.shape_cast %broadcast_in_dim3A_3 : vector<16xf32> to vector<1x16xf32>
    tpu.vector_store %arg5[%swap3A_658, %swap3A_659], %swap3A_662 {strides = array<i32>} : memref<216x128xf32, #tpu.memory_space<vmem>>, vector<1x16xf32>,
    %swap3A_663 = arith.constant 214 : i32
    %swap3A_664 = arith.index_cast %swap3A_663 : i32 to index
    %swap3A_665 = arith.constant 96 : index
    %swap3A_666 = tpu.vector_load %arg5[%swap3A_664, %swap3A_665] {strides = array<i32>} : memref<216x128xf32, #tpu.memory_space<vmem>>, vector<1x16xf32>,
    %swap3A_667 = vector.shape_cast %swap3A_666 : vector<1x16xf32> to vector<16xf32>
    %swap3A_668 = vector.shape_cast %broadcast_in_dim3A_3 : vector<16xf32> to vector<1x16xf32>
    tpu.vector_store %arg5[%swap3A_664, %swap3A_665], %swap3A_668 {strides = array<i32>} : memref<216x128xf32, #tpu.memory_space<vmem>>, vector<1x16xf32>,
    %swap3A_669 = arith.constant 214 : i32
    %swap3A_670 = arith.index_cast %swap3A_669 : i32 to index
    %swap3A_671 = arith.constant 112 : index
    %swap3A_672 = tpu.vector_load %arg5[%swap3A_670, %swap3A_671] {strides = array<i32>} : memref<216x128xf32, #tpu.memory_space<vmem>>, vector<1x16xf32>,
    %swap3A_673 = vector.shape_cast %swap3A_672 : vector<1x16xf32> to vector<16xf32>
    %swap3A_674 = vector.shape_cast %broadcast_in_dim3A_3 : vector<16xf32> to vector<1x16xf32>
    tpu.vector_store %arg5[%swap3A_670, %swap3A_671], %swap3A_674 {strides = array<i32>} : memref<216x128xf32, #tpu.memory_space<vmem>>, vector<1x16xf32>,
    %swap3A_675 = arith.constant 215 : i32
    %swap3A_676 = arith.index_cast %swap3A_675 : i32 to index
    %swap3A_677 = arith.constant 0 : index
    %swap3A_678 = tpu.vector_load %arg5[%swap3A_676, %swap3A_677] {strides = array<i32>} : memref<216x128xf32, #tpu.memory_space<vmem>>, vector<1x16xf32>,
    %swap3A_679 = vector.shape_cast %swap3A_678 : vector<1x16xf32> to vector<16xf32>
    %swap3A_680 = vector.shape_cast %broadcast_in_dim3A_3 : vector<16xf32> to vector<1x16xf32>
    tpu.vector_store %arg5[%swap3A_676, %swap3A_677], %swap3A_680 {strides = array<i32>} : memref<216x128xf32, #tpu.memory_space<vmem>>, vector<1x16xf32>,
    %swap3A_681 = arith.constant 215 : i32
    %swap3A_682 = arith.index_cast %swap3A_681 : i32 to index
    %swap3A_683 = arith.constant 16 : index
    %swap3A_684 = tpu.vector_load %arg5[%swap3A_682, %swap3A_683] {strides = array<i32>} : memref<216x128xf32, #tpu.memory_space<vmem>>, vector<1x16xf32>,
    %swap3A_685 = vector.shape_cast %swap3A_684 : vector<1x16xf32> to vector<16xf32>
    %swap3A_686 = vector.shape_cast %broadcast_in_dim3A_3 : vector<16xf32> to vector<1x16xf32>
    tpu.vector_store %arg5[%swap3A_682, %swap3A_683], %swap3A_686 {strides = array<i32>} : memref<216x128xf32, #tpu.memory_space<vmem>>, vector<1x16xf32>,
    %swap3A_687 = arith.constant 215 : i32
    %swap3A_688 = arith.index_cast %swap3A_687 : i32 to index
    %swap3A_689 = arith.constant 32 : index
    %swap3A_690 = tpu.vector_load %arg5[%swap3A_688, %swap3A_689] {strides = array<i32>} : memref<216x128xf32, #tpu.memory_space<vmem>>, vector<1x16xf32>,
    %swap3A_691 = vector.shape_cast %swap3A_690 : vector<1x16xf32> to vector<16xf32>
    %swap3A_692 = vector.shape_cast %broadcast_in_dim3A_3 : vector<16xf32> to vector<1x16xf32>
    tpu.vector_store %arg5[%swap3A_688, %swap3A_689], %swap3A_692 {strides = array<i32>} : memref<216x128xf32, #tpu.memory_space<vmem>>, vector<1x16xf32>,
    %swap3A_693 = arith.constant 215 : i32
    %swap3A_694 = arith.index_cast %swap3A_693 : i32 to index
    %swap3A_695 = arith.constant 48 : index
    %swap3A_696 = tpu.vector_load %arg5[%swap3A_694, %swap3A_695] {strides = array<i32>} : memref<216x128xf32, #tpu.memory_space<vmem>>, vector<1x16xf32>,
    %swap3A_697 = vector.shape_cast %swap3A_696 : vector<1x16xf32> to vector<16xf32>
    %swap3A_698 = vector.shape_cast %broadcast_in_dim3A_3 : vector<16xf32> to vector<1x16xf32>
    tpu.vector_store %arg5[%swap3A_694, %swap3A_695], %swap3A_698 {strides = array<i32>} : memref<216x128xf32, #tpu.memory_space<vmem>>, vector<1x16xf32>,
    %swap3A_699 = arith.constant 215 : i32
    %swap3A_700 = arith.index_cast %swap3A_699 : i32 to index
    %swap3A_701 = arith.constant 64 : index
    %swap3A_702 = tpu.vector_load %arg5[%swap3A_700, %swap3A_701] {strides = array<i32>} : memref<216x128xf32, #tpu.memory_space<vmem>>, vector<1x16xf32>,
    %swap3A_703 = vector.shape_cast %swap3A_702 : vector<1x16xf32> to vector<16xf32>
    %swap3A_704 = vector.shape_cast %broadcast_in_dim3A_3 : vector<16xf32> to vector<1x16xf32>
    tpu.vector_store %arg5[%swap3A_700, %swap3A_701], %swap3A_704 {strides = array<i32>} : memref<216x128xf32, #tpu.memory_space<vmem>>, vector<1x16xf32>,
    %swap3A_705 = arith.constant 215 : i32
    %swap3A_706 = arith.index_cast %swap3A_705 : i32 to index
    %swap3A_707 = arith.constant 80 : index
    %swap3A_708 = tpu.vector_load %arg5[%swap3A_706, %swap3A_707] {strides = array<i32>} : memref<216x128xf32, #tpu.memory_space<vmem>>, vector<1x16xf32>,
    %swap3A_709 = vector.shape_cast %swap3A_708 : vector<1x16xf32> to vector<16xf32>
    %swap3A_710 = vector.shape_cast %broadcast_in_dim3A_3 : vector<16xf32> to vector<1x16xf32>
    tpu.vector_store %arg5[%swap3A_706, %swap3A_707], %swap3A_710 {strides = array<i32>} : memref<216x128xf32, #tpu.memory_space<vmem>>, vector<1x16xf32>,
    %swap3A_711 = arith.constant 215 : i32
    %swap3A_712 = arith.index_cast %swap3A_711 : i32 to index
    %swap3A_713 = arith.constant 96 : index
    %swap3A_714 = tpu.vector_load %arg5[%swap3A_712, %swap3A_713] {strides = array<i32>} : memref<216x128xf32, #tpu.memory_space<vmem>>, vector<1x16xf32>,
    %swap3A_715 = vector.shape_cast %swap3A_714 : vector<1x16xf32> to vector<16xf32>
    %swap3A_716 = vector.shape_cast %broadcast_in_dim3A_3 : vector<16xf32> to vector<1x16xf32>
    tpu.vector_store %arg5[%swap3A_712, %swap3A_713], %swap3A_716 {strides = array<i32>} : memref<216x128xf32, #tpu.memory_space<vmem>>, vector<1x16xf32>,
    %swap3A_717 = arith.constant 215 : i32
    %swap3A_718 = arith.index_cast %swap3A_717 : i32 to index
    %swap3A_719 = arith.constant 112 : index
    %swap3A_720 = tpu.vector_load %arg5[%swap3A_718, %swap3A_719] {strides = array<i32>} : memref<216x128xf32, #tpu.memory_space<vmem>>, vector<1x16xf32>,
    %swap3A_721 = vector.shape_cast %swap3A_720 : vector<1x16xf32> to vector<16xf32>
    %swap3A_722 = vector.shape_cast %broadcast_in_dim3A_3 : vector<16xf32> to vector<1x16xf32>
    tpu.vector_store %arg5[%swap3A_718, %swap3A_719], %swap3A_722 {strides = array<i32>} : memref<216x128xf32, #tpu.memory_space<vmem>>, vector<1x16xf32>,
    %iota3A = tpu.iota {dimensions = array<i32: 0>} : vector<16xi32>
    %add3A_723 = arith.constant 0 : i32
    %add3A_724 = vector.broadcast %add3A_723 : i32 to vector<16xi32>
    %add3A_725 = arith.addi %iota3A, %add3A_724 : vector<16xi32>
    %swap3A_726 = arith.constant 0 : index
    %swap3A_727 = tpu.vector_load %arg6[%swap3A_726] {strides = array<i32>} : memref<128xi32, #tpu.memory_space<vmem>>, vector<16xi32>,
    %swap3A_728 = vector.shape_cast %swap3A_727 : vector<16xi32> to vector<16xi32>
    %swap3A_729 = vector.shape_cast %add3A_725 : vector<16xi32> to vector<16xi32>
    tpu.vector_store %arg6[%swap3A_726], %swap3A_729 {strides = array<i32>} : memref<128xi32, #tpu.memory_space<vmem>>, vector<16xi32>,
    %iota3A_730 = tpu.iota {dimensions = array<i32: 0>} : vector<16xi32>
    %add3A_731 = arith.constant 16 : i32
    %add3A_732 = vector.broadcast %add3A_731 : i32 to vector<16xi32>
    %add3A_733 = arith.addi %iota3A_730, %add3A_732 : vector<16xi32>
    %swap3A_734 = arith.constant 16 : index
    %swap3A_735 = tpu.vector_load %arg6[%swap3A_734] {strides = array<i32>} : memref<128xi32, #tpu.memory_space<vmem>>, vector<16xi32>,
    %swap3A_736 = vector.shape_cast %swap3A_735 : vector<16xi32> to vector<16xi32>
    %swap3A_737 = vector.shape_cast %add3A_733 : vector<16xi32> to vector<16xi32>
    tpu.vector_store %arg6[%swap3A_734], %swap3A_737 {strides = array<i32>} : memref<128xi32, #tpu.memory_space<vmem>>, vector<16xi32>,
    %iota3A_738 = tpu.iota {dimensions = array<i32: 0>} : vector<16xi32>
    %add3A_739 = arith.constant 32 : i32
    %add3A_740 = vector.broadcast %add3A_739 : i32 to vector<16xi32>
    %add3A_741 = arith.addi %iota3A_738, %add3A_740 : vector<16xi32>
    %swap3A_742 = arith.constant 32 : index
    %swap3A_743 = tpu.vector_load %arg6[%swap3A_742] {strides = array<i32>} : memref<128xi32, #tpu.memory_space<vmem>>, vector<16xi32>,
    %swap3A_744 = vector.shape_cast %swap3A_743 : vector<16xi32> to vector<16xi32>
    %swap3A_745 = vector.shape_cast %add3A_741 : vector<16xi32> to vector<16xi32>
    tpu.vector_store %arg6[%swap3A_742], %swap3A_745 {strides = array<i32>} : memref<128xi32, #tpu.memory_space<vmem>>, vector<16xi32>,
    %iota3A_746 = tpu.iota {dimensions = array<i32: 0>} : vector<16xi32>
    %add3A_747 = arith.constant 48 : i32
    %add3A_748 = vector.broadcast %add3A_747 : i32 to vector<16xi32>
    %add3A_749 = arith.addi %iota3A_746, %add3A_748 : vector<16xi32>
    %swap3A_750 = arith.constant 48 : index
    %swap3A_751 = tpu.vector_load %arg6[%swap3A_750] {strides = array<i32>} : memref<128xi32, #tpu.memory_space<vmem>>, vector<16xi32>,
    %swap3A_752 = vector.shape_cast %swap3A_751 : vector<16xi32> to vector<16xi32>
    %swap3A_753 = vector.shape_cast %add3A_749 : vector<16xi32> to vector<16xi32>
    tpu.vector_store %arg6[%swap3A_750], %swap3A_753 {strides = array<i32>} : memref<128xi32, #tpu.memory_space<vmem>>, vector<16xi32>,
    %iota3A_754 = tpu.iota {dimensions = array<i32: 0>} : vector<16xi32>
    %add3A_755 = arith.constant 64 : i32
    %add3A_756 = vector.broadcast %add3A_755 : i32 to vector<16xi32>
    %add3A_757 = arith.addi %iota3A_754, %add3A_756 : vector<16xi32>
    %swap3A_758 = arith.constant 64 : index
    %swap3A_759 = tpu.vector_load %arg6[%swap3A_758] {strides = array<i32>} : memref<128xi32, #tpu.memory_space<vmem>>, vector<16xi32>,
    %swap3A_760 = vector.shape_cast %swap3A_759 : vector<16xi32> to vector<16xi32>
    %swap3A_761 = vector.shape_cast %add3A_757 : vector<16xi32> to vector<16xi32>
    tpu.vector_store %arg6[%swap3A_758], %swap3A_761 {strides = array<i32>} : memref<128xi32, #tpu.memory_space<vmem>>, vector<16xi32>,
    %iota3A_762 = tpu.iota {dimensions = array<i32: 0>} : vector<16xi32>
    %add3A_763 = arith.constant 80 : i32
    %add3A_764 = vector.broadcast %add3A_763 : i32 to vector<16xi32>
    %add3A_765 = arith.addi %iota3A_762, %add3A_764 : vector<16xi32>
    %swap3A_766 = arith.constant 80 : index
    %swap3A_767 = tpu.vector_load %arg6[%swap3A_766] {strides = array<i32>} : memref<128xi32, #tpu.memory_space<vmem>>, vector<16xi32>,
    %swap3A_768 = vector.shape_cast %swap3A_767 : vector<16xi32> to vector<16xi32>
    %swap3A_769 = vector.shape_cast %add3A_765 : vector<16xi32> to vector<16xi32>
    tpu.vector_store %arg6[%swap3A_766], %swap3A_769 {strides = array<i32>} : memref<128xi32, #tpu.memory_space<vmem>>, vector<16xi32>,
    %iota3A_770 = tpu.iota {dimensions = array<i32: 0>} : vector<16xi32>
    %add3A_771 = arith.constant 96 : i32
    %add3A_772 = vector.broadcast %add3A_771 : i32 to vector<16xi32>
    %add3A_773 = arith.addi %iota3A_770, %add3A_772 : vector<16xi32>
    %swap3A_774 = arith.constant 96 : index
    %swap3A_775 = tpu.vector_load %arg6[%swap3A_774] {strides = array<i32>} : memref<128xi32, #tpu.memory_space<vmem>>, vector<16xi32>,
    %swap3A_776 = vector.shape_cast %swap3A_775 : vector<16xi32> to vector<16xi32>
    %swap3A_777 = vector.shape_cast %add3A_773 : vector<16xi32> to vector<16xi32>
    tpu.vector_store %arg6[%swap3A_774], %swap3A_777 {strides = array<i32>} : memref<128xi32, #tpu.memory_space<vmem>>, vector<16xi32>,
    %iota3A_778 = tpu.iota {dimensions = array<i32: 0>} : vector<16xi32>
    %add3A_779 = arith.constant 112 : i32
    %add3A_780 = vector.broadcast %add3A_779 : i32 to vector<16xi32>
    %add3A_781 = arith.addi %iota3A_778, %add3A_780 : vector<16xi32>
    %swap3A_782 = arith.constant 112 : index
    %swap3A_783 = tpu.vector_load %arg6[%swap3A_782] {strides = array<i32>} : memref<128xi32, #tpu.memory_space<vmem>>, vector<16xi32>,
    %swap3A_784 = vector.shape_cast %swap3A_783 : vector<16xi32> to vector<16xi32>
    %swap3A_785 = vector.shape_cast %add3A_781 : vector<16xi32> to vector<16xi32>
    tpu.vector_store %arg6[%swap3A_782], %swap3A_785 {strides = array<i32>} : memref<128xi32, #tpu.memory_space<vmem>>, vector<16xi32>,
    %iota3A_786 = tpu.iota {dimensions = array<i32: 0>} : vector<16xi32>
    %add3A_787 = arith.constant 128 : i32
    %add3A_788 = vector.broadcast %add3A_787 : i32 to vector<16xi32>
    %add3A_789 = arith.addi %iota3A_786, %add3A_788 : vector<16xi32>
    %add3A_790 = arith.constant 0 : i32
    %add3A_791 = vector.broadcast %add3A_790 : i32 to vector<16xi32>
    %add3A_792 = arith.addi %add3A_789, %add3A_791 : vector<16xi32>
    %swap3A_793 = arith.constant 0 : index
    %swap3A_794 = tpu.vector_load %arg7[%swap3A_793] {strides = array<i32>} : memref<80xi32, #tpu.memory_space<vmem>>, vector<16xi32>,
    %swap3A_795 = vector.shape_cast %swap3A_794 : vector<16xi32> to vector<16xi32>
    %swap3A_796 = vector.shape_cast %add3A_792 : vector<16xi32> to vector<16xi32>
    tpu.vector_store %arg7[%swap3A_793], %swap3A_796 {strides = array<i32>} : memref<80xi32, #tpu.memory_space<vmem>>, vector<16xi32>,
    %iota3A_797 = tpu.iota {dimensions = array<i32: 0>} : vector<16xi32>
    %add3A_798 = arith.constant 128 : i32
    %add3A_799 = vector.broadcast %add3A_798 : i32 to vector<16xi32>
    %add3A_800 = arith.addi %iota3A_797, %add3A_799 : vector<16xi32>
    %add3A_801 = arith.constant 16 : i32
    %add3A_802 = vector.broadcast %add3A_801 : i32 to vector<16xi32>
    %add3A_803 = arith.addi %add3A_800, %add3A_802 : vector<16xi32>
    %swap3A_804 = arith.constant 16 : index
    %swap3A_805 = tpu.vector_load %arg7[%swap3A_804] {strides = array<i32>} : memref<80xi32, #tpu.memory_space<vmem>>, vector<16xi32>,
    %swap3A_806 = vector.shape_cast %swap3A_805 : vector<16xi32> to vector<16xi32>
    %swap3A_807 = vector.shape_cast %add3A_803 : vector<16xi32> to vector<16xi32>
    tpu.vector_store %arg7[%swap3A_804], %swap3A_807 {strides = array<i32>} : memref<80xi32, #tpu.memory_space<vmem>>, vector<16xi32>,
    %iota3A_808 = tpu.iota {dimensions = array<i32: 0>} : vector<16xi32>
    %add3A_809 = arith.constant 128 : i32
    %add3A_810 = vector.broadcast %add3A_809 : i32 to vector<16xi32>
    %add3A_811 = arith.addi %iota3A_808, %add3A_810 : vector<16xi32>
    %add3A_812 = arith.constant 32 : i32
    %add3A_813 = vector.broadcast %add3A_812 : i32 to vector<16xi32>
    %add3A_814 = arith.addi %add3A_811, %add3A_813 : vector<16xi32>
    %swap3A_815 = arith.constant 32 : index
    %swap3A_816 = tpu.vector_load %arg7[%swap3A_815] {strides = array<i32>} : memref<80xi32, #tpu.memory_space<vmem>>, vector<16xi32>,
    %swap3A_817 = vector.shape_cast %swap3A_816 : vector<16xi32> to vector<16xi32>
    %swap3A_818 = vector.shape_cast %add3A_814 : vector<16xi32> to vector<16xi32>
    tpu.vector_store %arg7[%swap3A_815], %swap3A_818 {strides = array<i32>} : memref<80xi32, #tpu.memory_space<vmem>>, vector<16xi32>,
    %iota3A_819 = tpu.iota {dimensions = array<i32: 0>} : vector<16xi32>
    %add3A_820 = arith.constant 128 : i32
    %add3A_821 = vector.broadcast %add3A_820 : i32 to vector<16xi32>
    %add3A_822 = arith.addi %iota3A_819, %add3A_821 : vector<16xi32>
    %add3A_823 = arith.constant 48 : i32
    %add3A_824 = vector.broadcast %add3A_823 : i32 to vector<16xi32>
    %add3A_825 = arith.addi %add3A_822, %add3A_824 : vector<16xi32>
    %swap3A_826 = arith.constant 48 : index
    %swap3A_827 = tpu.vector_load %arg7[%swap3A_826] {strides = array<i32>} : memref<80xi32, #tpu.memory_space<vmem>>, vector<16xi32>,
    %swap3A_828 = vector.shape_cast %swap3A_827 : vector<16xi32> to vector<16xi32>
    %swap3A_829 = vector.shape_cast %add3A_825 : vector<16xi32> to vector<16xi32>
    tpu.vector_store %arg7[%swap3A_826], %swap3A_829 {strides = array<i32>} : memref<80xi32, #tpu.memory_space<vmem>>, vector<16xi32>,
    %iota3A_830 = tpu.iota {dimensions = array<i32: 0>} : vector<16xi32>
    %add3A_831 = arith.constant 192 : i32
    %add3A_832 = vector.broadcast %add3A_831 : i32 to vector<16xi32>
    %add3A_833 = arith.addi %iota3A_830, %add3A_832 : vector<16xi32>
    %min3A = arith.constant 199 : i32
    %min3A_834 = vector.broadcast %min3A : i32 to vector<16xi32>
    %min3A_835 = arith.minsi %add3A_833, %min3A_834 : vector<16xi32>
    %swap3A_836 = arith.constant 64 : index
    %swap3A_837 = tpu.vector_load %arg7[%swap3A_836] {strides = array<i32>} : memref<80xi32, #tpu.memory_space<vmem>>, vector<16xi32>,
    %swap3A_838 = vector.shape_cast %swap3A_837 : vector<16xi32> to vector<16xi32>
    %swap3A_839 = vector.shape_cast %min3A_835 : vector<16xi32> to vector<16xi32>
    tpu.vector_store %arg7[%swap3A_836], %swap3A_839 {strides = array<i32>} : memref<80xi32, #tpu.memory_space<vmem>>, vector<16xi32>,
    %add3A_840 = arith.constant 0 : i32
    %add3A_841 = arith.addi %mul3A_2, %add3A_840 : i32
    %dma_start3A = arith.constant 0 : i32
    %dma_start3A_842 = arith.constant 0 : i32
    %dma_start3A_843 = arith.constant 0 : i32
    %dma_start3A_844 = tpu.memref_slice %arg8[%arg1, %dma_start3A, %dma_start3A_842, %dma_start3A_843] : memref<16x4x200x128xf32, #tpu.memory_space<vmem_shared>> -> memref<1x1x200x128xf32, #tpu.memory_space<vmem_shared>>
    %dma_start3A_845 = tpu.memref_squeeze %dma_start3A_844 : memref<1x1x200x128xf32, #tpu.memory_space<vmem_shared>> -> memref<200x128xf32, #tpu.memory_space<vmem_shared>>
    %dma_start3A_846 = arith.constant 0 : i32
    %dma_start3A_847 = arith.constant 0 : i32
    %dma_start3A_848 = tpu.memref_slice %arg2[%add3A_841, %dma_start3A_846, %dma_start3A_847] : memref<4096x200x128xf32, #tpu.memory_space<hbm>> -> memref<1x200x128xf32, #tpu.memory_space<hbm>>
    %dma_start3A_849 = tpu.memref_squeeze %dma_start3A_848 : memref<1x200x128xf32, #tpu.memory_space<hbm>> -> memref<200x128xf32, #tpu.memory_space<hbm>>
    tpu.enqueue_dma source(%dma_start3A_849 : memref<200x128xf32, #tpu.memory_space<hbm>>) target(%dma_start3A_845 : memref<200x128xf32, #tpu.memory_space<vmem_shared>>) target_semaphore(%arg9 : memref<!tpu.dma_semaphore, #tpu.memory_space<semaphore_mem>>)
    %add3A_850 = arith.constant 1 : i32
    %add3A_851 = arith.addi %mul3A_2, %add3A_850 : i32
    %dma_start3A_852 = arith.constant 1 : i32
    %dma_start3A_853 = arith.constant 0 : i32
    %dma_start3A_854 = arith.constant 0 : i32
    %dma_start3A_855 = tpu.memref_slice %arg8[%arg1, %dma_start3A_852, %dma_start3A_853, %dma_start3A_854] : memref<16x4x200x128xf32, #tpu.memory_space<vmem_shared>> -> memref<1x1x200x128xf32, #tpu.memory_space<vmem_shared>>
    %dma_start3A_856 = tpu.memref_squeeze %dma_start3A_855 : memref<1x1x200x128xf32, #tpu.memory_space<vmem_shared>> -> memref<200x128xf32, #tpu.memory_space<vmem_shared>>
    %dma_start3A_857 = arith.constant 0 : i32
    %dma_start3A_858 = arith.constant 0 : i32
    %dma_start3A_859 = tpu.memref_slice %arg2[%add3A_851, %dma_start3A_857, %dma_start3A_858] : memref<4096x200x128xf32, #tpu.memory_space<hbm>> -> memref<1x200x128xf32, #tpu.memory_space<hbm>>
    %dma_start3A_860 = tpu.memref_squeeze %dma_start3A_859 : memref<1x200x128xf32, #tpu.memory_space<hbm>> -> memref<200x128xf32, #tpu.memory_space<hbm>>
    tpu.enqueue_dma source(%dma_start3A_860 : memref<200x128xf32, #tpu.memory_space<hbm>>) target(%dma_start3A_856 : memref<200x128xf32, #tpu.memory_space<vmem_shared>>) target_semaphore(%arg10 : memref<!tpu.dma_semaphore, #tpu.memory_space<semaphore_mem>>)
    %add3A_861 = arith.constant 2 : i32
    %add3A_862 = arith.addi %mul3A_2, %add3A_861 : i32
    %dma_start3A_863 = arith.constant 2 : i32
    %dma_start3A_864 = arith.constant 0 : i32
    %dma_start3A_865 = arith.constant 0 : i32
    %dma_start3A_866 = tpu.memref_slice %arg8[%arg1, %dma_start3A_863, %dma_start3A_864, %dma_start3A_865] : memref<16x4x200x128xf32, #tpu.memory_space<vmem_shared>> -> memref<1x1x200x128xf32, #tpu.memory_space<vmem_shared>>
    %dma_start3A_867 = tpu.memref_squeeze %dma_start3A_866 : memref<1x1x200x128xf32, #tpu.memory_space<vmem_shared>> -> memref<200x128xf32, #tpu.memory_space<vmem_shared>>
    %dma_start3A_868 = arith.constant 0 : i32
    %dma_start3A_869 = arith.constant 0 : i32
    %dma_start3A_870 = tpu.memref_slice %arg2[%add3A_862, %dma_start3A_868, %dma_start3A_869] : memref<4096x200x128xf32, #tpu.memory_space<hbm>> -> memref<1x200x128xf32, #tpu.memory_space<hbm>>
    %dma_start3A_871 = tpu.memref_squeeze %dma_start3A_870 : memref<1x200x128xf32, #tpu.memory_space<hbm>> -> memref<200x128xf32, #tpu.memory_space<hbm>>
    tpu.enqueue_dma source(%dma_start3A_871 : memref<200x128xf32, #tpu.memory_space<hbm>>) target(%dma_start3A_867 : memref<200x128xf32, #tpu.memory_space<vmem_shared>>) target_semaphore(%arg11 : memref<!tpu.dma_semaphore, #tpu.memory_space<semaphore_mem>>)
    %add3A_872 = arith.constant 3 : i32
    %add3A_873 = arith.addi %mul3A_2, %add3A_872 : i32
    %dma_start3A_874 = arith.constant 3 : i32
    %dma_start3A_875 = arith.constant 0 : i32
    %dma_start3A_876 = arith.constant 0 : i32
    %dma_start3A_877 = tpu.memref_slice %arg8[%arg1, %dma_start3A_874, %dma_start3A_875, %dma_start3A_876] : memref<16x4x200x128xf32, #tpu.memory_space<vmem_shared>> -> memref<1x1x200x128xf32, #tpu.memory_space<vmem_shared>>
    %dma_start3A_878 = tpu.memref_squeeze %dma_start3A_877 : memref<1x1x200x128xf32, #tpu.memory_space<vmem_shared>> -> memref<200x128xf32, #tpu.memory_space<vmem_shared>>
    %dma_start3A_879 = arith.constant 0 : i32
    %dma_start3A_880 = arith.constant 0 : i32
    %dma_start3A_881 = tpu.memref_slice %arg2[%add3A_873, %dma_start3A_879, %dma_start3A_880] : memref<4096x200x128xf32, #tpu.memory_space<hbm>> -> memref<1x200x128xf32, #tpu.memory_space<hbm>>
    %dma_start3A_882 = tpu.memref_squeeze %dma_start3A_881 : memref<1x200x128xf32, #tpu.memory_space<hbm>> -> memref<200x128xf32, #tpu.memory_space<hbm>>
    tpu.enqueue_dma source(%dma_start3A_882 : memref<200x128xf32, #tpu.memory_space<hbm>>) target(%dma_start3A_878 : memref<200x128xf32, #tpu.memory_space<vmem_shared>>) target_semaphore(%arg12 : memref<!tpu.dma_semaphore, #tpu.memory_space<semaphore_mem>>)
    %add3A_883 = arith.constant 0 : i32
    %add3A_884 = arith.addi %mul3A_2, %add3A_883 : i32
    %dma_wait3A = arith.constant 0 : i32
    %dma_wait3A_885 = arith.constant 0 : i32
    %dma_wait3A_886 = arith.constant 0 : i32
    %dma_wait3A_887 = tpu.memref_slice %arg8[%arg1, %dma_wait3A, %dma_wait3A_885, %dma_wait3A_886] : memref<16x4x200x128xf32, #tpu.memory_space<vmem_shared>> -> memref<1x1x200x128xf32, #tpu.memory_space<vmem_shared>>
    %dma_wait3A_888 = tpu.memref_squeeze %dma_wait3A_887 : memref<1x1x200x128xf32, #tpu.memory_space<vmem_shared>> -> memref<200x128xf32, #tpu.memory_space<vmem_shared>>
    %dma_wait3A_889 = arith.constant 0 : i32
    %dma_wait3A_890 = arith.constant 0 : i32
    %dma_wait3A_891 = tpu.memref_slice %arg2[%add3A_884, %dma_wait3A_889, %dma_wait3A_890] : memref<4096x200x128xf32, #tpu.memory_space<hbm>> -> memref<1x200x128xf32, #tpu.memory_space<hbm>>
    %dma_wait3A_892 = tpu.memref_squeeze %dma_wait3A_891 : memref<1x200x128xf32, #tpu.memory_space<hbm>> -> memref<200x128xf32, #tpu.memory_space<hbm>>
    tpu.wait_dma2 semaphore(%arg9 : memref<!tpu.dma_semaphore, #tpu.memory_space<semaphore_mem>>) src(%dma_wait3A_892 : memref<200x128xf32, #tpu.memory_space<hbm>>) dst(%dma_wait3A_888 : memref<200x128xf32, #tpu.memory_space<vmem_shared>>)
    %dma_start3A_893 = arith.constant 0 : i32
    %dma_start3A_894 = arith.constant 1 : i32
    %dma_start3A_895 = arith.constant 0 : i32
    %dma_start3A_896 = tpu.memref_slice %arg5[%dma_start3A_894, %dma_start3A_895] : memref<216x128xf32, #tpu.memory_space<vmem>> -> memref<128x128xf32, #tpu.memory_space<vmem>>
    %dma_start3A_897 = arith.constant 0 : i32
    %dma_start3A_898 = arith.constant 0 : i32
    %dma_start3A_899 = tpu.memref_slice %arg8[%arg1, %dma_start3A_893, %dma_start3A_897, %dma_start3A_898] : memref<16x4x200x128xf32, #tpu.memory_space<vmem_shared>> -> memref<1x1x200x128xf32, #tpu.memory_space<vmem_shared>>
    %dma_start3A_900 = tpu.memref_squeeze %dma_start3A_899 : memref<1x1x200x128xf32, #tpu.memory_space<vmem_shared>> -> memref<200x128xf32, #tpu.memory_space<vmem_shared>>
    %dma_start3A_901 = arith.constant 0 : i32
    %dma_start3A_902 = arith.constant 0 : i32
    %dma_start3A_903 = tpu.memref_slice %dma_start3A_900[%dma_start3A_901, %dma_start3A_902] : memref<200x128xf32, #tpu.memory_space<vmem_shared>> -> memref<200x128xf32, #tpu.memory_space<vmem_shared>>
    tpu.enqueue_indirect_dma source(%dma_start3A_896 : memref<128x128xf32, #tpu.memory_space<vmem>>) target(%dma_start3A_903 : memref<200x128xf32, #tpu.memory_space<vmem_shared>>) offsets(%arg6 : memref<128xi32, #tpu.memory_space<vmem>>) semaphore(%arg9 : memref<!tpu.dma_semaphore, #tpu.memory_space<semaphore_mem>>) {add = true}
    %dma_start3A_904 = arith.constant 0 : i32
    %dma_start3A_905 = arith.constant 129 : i32
    %dma_start3A_906 = arith.constant 0 : i32
    %dma_start3A_907 = tpu.memref_slice %arg5[%dma_start3A_905, %dma_start3A_906] : memref<216x128xf32, #tpu.memory_space<vmem>> -> memref<80x128xf32, #tpu.memory_space<vmem>>
    %dma_start3A_908 = arith.constant 0 : i32
    %dma_start3A_909 = arith.constant 0 : i32
    %dma_start3A_910 = tpu.memref_slice %arg8[%arg1, %dma_start3A_904, %dma_start3A_908, %dma_start3A_909] : memref<16x4x200x128xf32, #tpu.memory_space<vmem_shared>> -> memref<1x1x200x128xf32, #tpu.memory_space<vmem_shared>>
    %dma_start3A_911 = tpu.memref_squeeze %dma_start3A_910 : memref<1x1x200x128xf32, #tpu.memory_space<vmem_shared>> -> memref<200x128xf32, #tpu.memory_space<vmem_shared>>
    %dma_start3A_912 = arith.constant 0 : i32
    %dma_start3A_913 = arith.constant 0 : i32
    %dma_start3A_914 = tpu.memref_slice %dma_start3A_911[%dma_start3A_912, %dma_start3A_913] : memref<200x128xf32, #tpu.memory_space<vmem_shared>> -> memref<200x128xf32, #tpu.memory_space<vmem_shared>>
    tpu.enqueue_indirect_dma source(%dma_start3A_907 : memref<80x128xf32, #tpu.memory_space<vmem>>) target(%dma_start3A_914 : memref<200x128xf32, #tpu.memory_space<vmem_shared>>) offsets(%arg7 : memref<80xi32, #tpu.memory_space<vmem>>) semaphore(%arg9 : memref<!tpu.dma_semaphore, #tpu.memory_space<semaphore_mem>>) {add = true}
    %add3A_915 = arith.constant 1 : i32
    %add3A_916 = arith.addi %mul3A_2, %add3A_915 : i32
    %dma_wait3A_917 = arith.constant 1 : i32
    %dma_wait3A_918 = arith.constant 0 : i32
    %dma_wait3A_919 = arith.constant 0 : i32
    %dma_wait3A_920 = tpu.memref_slice %arg8[%arg1, %dma_wait3A_917, %dma_wait3A_918, %dma_wait3A_919] : memref<16x4x200x128xf32, #tpu.memory_space<vmem_shared>> -> memref<1x1x200x128xf32, #tpu.memory_space<vmem_shared>>
    %dma_wait3A_921 = tpu.memref_squeeze %dma_wait3A_920 : memref<1x1x200x128xf32, #tpu.memory_space<vmem_shared>> -> memref<200x128xf32, #tpu.memory_space<vmem_shared>>
    %dma_wait3A_922 = arith.constant 0 : i32
    %dma_wait3A_923 = arith.constant 0 : i32
    %dma_wait3A_924 = tpu.memref_slice %arg2[%add3A_916, %dma_wait3A_922, %dma_wait3A_923] : memref<4096x200x128xf32, #tpu.memory_space<hbm>> -> memref<1x200x128xf32, #tpu.memory_space<hbm>>
    %dma_wait3A_925 = tpu.memref_squeeze %dma_wait3A_924 : memref<1x200x128xf32, #tpu.memory_space<hbm>> -> memref<200x128xf32, #tpu.memory_space<hbm>>
    tpu.wait_dma2 semaphore(%arg10 : memref<!tpu.dma_semaphore, #tpu.memory_space<semaphore_mem>>) src(%dma_wait3A_925 : memref<200x128xf32, #tpu.memory_space<hbm>>) dst(%dma_wait3A_921 : memref<200x128xf32, #tpu.memory_space<vmem_shared>>)
    %dma_start3A_926 = arith.constant 1 : i32
    %dma_start3A_927 = arith.constant 1 : i32
    %dma_start3A_928 = arith.constant 0 : i32
    %dma_start3A_929 = tpu.memref_slice %arg5[%dma_start3A_927, %dma_start3A_928] : memref<216x128xf32, #tpu.memory_space<vmem>> -> memref<128x128xf32, #tpu.memory_space<vmem>>
    %dma_start3A_930 = arith.constant 0 : i32
    %dma_start3A_931 = arith.constant 0 : i32
    %dma_start3A_932 = tpu.memref_slice %arg8[%arg1, %dma_start3A_926, %dma_start3A_930, %dma_start3A_931] : memref<16x4x200x128xf32, #tpu.memory_space<vmem_shared>> -> memref<1x1x200x128xf32, #tpu.memory_space<vmem_shared>>
    %dma_start3A_933 = tpu.memref_squeeze %dma_start3A_932 : memref<1x1x200x128xf32, #tpu.memory_space<vmem_shared>> -> memref<200x128xf32, #tpu.memory_space<vmem_shared>>
    %dma_start3A_934 = arith.constant 0 : i32
    %dma_start3A_935 = arith.constant 0 : i32
    %dma_start3A_936 = tpu.memref_slice %dma_start3A_933[%dma_start3A_934, %dma_start3A_935] : memref<200x128xf32, #tpu.memory_space<vmem_shared>> -> memref<200x128xf32, #tpu.memory_space<vmem_shared>>
    tpu.enqueue_indirect_dma source(%dma_start3A_929 : memref<128x128xf32, #tpu.memory_space<vmem>>) target(%dma_start3A_936 : memref<200x128xf32, #tpu.memory_space<vmem_shared>>) offsets(%arg6 : memref<128xi32, #tpu.memory_space<vmem>>) semaphore(%arg10 : memref<!tpu.dma_semaphore, #tpu.memory_space<semaphore_mem>>) {add = true}
    %dma_start3A_937 = arith.constant 1 : i32
    %dma_start3A_938 = arith.constant 129 : i32
    %dma_start3A_939 = arith.constant 0 : i32
    %dma_start3A_940 = tpu.memref_slice %arg5[%dma_start3A_938, %dma_start3A_939] : memref<216x128xf32, #tpu.memory_space<vmem>> -> memref<80x128xf32, #tpu.memory_space<vmem>>
    %dma_start3A_941 = arith.constant 0 : i32
    %dma_start3A_942 = arith.constant 0 : i32
    %dma_start3A_943 = tpu.memref_slice %arg8[%arg1, %dma_start3A_937, %dma_start3A_941, %dma_start3A_942] : memref<16x4x200x128xf32, #tpu.memory_space<vmem_shared>> -> memref<1x1x200x128xf32, #tpu.memory_space<vmem_shared>>
    %dma_start3A_944 = tpu.memref_squeeze %dma_start3A_943 : memref<1x1x200x128xf32, #tpu.memory_space<vmem_shared>> -> memref<200x128xf32, #tpu.memory_space<vmem_shared>>
    %dma_start3A_945 = arith.constant 0 : i32
    %dma_start3A_946 = arith.constant 0 : i32
    %dma_start3A_947 = tpu.memref_slice %dma_start3A_944[%dma_start3A_945, %dma_start3A_946] : memref<200x128xf32, #tpu.memory_space<vmem_shared>> -> memref<200x128xf32, #tpu.memory_space<vmem_shared>>
    tpu.enqueue_indirect_dma source(%dma_start3A_940 : memref<80x128xf32, #tpu.memory_space<vmem>>) target(%dma_start3A_947 : memref<200x128xf32, #tpu.memory_space<vmem_shared>>) offsets(%arg7 : memref<80xi32, #tpu.memory_space<vmem>>) semaphore(%arg10 : memref<!tpu.dma_semaphore, #tpu.memory_space<semaphore_mem>>) {add = true}
    %dma_wait3A_948 = arith.constant 0 : i32
    %dma_wait3A_949 = arith.constant 1 : i32
    %dma_wait3A_950 = arith.constant 0 : i32
    %dma_wait3A_951 = tpu.memref_slice %arg5[%dma_wait3A_949, %dma_wait3A_950] : memref<216x128xf32, #tpu.memory_space<vmem>> -> memref<128x128xf32, #tpu.memory_space<vmem>>
    %dma_wait3A_952 = arith.constant 0 : i32
    %dma_wait3A_953 = arith.constant 0 : i32
    %dma_wait3A_954 = tpu.memref_slice %arg8[%arg1, %dma_wait3A_948, %dma_wait3A_952, %dma_wait3A_953] : memref<16x4x200x128xf32, #tpu.memory_space<vmem_shared>> -> memref<1x1x200x128xf32, #tpu.memory_space<vmem_shared>>
    %dma_wait3A_955 = tpu.memref_squeeze %dma_wait3A_954 : memref<1x1x200x128xf32, #tpu.memory_space<vmem_shared>> -> memref<200x128xf32, #tpu.memory_space<vmem_shared>>
    %dma_wait3A_956 = arith.constant 0 : i32
    %dma_wait3A_957 = arith.constant 0 : i32
    %dma_wait3A_958 = tpu.memref_slice %dma_wait3A_955[%dma_wait3A_956, %dma_wait3A_957] : memref<200x128xf32, #tpu.memory_space<vmem_shared>> -> memref<200x128xf32, #tpu.memory_space<vmem_shared>>
    tpu.wait_indirect_dma semaphore(%arg9 : memref<!tpu.dma_semaphore, #tpu.memory_space<semaphore_mem>>) src(%dma_wait3A_951 : memref<128x128xf32, #tpu.memory_space<vmem>>) dst(%dma_wait3A_958 : memref<200x128xf32, #tpu.memory_space<vmem_shared>>)
    %dma_wait3A_959 = arith.constant 0 : i32
    %dma_wait3A_960 = arith.constant 129 : i32
    %dma_wait3A_961 = arith.constant 0 : i32
    %dma_wait3A_962 = tpu.memref_slice %arg5[%dma_wait3A_960, %dma_wait3A_961] : memref<216x128xf32, #tpu.memory_space<vmem>> -> memref<80x128xf32, #tpu.memory_space<vmem>>
    %dma_wait3A_963 = arith.constant 0 : i32
    %dma_wait3A_964 = arith.constant 0 : i32
    %dma_wait3A_965 = tpu.memref_slice %arg8[%arg1, %dma_wait3A_959, %dma_wait3A_963, %dma_wait3A_964] : memref<16x4x200x128xf32, #tpu.memory_space<vmem_shared>> -> memref<1x1x200x128xf32, #tpu.memory_space<vmem_shared>>
    %dma_wait3A_966 = tpu.memref_squeeze %dma_wait3A_965 : memref<1x1x200x128xf32, #tpu.memory_space<vmem_shared>> -> memref<200x128xf32, #tpu.memory_space<vmem_shared>>
    %dma_wait3A_967 = arith.constant 0 : i32
    %dma_wait3A_968 = arith.constant 0 : i32
    %dma_wait3A_969 = tpu.memref_slice %dma_wait3A_966[%dma_wait3A_967, %dma_wait3A_968] : memref<200x128xf32, #tpu.memory_space<vmem_shared>> -> memref<200x128xf32, #tpu.memory_space<vmem_shared>>
    tpu.wait_indirect_dma semaphore(%arg9 : memref<!tpu.dma_semaphore, #tpu.memory_space<semaphore_mem>>) src(%dma_wait3A_962 : memref<80x128xf32, #tpu.memory_space<vmem>>) dst(%dma_wait3A_969 : memref<200x128xf32, #tpu.memory_space<vmem_shared>>)
    %add3A_970 = arith.constant 0 : i32
    %add3A_971 = arith.addi %mul3A_2, %add3A_970 : i32
    %dma_start3A_972 = arith.constant 0 : i32
    %dma_start3A_973 = arith.constant 0 : i32
    %dma_start3A_974 = arith.constant 0 : i32
    %dma_start3A_975 = tpu.memref_slice %arg4[%add3A_971, %dma_start3A_973, %dma_start3A_974] : memref<4096x200x128xf32, #tpu.memory_space<hbm>> -> memref<1x200x128xf32, #tpu.memory_space<hbm>>
    %dma_start3A_976 = tpu.memref_squeeze %dma_start3A_975 : memref<1x200x128xf32, #tpu.memory_space<hbm>> -> memref<200x128xf32, #tpu.memory_space<hbm>>
    %dma_start3A_977 = arith.constant 0 : i32
    %dma_start3A_978 = arith.constant 0 : i32
    %dma_start3A_979 = tpu.memref_slice %arg8[%arg1, %dma_start3A_972, %dma_start3A_977, %dma_start3A_978] : memref<16x4x200x128xf32, #tpu.memory_space<vmem_shared>> -> memref<1x1x200x128xf32, #tpu.memory_space<vmem_shared>>
    %dma_start3A_980 = tpu.memref_squeeze %dma_start3A_979 : memref<1x1x200x128xf32, #tpu.memory_space<vmem_shared>> -> memref<200x128xf32, #tpu.memory_space<vmem_shared>>
    tpu.enqueue_dma source(%dma_start3A_980 : memref<200x128xf32, #tpu.memory_space<vmem_shared>>) target(%dma_start3A_976 : memref<200x128xf32, #tpu.memory_space<hbm>>) target_semaphore(%arg13 : memref<!tpu.dma_semaphore, #tpu.memory_space<semaphore_mem>>)
    %dma_wait3A_981 = arith.constant 1 : i32
    %dma_wait3A_982 = arith.constant 1 : i32
    %dma_wait3A_983 = arith.constant 0 : i32
    %dma_wait3A_984 = tpu.memref_slice %arg5[%dma_wait3A_982, %dma_wait3A_983] : memref<216x128xf32, #tpu.memory_space<vmem>> -> memref<128x128xf32, #tpu.memory_space<vmem>>
    %dma_wait3A_985 = arith.constant 0 : i32
    %dma_wait3A_986 = arith.constant 0 : i32
    %dma_wait3A_987 = tpu.memref_slice %arg8[%arg1, %dma_wait3A_981, %dma_wait3A_985, %dma_wait3A_986] : memref<16x4x200x128xf32, #tpu.memory_space<vmem_shared>> -> memref<1x1x200x128xf32, #tpu.memory_space<vmem_shared>>
    %dma_wait3A_988 = tpu.memref_squeeze %dma_wait3A_987 : memref<1x1x200x128xf32, #tpu.memory_space<vmem_shared>> -> memref<200x128xf32, #tpu.memory_space<vmem_shared>>
    %dma_wait3A_989 = arith.constant 0 : i32
    %dma_wait3A_990 = arith.constant 0 : i32
    %dma_wait3A_991 = tpu.memref_slice %dma_wait3A_988[%dma_wait3A_989, %dma_wait3A_990] : memref<200x128xf32, #tpu.memory_space<vmem_shared>> -> memref<200x128xf32, #tpu.memory_space<vmem_shared>>
    tpu.wait_indirect_dma semaphore(%arg10 : memref<!tpu.dma_semaphore, #tpu.memory_space<semaphore_mem>>) src(%dma_wait3A_984 : memref<128x128xf32, #tpu.memory_space<vmem>>) dst(%dma_wait3A_991 : memref<200x128xf32, #tpu.memory_space<vmem_shared>>)
    %dma_wait3A_992 = arith.constant 1 : i32
    %dma_wait3A_993 = arith.constant 129 : i32
    %dma_wait3A_994 = arith.constant 0 : i32
    %dma_wait3A_995 = tpu.memref_slice %arg5[%dma_wait3A_993, %dma_wait3A_994] : memref<216x128xf32, #tpu.memory_space<vmem>> -> memref<80x128xf32, #tpu.memory_space<vmem>>
    %dma_wait3A_996 = arith.constant 0 : i32
    %dma_wait3A_997 = arith.constant 0 : i32
    %dma_wait3A_998 = tpu.memref_slice %arg8[%arg1, %dma_wait3A_992, %dma_wait3A_996, %dma_wait3A_997] : memref<16x4x200x128xf32, #tpu.memory_space<vmem_shared>> -> memref<1x1x200x128xf32, #tpu.memory_space<vmem_shared>>
    %dma_wait3A_999 = tpu.memref_squeeze %dma_wait3A_998 : memref<1x1x200x128xf32, #tpu.memory_space<vmem_shared>> -> memref<200x128xf32, #tpu.memory_space<vmem_shared>>
    %dma_wait3A_1000 = arith.constant 0 : i32
    %dma_wait3A_1001 = arith.constant 0 : i32
    %dma_wait3A_1002 = tpu.memref_slice %dma_wait3A_999[%dma_wait3A_1000, %dma_wait3A_1001] : memref<200x128xf32, #tpu.memory_space<vmem_shared>> -> memref<200x128xf32, #tpu.memory_space<vmem_shared>>
    tpu.wait_indirect_dma semaphore(%arg10 : memref<!tpu.dma_semaphore, #tpu.memory_space<semaphore_mem>>) src(%dma_wait3A_995 : memref<80x128xf32, #tpu.memory_space<vmem>>) dst(%dma_wait3A_1002 : memref<200x128xf32, #tpu.memory_space<vmem_shared>>)
    %add3A_1003 = arith.constant 1 : i32
    %add3A_1004 = arith.addi %mul3A_2, %add3A_1003 : i32
    %dma_start3A_1005 = arith.constant 1 : i32
    %dma_start3A_1006 = arith.constant 0 : i32
    %dma_start3A_1007 = arith.constant 0 : i32
    %dma_start3A_1008 = tpu.memref_slice %arg4[%add3A_1004, %dma_start3A_1006, %dma_start3A_1007] : memref<4096x200x128xf32, #tpu.memory_space<hbm>> -> memref<1x200x128xf32, #tpu.memory_space<hbm>>
    %dma_start3A_1009 = tpu.memref_squeeze %dma_start3A_1008 : memref<1x200x128xf32, #tpu.memory_space<hbm>> -> memref<200x128xf32, #tpu.memory_space<hbm>>
    %dma_start3A_1010 = arith.constant 0 : i32
    %dma_start3A_1011 = arith.constant 0 : i32
    %dma_start3A_1012 = tpu.memref_slice %arg8[%arg1, %dma_start3A_1005, %dma_start3A_1010, %dma_start3A_1011] : memref<16x4x200x128xf32, #tpu.memory_space<vmem_shared>> -> memref<1x1x200x128xf32, #tpu.memory_space<vmem_shared>>
    %dma_start3A_1013 = tpu.memref_squeeze %dma_start3A_1012 : memref<1x1x200x128xf32, #tpu.memory_space<vmem_shared>> -> memref<200x128xf32, #tpu.memory_space<vmem_shared>>
    tpu.enqueue_dma source(%dma_start3A_1013 : memref<200x128xf32, #tpu.memory_space<vmem_shared>>) target(%dma_start3A_1009 : memref<200x128xf32, #tpu.memory_space<hbm>>) target_semaphore(%arg14 : memref<!tpu.dma_semaphore, #tpu.memory_space<semaphore_mem>>)
    %scan3A = arith.constant 0 : i32
    %scan3A_1014 = arith.constant 0 : i32
    %scan3A_1015 = arith.constant 31 : i32
    %scan3A_1016 = arith.addi %scan3A_1014, %scan3A_1015 : i32
    %scan3A_1017 = arith.constant 1 : i32
    scf.for %scan3A_1195 = %scan3A_1014 to %scan3A_1016 step %scan3A_1017  : i32 {
      %mul3A_1196 = arith.constant 4 : i32
      %mul3A_1197 = arith.muli %mul3A_1196, %scan3A_1195 : i32
      %add3A_1198 = arith.constant 0 : i32
      %add3A_1199 = arith.addi %mul3A_1197, %add3A_1198 : i32
      %add3A_1200 = arith.addi %mul3A_2, %add3A_1199 : i32
      %dma_wait3A_1201 = arith.constant 0 : i32
      %dma_wait3A_1202 = arith.constant 0 : i32
      %dma_wait3A_1203 = arith.constant 0 : i32
      %dma_wait3A_1204 = tpu.memref_slice %arg4[%add3A_1200, %dma_wait3A_1202, %dma_wait3A_1203] : memref<4096x200x128xf32, #tpu.memory_space<hbm>> -> memref<1x200x128xf32, #tpu.memory_space<hbm>>
      %dma_wait3A_1205 = tpu.memref_squeeze %dma_wait3A_1204 : memref<1x200x128xf32, #tpu.memory_space<hbm>> -> memref<200x128xf32, #tpu.memory_space<hbm>>
      %dma_wait3A_1206 = arith.constant 0 : i32
      %dma_wait3A_1207 = arith.constant 0 : i32
      %dma_wait3A_1208 = tpu.memref_slice %arg8[%arg1, %dma_wait3A_1201, %dma_wait3A_1206, %dma_wait3A_1207] : memref<16x4x200x128xf32, #tpu.memory_space<vmem_shared>> -> memref<1x1x200x128xf32, #tpu.memory_space<vmem_shared>>
      %dma_wait3A_1209 = tpu.memref_squeeze %dma_wait3A_1208 : memref<1x1x200x128xf32, #tpu.memory_space<vmem_shared>> -> memref<200x128xf32, #tpu.memory_space<vmem_shared>>
      tpu.wait_dma2 semaphore(%arg13 : memref<!tpu.dma_semaphore, #tpu.memory_space<semaphore_mem>>) src(%dma_wait3A_1209 : memref<200x128xf32, #tpu.memory_space<vmem_shared>>) dst(%dma_wait3A_1205 : memref<200x128xf32, #tpu.memory_space<hbm>>)
      %add3A_1210 = arith.constant 4 : i32
      %add3A_1211 = arith.addi %mul3A_1197, %add3A_1210 : i32
      %add3A_1212 = arith.constant 0 : i32
      %add3A_1213 = arith.addi %add3A_1211, %add3A_1212 : i32
      %add3A_1214 = arith.addi %mul3A_2, %add3A_1213 : i32
      %dma_start3A_1215 = arith.constant 0 : i32
      %dma_start3A_1216 = arith.constant 0 : i32
      %dma_start3A_1217 = arith.constant 0 : i32
      %dma_start3A_1218 = tpu.memref_slice %arg8[%arg1, %dma_start3A_1215, %dma_start3A_1216, %dma_start3A_1217] : memref<16x4x200x128xf32, #tpu.memory_space<vmem_shared>> -> memref<1x1x200x128xf32, #tpu.memory_space<vmem_shared>>
      %dma_start3A_1219 = tpu.memref_squeeze %dma_start3A_1218 : memref<1x1x200x128xf32, #tpu.memory_space<vmem_shared>> -> memref<200x128xf32, #tpu.memory_space<vmem_shared>>
      %dma_start3A_1220 = arith.constant 0 : i32
      %dma_start3A_1221 = arith.constant 0 : i32
      %dma_start3A_1222 = tpu.memref_slice %arg2[%add3A_1214, %dma_start3A_1220, %dma_start3A_1221] : memref<4096x200x128xf32, #tpu.memory_space<hbm>> -> memref<1x200x128xf32, #tpu.memory_space<hbm>>
      %dma_start3A_1223 = tpu.memref_squeeze %dma_start3A_1222 : memref<1x200x128xf32, #tpu.memory_space<hbm>> -> memref<200x128xf32, #tpu.memory_space<hbm>>
      tpu.enqueue_dma source(%dma_start3A_1223 : memref<200x128xf32, #tpu.memory_space<hbm>>) target(%dma_start3A_1219 : memref<200x128xf32, #tpu.memory_space<vmem_shared>>) target_semaphore(%arg9 : memref<!tpu.dma_semaphore, #tpu.memory_space<semaphore_mem>>)
      %add3A_1224 = arith.constant 1 : i32
      %add3A_1225 = arith.addi %mul3A_1197, %add3A_1224 : i32
      %add3A_1226 = arith.addi %mul3A_2, %add3A_1225 : i32
      %dma_wait3A_1227 = arith.constant 1 : i32
      %dma_wait3A_1228 = arith.constant 0 : i32
      %dma_wait3A_1229 = arith.constant 0 : i32
      %dma_wait3A_1230 = tpu.memref_slice %arg4[%add3A_1226, %dma_wait3A_1228, %dma_wait3A_1229] : memref<4096x200x128xf32, #tpu.memory_space<hbm>> -> memref<1x200x128xf32, #tpu.memory_space<hbm>>
      %dma_wait3A_1231 = tpu.memref_squeeze %dma_wait3A_1230 : memref<1x200x128xf32, #tpu.memory_space<hbm>> -> memref<200x128xf32, #tpu.memory_space<hbm>>
      %dma_wait3A_1232 = arith.constant 0 : i32
      %dma_wait3A_1233 = arith.constant 0 : i32
      %dma_wait3A_1234 = tpu.memref_slice %arg8[%arg1, %dma_wait3A_1227, %dma_wait3A_1232, %dma_wait3A_1233] : memref<16x4x200x128xf32, #tpu.memory_space<vmem_shared>> -> memref<1x1x200x128xf32, #tpu.memory_space<vmem_shared>>
      %dma_wait3A_1235 = tpu.memref_squeeze %dma_wait3A_1234 : memref<1x1x200x128xf32, #tpu.memory_space<vmem_shared>> -> memref<200x128xf32, #tpu.memory_space<vmem_shared>>
      tpu.wait_dma2 semaphore(%arg14 : memref<!tpu.dma_semaphore, #tpu.memory_space<semaphore_mem>>) src(%dma_wait3A_1235 : memref<200x128xf32, #tpu.memory_space<vmem_shared>>) dst(%dma_wait3A_1231 : memref<200x128xf32, #tpu.memory_space<hbm>>)
      %add3A_1236 = arith.constant 4 : i32
      %add3A_1237 = arith.addi %mul3A_1197, %add3A_1236 : i32
      %add3A_1238 = arith.constant 1 : i32
      %add3A_1239 = arith.addi %add3A_1237, %add3A_1238 : i32
      %add3A_1240 = arith.addi %mul3A_2, %add3A_1239 : i32
      %dma_start3A_1241 = arith.constant 1 : i32
      %dma_start3A_1242 = arith.constant 0 : i32
      %dma_start3A_1243 = arith.constant 0 : i32
      %dma_start3A_1244 = tpu.memref_slice %arg8[%arg1, %dma_start3A_1241, %dma_start3A_1242, %dma_start3A_1243] : memref<16x4x200x128xf32, #tpu.memory_space<vmem_shared>> -> memref<1x1x200x128xf32, #tpu.memory_space<vmem_shared>>
      %dma_start3A_1245 = tpu.memref_squeeze %dma_start3A_1244 : memref<1x1x200x128xf32, #tpu.memory_space<vmem_shared>> -> memref<200x128xf32, #tpu.memory_space<vmem_shared>>
      %dma_start3A_1246 = arith.constant 0 : i32
      %dma_start3A_1247 = arith.constant 0 : i32
      %dma_start3A_1248 = tpu.memref_slice %arg2[%add3A_1240, %dma_start3A_1246, %dma_start3A_1247] : memref<4096x200x128xf32, #tpu.memory_space<hbm>> -> memref<1x200x128xf32, #tpu.memory_space<hbm>>
      %dma_start3A_1249 = tpu.memref_squeeze %dma_start3A_1248 : memref<1x200x128xf32, #tpu.memory_space<hbm>> -> memref<200x128xf32, #tpu.memory_space<hbm>>
      tpu.enqueue_dma source(%dma_start3A_1249 : memref<200x128xf32, #tpu.memory_space<hbm>>) target(%dma_start3A_1245 : memref<200x128xf32, #tpu.memory_space<vmem_shared>>) target_semaphore(%arg10 : memref<!tpu.dma_semaphore, #tpu.memory_space<semaphore_mem>>)
      %add3A_1250 = arith.constant 2 : i32
      %add3A_1251 = arith.addi %mul3A_1197, %add3A_1250 : i32
      %add3A_1252 = arith.constant 3 : i32
      %add3A_1253 = arith.addi %mul3A_1197, %add3A_1252 : i32
      %add3A_1254 = arith.addi %mul3A_2, %add3A_1251 : i32
      %dma_wait3A_1255 = arith.constant 2 : i32
      %dma_wait3A_1256 = arith.constant 0 : i32
      %dma_wait3A_1257 = arith.constant 0 : i32
      %dma_wait3A_1258 = tpu.memref_slice %arg8[%arg1, %dma_wait3A_1255, %dma_wait3A_1256, %dma_wait3A_1257] : memref<16x4x200x128xf32, #tpu.memory_space<vmem_shared>> -> memref<1x1x200x128xf32, #tpu.memory_space<vmem_shared>>
      %dma_wait3A_1259 = tpu.memref_squeeze %dma_wait3A_1258 : memref<1x1x200x128xf32, #tpu.memory_space<vmem_shared>> -> memref<200x128xf32, #tpu.memory_space<vmem_shared>>
      %dma_wait3A_1260 = arith.constant 0 : i32
      %dma_wait3A_1261 = arith.constant 0 : i32
      %dma_wait3A_1262 = tpu.memref_slice %arg2[%add3A_1254, %dma_wait3A_1260, %dma_wait3A_1261] : memref<4096x200x128xf32, #tpu.memory_space<hbm>> -> memref<1x200x128xf32, #tpu.memory_space<hbm>>
      %dma_wait3A_1263 = tpu.memref_squeeze %dma_wait3A_1262 : memref<1x200x128xf32, #tpu.memory_space<hbm>> -> memref<200x128xf32, #tpu.memory_space<hbm>>
      tpu.wait_dma2 semaphore(%arg11 : memref<!tpu.dma_semaphore, #tpu.memory_space<semaphore_mem>>) src(%dma_wait3A_1263 : memref<200x128xf32, #tpu.memory_space<hbm>>) dst(%dma_wait3A_1259 : memref<200x128xf32, #tpu.memory_space<vmem_shared>>)
      %dma_start3A_1264 = arith.constant 2 : i32
      %dma_start3A_1265 = arith.constant 1 : i32
      %dma_start3A_1266 = arith.constant 0 : i32
      %dma_start3A_1267 = tpu.memref_slice %arg5[%dma_start3A_1265, %dma_start3A_1266] : memref<216x128xf32, #tpu.memory_space<vmem>> -> memref<128x128xf32, #tpu.memory_space<vmem>>
      %dma_start3A_1268 = arith.constant 0 : i32
      %dma_start3A_1269 = arith.constant 0 : i32
      %dma_start3A_1270 = tpu.memref_slice %arg8[%arg1, %dma_start3A_1264, %dma_start3A_1268, %dma_start3A_1269] : memref<16x4x200x128xf32, #tpu.memory_space<vmem_shared>> -> memref<1x1x200x128xf32, #tpu.memory_space<vmem_shared>>
      %dma_start3A_1271 = tpu.memref_squeeze %dma_start3A_1270 : memref<1x1x200x128xf32, #tpu.memory_space<vmem_shared>> -> memref<200x128xf32, #tpu.memory_space<vmem_shared>>
      %dma_start3A_1272 = arith.constant 0 : i32
      %dma_start3A_1273 = arith.constant 0 : i32
      %dma_start3A_1274 = tpu.memref_slice %dma_start3A_1271[%dma_start3A_1272, %dma_start3A_1273] : memref<200x128xf32, #tpu.memory_space<vmem_shared>> -> memref<200x128xf32, #tpu.memory_space<vmem_shared>>
      tpu.enqueue_indirect_dma source(%dma_start3A_1267 : memref<128x128xf32, #tpu.memory_space<vmem>>) target(%dma_start3A_1274 : memref<200x128xf32, #tpu.memory_space<vmem_shared>>) offsets(%arg6 : memref<128xi32, #tpu.memory_space<vmem>>) semaphore(%arg11 : memref<!tpu.dma_semaphore, #tpu.memory_space<semaphore_mem>>) {add = true}
      %dma_start3A_1275 = arith.constant 2 : i32
      %dma_start3A_1276 = arith.constant 129 : i32
      %dma_start3A_1277 = arith.constant 0 : i32
      %dma_start3A_1278 = tpu.memref_slice %arg5[%dma_start3A_1276, %dma_start3A_1277] : memref<216x128xf32, #tpu.memory_space<vmem>> -> memref<80x128xf32, #tpu.memory_space<vmem>>
      %dma_start3A_1279 = arith.constant 0 : i32
      %dma_start3A_1280 = arith.constant 0 : i32
      %dma_start3A_1281 = tpu.memref_slice %arg8[%arg1, %dma_start3A_1275, %dma_start3A_1279, %dma_start3A_1280] : memref<16x4x200x128xf32, #tpu.memory_space<vmem_shared>> -> memref<1x1x200x128xf32, #tpu.memory_space<vmem_shared>>
      %dma_start3A_1282 = tpu.memref_squeeze %dma_start3A_1281 : memref<1x1x200x128xf32, #tpu.memory_space<vmem_shared>> -> memref<200x128xf32, #tpu.memory_space<vmem_shared>>
      %dma_start3A_1283 = arith.constant 0 : i32
      %dma_start3A_1284 = arith.constant 0 : i32
      %dma_start3A_1285 = tpu.memref_slice %dma_start3A_1282[%dma_start3A_1283, %dma_start3A_1284] : memref<200x128xf32, #tpu.memory_space<vmem_shared>> -> memref<200x128xf32, #tpu.memory_space<vmem_shared>>
      tpu.enqueue_indirect_dma source(%dma_start3A_1278 : memref<80x128xf32, #tpu.memory_space<vmem>>) target(%dma_start3A_1285 : memref<200x128xf32, #tpu.memory_space<vmem_shared>>) offsets(%arg7 : memref<80xi32, #tpu.memory_space<vmem>>) semaphore(%arg11 : memref<!tpu.dma_semaphore, #tpu.memory_space<semaphore_mem>>) {add = true}
      %add3A_1286 = arith.addi %mul3A_2, %add3A_1253 : i32
      %dma_wait3A_1287 = arith.constant 3 : i32
      %dma_wait3A_1288 = arith.constant 0 : i32
      %dma_wait3A_1289 = arith.constant 0 : i32
      %dma_wait3A_1290 = tpu.memref_slice %arg8[%arg1, %dma_wait3A_1287, %dma_wait3A_1288, %dma_wait3A_1289] : memref<16x4x200x128xf32, #tpu.memory_space<vmem_shared>> -> memref<1x1x200x128xf32, #tpu.memory_space<vmem_shared>>
      %dma_wait3A_1291 = tpu.memref_squeeze %dma_wait3A_1290 : memref<1x1x200x128xf32, #tpu.memory_space<vmem_shared>> -> memref<200x128xf32, #tpu.memory_space<vmem_shared>>
      %dma_wait3A_1292 = arith.constant 0 : i32
      %dma_wait3A_1293 = arith.constant 0 : i32
      %dma_wait3A_1294 = tpu.memref_slice %arg2[%add3A_1286, %dma_wait3A_1292, %dma_wait3A_1293] : memref<4096x200x128xf32, #tpu.memory_space<hbm>> -> memref<1x200x128xf32, #tpu.memory_space<hbm>>
      %dma_wait3A_1295 = tpu.memref_squeeze %dma_wait3A_1294 : memref<1x200x128xf32, #tpu.memory_space<hbm>> -> memref<200x128xf32, #tpu.memory_space<hbm>>
      tpu.wait_dma2 semaphore(%arg12 : memref<!tpu.dma_semaphore, #tpu.memory_space<semaphore_mem>>) src(%dma_wait3A_1295 : memref<200x128xf32, #tpu.memory_space<hbm>>) dst(%dma_wait3A_1291 : memref<200x128xf32, #tpu.memory_space<vmem_shared>>)
      %dma_start3A_1296 = arith.constant 3 : i32
      %dma_start3A_1297 = arith.constant 1 : i32
      %dma_start3A_1298 = arith.constant 0 : i32
      %dma_start3A_1299 = tpu.memref_slice %arg5[%dma_start3A_1297, %dma_start3A_1298] : memref<216x128xf32, #tpu.memory_space<vmem>> -> memref<128x128xf32, #tpu.memory_space<vmem>>
      %dma_start3A_1300 = arith.constant 0 : i32
      %dma_start3A_1301 = arith.constant 0 : i32
      %dma_start3A_1302 = tpu.memref_slice %arg8[%arg1, %dma_start3A_1296, %dma_start3A_1300, %dma_start3A_1301] : memref<16x4x200x128xf32, #tpu.memory_space<vmem_shared>> -> memref<1x1x200x128xf32, #tpu.memory_space<vmem_shared>>
      %dma_start3A_1303 = tpu.memref_squeeze %dma_start3A_1302 : memref<1x1x200x128xf32, #tpu.memory_space<vmem_shared>> -> memref<200x128xf32, #tpu.memory_space<vmem_shared>>
      %dma_start3A_1304 = arith.constant 0 : i32
      %dma_start3A_1305 = arith.constant 0 : i32
      %dma_start3A_1306 = tpu.memref_slice %dma_start3A_1303[%dma_start3A_1304, %dma_start3A_1305] : memref<200x128xf32, #tpu.memory_space<vmem_shared>> -> memref<200x128xf32, #tpu.memory_space<vmem_shared>>
      tpu.enqueue_indirect_dma source(%dma_start3A_1299 : memref<128x128xf32, #tpu.memory_space<vmem>>) target(%dma_start3A_1306 : memref<200x128xf32, #tpu.memory_space<vmem_shared>>) offsets(%arg6 : memref<128xi32, #tpu.memory_space<vmem>>) semaphore(%arg12 : memref<!tpu.dma_semaphore, #tpu.memory_space<semaphore_mem>>) {add = true}
      %dma_start3A_1307 = arith.constant 3 : i32
      %dma_start3A_1308 = arith.constant 129 : i32
      %dma_start3A_1309 = arith.constant 0 : i32
      %dma_start3A_1310 = tpu.memref_slice %arg5[%dma_start3A_1308, %dma_start3A_1309] : memref<216x128xf32, #tpu.memory_space<vmem>> -> memref<80x128xf32, #tpu.memory_space<vmem>>
      %dma_start3A_1311 = arith.constant 0 : i32
      %dma_start3A_1312 = arith.constant 0 : i32
      %dma_start3A_1313 = tpu.memref_slice %arg8[%arg1, %dma_start3A_1307, %dma_start3A_1311, %dma_start3A_1312] : memref<16x4x200x128xf32, #tpu.memory_space<vmem_shared>> -> memref<1x1x200x128xf32, #tpu.memory_space<vmem_shared>>
      %dma_start3A_1314 = tpu.memref_squeeze %dma_start3A_1313 : memref<1x1x200x128xf32, #tpu.memory_space<vmem_shared>> -> memref<200x128xf32, #tpu.memory_space<vmem_shared>>
      %dma_start3A_1315 = arith.constant 0 : i32
      %dma_start3A_1316 = arith.constant 0 : i32
      %dma_start3A_1317 = tpu.memref_slice %dma_start3A_1314[%dma_start3A_1315, %dma_start3A_1316] : memref<200x128xf32, #tpu.memory_space<vmem_shared>> -> memref<200x128xf32, #tpu.memory_space<vmem_shared>>
      tpu.enqueue_indirect_dma source(%dma_start3A_1310 : memref<80x128xf32, #tpu.memory_space<vmem>>) target(%dma_start3A_1317 : memref<200x128xf32, #tpu.memory_space<vmem_shared>>) offsets(%arg7 : memref<80xi32, #tpu.memory_space<vmem>>) semaphore(%arg12 : memref<!tpu.dma_semaphore, #tpu.memory_space<semaphore_mem>>) {add = true}
      %dma_wait3A_1318 = arith.constant 2 : i32
      %dma_wait3A_1319 = arith.constant 1 : i32
      %dma_wait3A_1320 = arith.constant 0 : i32
      %dma_wait3A_1321 = tpu.memref_slice %arg5[%dma_wait3A_1319, %dma_wait3A_1320] : memref<216x128xf32, #tpu.memory_space<vmem>> -> memref<128x128xf32, #tpu.memory_space<vmem>>
      %dma_wait3A_1322 = arith.constant 0 : i32
      %dma_wait3A_1323 = arith.constant 0 : i32
      %dma_wait3A_1324 = tpu.memref_slice %arg8[%arg1, %dma_wait3A_1318, %dma_wait3A_1322, %dma_wait3A_1323] : memref<16x4x200x128xf32, #tpu.memory_space<vmem_shared>> -> memref<1x1x200x128xf32, #tpu.memory_space<vmem_shared>>
      %dma_wait3A_1325 = tpu.memref_squeeze %dma_wait3A_1324 : memref<1x1x200x128xf32, #tpu.memory_space<vmem_shared>> -> memref<200x128xf32, #tpu.memory_space<vmem_shared>>
      %dma_wait3A_1326 = arith.constant 0 : i32
      %dma_wait3A_1327 = arith.constant 0 : i32
      %dma_wait3A_1328 = tpu.memref_slice %dma_wait3A_1325[%dma_wait3A_1326, %dma_wait3A_1327] : memref<200x128xf32, #tpu.memory_space<vmem_shared>> -> memref<200x128xf32, #tpu.memory_space<vmem_shared>>
      tpu.wait_indirect_dma semaphore(%arg11 : memref<!tpu.dma_semaphore, #tpu.memory_space<semaphore_mem>>) src(%dma_wait3A_1321 : memref<128x128xf32, #tpu.memory_space<vmem>>) dst(%dma_wait3A_1328 : memref<200x128xf32, #tpu.memory_space<vmem_shared>>)
      %dma_wait3A_1329 = arith.constant 2 : i32
      %dma_wait3A_1330 = arith.constant 129 : i32
      %dma_wait3A_1331 = arith.constant 0 : i32
      %dma_wait3A_1332 = tpu.memref_slice %arg5[%dma_wait3A_1330, %dma_wait3A_1331] : memref<216x128xf32, #tpu.memory_space<vmem>> -> memref<80x128xf32, #tpu.memory_space<vmem>>
      %dma_wait3A_1333 = arith.constant 0 : i32
      %dma_wait3A_1334 = arith.constant 0 : i32
      %dma_wait3A_1335 = tpu.memref_slice %arg8[%arg1, %dma_wait3A_1329, %dma_wait3A_1333, %dma_wait3A_1334] : memref<16x4x200x128xf32, #tpu.memory_space<vmem_shared>> -> memref<1x1x200x128xf32, #tpu.memory_space<vmem_shared>>
      %dma_wait3A_1336 = tpu.memref_squeeze %dma_wait3A_1335 : memref<1x1x200x128xf32, #tpu.memory_space<vmem_shared>> -> memref<200x128xf32, #tpu.memory_space<vmem_shared>>
      %dma_wait3A_1337 = arith.constant 0 : i32
      %dma_wait3A_1338 = arith.constant 0 : i32
      %dma_wait3A_1339 = tpu.memref_slice %dma_wait3A_1336[%dma_wait3A_1337, %dma_wait3A_1338] : memref<200x128xf32, #tpu.memory_space<vmem_shared>> -> memref<200x128xf32, #tpu.memory_space<vmem_shared>>
      tpu.wait_indirect_dma semaphore(%arg11 : memref<!tpu.dma_semaphore, #tpu.memory_space<semaphore_mem>>) src(%dma_wait3A_1332 : memref<80x128xf32, #tpu.memory_space<vmem>>) dst(%dma_wait3A_1339 : memref<200x128xf32, #tpu.memory_space<vmem_shared>>)
      %add3A_1340 = arith.addi %mul3A_2, %add3A_1251 : i32
      %dma_start3A_1341 = arith.constant 2 : i32
      %dma_start3A_1342 = arith.constant 0 : i32
      %dma_start3A_1343 = arith.constant 0 : i32
      %dma_start3A_1344 = tpu.memref_slice %arg4[%add3A_1340, %dma_start3A_1342, %dma_start3A_1343] : memref<4096x200x128xf32, #tpu.memory_space<hbm>> -> memref<1x200x128xf32, #tpu.memory_space<hbm>>
      %dma_start3A_1345 = tpu.memref_squeeze %dma_start3A_1344 : memref<1x200x128xf32, #tpu.memory_space<hbm>> -> memref<200x128xf32, #tpu.memory_space<hbm>>
      %dma_start3A_1346 = arith.constant 0 : i32
      %dma_start3A_1347 = arith.constant 0 : i32
      %dma_start3A_1348 = tpu.memref_slice %arg8[%arg1, %dma_start3A_1341, %dma_start3A_1346, %dma_start3A_1347] : memref<16x4x200x128xf32, #tpu.memory_space<vmem_shared>> -> memref<1x1x200x128xf32, #tpu.memory_space<vmem_shared>>
      %dma_start3A_1349 = tpu.memref_squeeze %dma_start3A_1348 : memref<1x1x200x128xf32, #tpu.memory_space<vmem_shared>> -> memref<200x128xf32, #tpu.memory_space<vmem_shared>>
      tpu.enqueue_dma source(%dma_start3A_1349 : memref<200x128xf32, #tpu.memory_space<vmem_shared>>) target(%dma_start3A_1345 : memref<200x128xf32, #tpu.memory_space<hbm>>) target_semaphore(%arg15 : memref<!tpu.dma_semaphore, #tpu.memory_space<semaphore_mem>>)
      %dma_wait3A_1350 = arith.constant 3 : i32
      %dma_wait3A_1351 = arith.constant 1 : i32
      %dma_wait3A_1352 = arith.constant 0 : i32
      %dma_wait3A_1353 = tpu.memref_slice %arg5[%dma_wait3A_1351, %dma_wait3A_1352] : memref<216x128xf32, #tpu.memory_space<vmem>> -> memref<128x128xf32, #tpu.memory_space<vmem>>
      %dma_wait3A_1354 = arith.constant 0 : i32
      %dma_wait3A_1355 = arith.constant 0 : i32
      %dma_wait3A_1356 = tpu.memref_slice %arg8[%arg1, %dma_wait3A_1350, %dma_wait3A_1354, %dma_wait3A_1355] : memref<16x4x200x128xf32, #tpu.memory_space<vmem_shared>> -> memref<1x1x200x128xf32, #tpu.memory_space<vmem_shared>>
      %dma_wait3A_1357 = tpu.memref_squeeze %dma_wait3A_1356 : memref<1x1x200x128xf32, #tpu.memory_space<vmem_shared>> -> memref<200x128xf32, #tpu.memory_space<vmem_shared>>
      %dma_wait3A_1358 = arith.constant 0 : i32
      %dma_wait3A_1359 = arith.constant 0 : i32
      %dma_wait3A_1360 = tpu.memref_slice %dma_wait3A_1357[%dma_wait3A_1358, %dma_wait3A_1359] : memref<200x128xf32, #tpu.memory_space<vmem_shared>> -> memref<200x128xf32, #tpu.memory_space<vmem_shared>>
      tpu.wait_indirect_dma semaphore(%arg12 : memref<!tpu.dma_semaphore, #tpu.memory_space<semaphore_mem>>) src(%dma_wait3A_1353 : memref<128x128xf32, #tpu.memory_space<vmem>>) dst(%dma_wait3A_1360 : memref<200x128xf32, #tpu.memory_space<vmem_shared>>)
      %dma_wait3A_1361 = arith.constant 3 : i32
      %dma_wait3A_1362 = arith.constant 129 : i32
      %dma_wait3A_1363 = arith.constant 0 : i32
      %dma_wait3A_1364 = tpu.memref_slice %arg5[%dma_wait3A_1362, %dma_wait3A_1363] : memref<216x128xf32, #tpu.memory_space<vmem>> -> memref<80x128xf32, #tpu.memory_space<vmem>>
      %dma_wait3A_1365 = arith.constant 0 : i32
      %dma_wait3A_1366 = arith.constant 0 : i32
      %dma_wait3A_1367 = tpu.memref_slice %arg8[%arg1, %dma_wait3A_1361, %dma_wait3A_1365, %dma_wait3A_1366] : memref<16x4x200x128xf32, #tpu.memory_space<vmem_shared>> -> memref<1x1x200x128xf32, #tpu.memory_space<vmem_shared>>
      %dma_wait3A_1368 = tpu.memref_squeeze %dma_wait3A_1367 : memref<1x1x200x128xf32, #tpu.memory_space<vmem_shared>> -> memref<200x128xf32, #tpu.memory_space<vmem_shared>>
      %dma_wait3A_1369 = arith.constant 0 : i32
      %dma_wait3A_1370 = arith.constant 0 : i32
      %dma_wait3A_1371 = tpu.memref_slice %dma_wait3A_1368[%dma_wait3A_1369, %dma_wait3A_1370] : memref<200x128xf32, #tpu.memory_space<vmem_shared>> -> memref<200x128xf32, #tpu.memory_space<vmem_shared>>
      tpu.wait_indirect_dma semaphore(%arg12 : memref<!tpu.dma_semaphore, #tpu.memory_space<semaphore_mem>>) src(%dma_wait3A_1364 : memref<80x128xf32, #tpu.memory_space<vmem>>) dst(%dma_wait3A_1371 : memref<200x128xf32, #tpu.memory_space<vmem_shared>>)
      %add3A_1372 = arith.addi %mul3A_2, %add3A_1253 : i32
      %dma_start3A_1373 = arith.constant 3 : i32
      %dma_start3A_1374 = arith.constant 0 : i32
      %dma_start3A_1375 = arith.constant 0 : i32
      %dma_start3A_1376 = tpu.memref_slice %arg4[%add3A_1372, %dma_start3A_1374, %dma_start3A_1375] : memref<4096x200x128xf32, #tpu.memory_space<hbm>> -> memref<1x200x128xf32, #tpu.memory_space<hbm>>
      %dma_start3A_1377 = tpu.memref_squeeze %dma_start3A_1376 : memref<1x200x128xf32, #tpu.memory_space<hbm>> -> memref<200x128xf32, #tpu.memory_space<hbm>>
      %dma_start3A_1378 = arith.constant 0 : i32
      %dma_start3A_1379 = arith.constant 0 : i32
      %dma_start3A_1380 = tpu.memref_slice %arg8[%arg1, %dma_start3A_1373, %dma_start3A_1378, %dma_start3A_1379] : memref<16x4x200x128xf32, #tpu.memory_space<vmem_shared>> -> memref<1x1x200x128xf32, #tpu.memory_space<vmem_shared>>
      %dma_start3A_1381 = tpu.memref_squeeze %dma_start3A_1380 : memref<1x1x200x128xf32, #tpu.memory_space<vmem_shared>> -> memref<200x128xf32, #tpu.memory_space<vmem_shared>>
      tpu.enqueue_dma source(%dma_start3A_1381 : memref<200x128xf32, #tpu.memory_space<vmem_shared>>) target(%dma_start3A_1377 : memref<200x128xf32, #tpu.memory_space<hbm>>) target_semaphore(%arg16 : memref<!tpu.dma_semaphore, #tpu.memory_space<semaphore_mem>>)
      %add3A_1382 = arith.constant 4 : i32
      %add3A_1383 = arith.addi %mul3A_1197, %add3A_1382 : i32
      %add3A_1384 = arith.constant 5 : i32
      %add3A_1385 = arith.addi %mul3A_1197, %add3A_1384 : i32
      %add3A_1386 = arith.addi %mul3A_2, %add3A_1383 : i32
      %dma_wait3A_1387 = arith.constant 0 : i32
      %dma_wait3A_1388 = arith.constant 0 : i32
      %dma_wait3A_1389 = arith.constant 0 : i32
      %dma_wait3A_1390 = tpu.memref_slice %arg8[%arg1, %dma_wait3A_1387, %dma_wait3A_1388, %dma_wait3A_1389] : memref<16x4x200x128xf32, #tpu.memory_space<vmem_shared>> -> memref<1x1x200x128xf32, #tpu.memory_space<vmem_shared>>
      %dma_wait3A_1391 = tpu.memref_squeeze %dma_wait3A_1390 : memref<1x1x200x128xf32, #tpu.memory_space<vmem_shared>> -> memref<200x128xf32, #tpu.memory_space<vmem_shared>>
      %dma_wait3A_1392 = arith.constant 0 : i32
      %dma_wait3A_1393 = arith.constant 0 : i32
      %dma_wait3A_1394 = tpu.memref_slice %arg2[%add3A_1386, %dma_wait3A_1392, %dma_wait3A_1393] : memref<4096x200x128xf32, #tpu.memory_space<hbm>> -> memref<1x200x128xf32, #tpu.memory_space<hbm>>
      %dma_wait3A_1395 = tpu.memref_squeeze %dma_wait3A_1394 : memref<1x200x128xf32, #tpu.memory_space<hbm>> -> memref<200x128xf32, #tpu.memory_space<hbm>>
      tpu.wait_dma2 semaphore(%arg9 : memref<!tpu.dma_semaphore, #tpu.memory_space<semaphore_mem>>) src(%dma_wait3A_1395 : memref<200x128xf32, #tpu.memory_space<hbm>>) dst(%dma_wait3A_1391 : memref<200x128xf32, #tpu.memory_space<vmem_shared>>)
      %dma_start3A_1396 = arith.constant 0 : i32
      %dma_start3A_1397 = arith.constant 1 : i32
      %dma_start3A_1398 = arith.constant 0 : i32
      %dma_start3A_1399 = tpu.memref_slice %arg5[%dma_start3A_1397, %dma_start3A_1398] : memref<216x128xf32, #tpu.memory_space<vmem>> -> memref<128x128xf32, #tpu.memory_space<vmem>>
      %dma_start3A_1400 = arith.constant 0 : i32
      %dma_start3A_1401 = arith.constant 0 : i32
      %dma_start3A_1402 = tpu.memref_slice %arg8[%arg1, %dma_start3A_1396, %dma_start3A_1400, %dma_start3A_1401] : memref<16x4x200x128xf32, #tpu.memory_space<vmem_shared>> -> memref<1x1x200x128xf32, #tpu.memory_space<vmem_shared>>
      %dma_start3A_1403 = tpu.memref_squeeze %dma_start3A_1402 : memref<1x1x200x128xf32, #tpu.memory_space<vmem_shared>> -> memref<200x128xf32, #tpu.memory_space<vmem_shared>>
      %dma_start3A_1404 = arith.constant 0 : i32
      %dma_start3A_1405 = arith.constant 0 : i32
      %dma_start3A_1406 = tpu.memref_slice %dma_start3A_1403[%dma_start3A_1404, %dma_start3A_1405] : memref<200x128xf32, #tpu.memory_space<vmem_shared>> -> memref<200x128xf32, #tpu.memory_space<vmem_shared>>
      tpu.enqueue_indirect_dma source(%dma_start3A_1399 : memref<128x128xf32, #tpu.memory_space<vmem>>) target(%dma_start3A_1406 : memref<200x128xf32, #tpu.memory_space<vmem_shared>>) offsets(%arg6 : memref<128xi32, #tpu.memory_space<vmem>>) semaphore(%arg9 : memref<!tpu.dma_semaphore, #tpu.memory_space<semaphore_mem>>) {add = true}
      %dma_start3A_1407 = arith.constant 0 : i32
      %dma_start3A_1408 = arith.constant 129 : i32
      %dma_start3A_1409 = arith.constant 0 : i32
      %dma_start3A_1410 = tpu.memref_slice %arg5[%dma_start3A_1408, %dma_start3A_1409] : memref<216x128xf32, #tpu.memory_space<vmem>> -> memref<80x128xf32, #tpu.memory_space<vmem>>
      %dma_start3A_1411 = arith.constant 0 : i32
      %dma_start3A_1412 = arith.constant 0 : i32
      %dma_start3A_1413 = tpu.memref_slice %arg8[%arg1, %dma_start3A_1407, %dma_start3A_1411, %dma_start3A_1412] : memref<16x4x200x128xf32, #tpu.memory_space<vmem_shared>> -> memref<1x1x200x128xf32, #tpu.memory_space<vmem_shared>>
      %dma_start3A_1414 = tpu.memref_squeeze %dma_start3A_1413 : memref<1x1x200x128xf32, #tpu.memory_space<vmem_shared>> -> memref<200x128xf32, #tpu.memory_space<vmem_shared>>
      %dma_start3A_1415 = arith.constant 0 : i32
      %dma_start3A_1416 = arith.constant 0 : i32
      %dma_start3A_1417 = tpu.memref_slice %dma_start3A_1414[%dma_start3A_1415, %dma_start3A_1416] : memref<200x128xf32, #tpu.memory_space<vmem_shared>> -> memref<200x128xf32, #tpu.memory_space<vmem_shared>>
      tpu.enqueue_indirect_dma source(%dma_start3A_1410 : memref<80x128xf32, #tpu.memory_space<vmem>>) target(%dma_start3A_1417 : memref<200x128xf32, #tpu.memory_space<vmem_shared>>) offsets(%arg7 : memref<80xi32, #tpu.memory_space<vmem>>) semaphore(%arg9 : memref<!tpu.dma_semaphore, #tpu.memory_space<semaphore_mem>>) {add = true}
      %add3A_1418 = arith.addi %mul3A_2, %add3A_1385 : i32
      %dma_wait3A_1419 = arith.constant 1 : i32
      %dma_wait3A_1420 = arith.constant 0 : i32
      %dma_wait3A_1421 = arith.constant 0 : i32
      %dma_wait3A_1422 = tpu.memref_slice %arg8[%arg1, %dma_wait3A_1419, %dma_wait3A_1420, %dma_wait3A_1421] : memref<16x4x200x128xf32, #tpu.memory_space<vmem_shared>> -> memref<1x1x200x128xf32, #tpu.memory_space<vmem_shared>>
      %dma_wait3A_1423 = tpu.memref_squeeze %dma_wait3A_1422 : memref<1x1x200x128xf32, #tpu.memory_space<vmem_shared>> -> memref<200x128xf32, #tpu.memory_space<vmem_shared>>
      %dma_wait3A_1424 = arith.constant 0 : i32
      %dma_wait3A_1425 = arith.constant 0 : i32
      %dma_wait3A_1426 = tpu.memref_slice %arg2[%add3A_1418, %dma_wait3A_1424, %dma_wait3A_1425] : memref<4096x200x128xf32, #tpu.memory_space<hbm>> -> memref<1x200x128xf32, #tpu.memory_space<hbm>>
      %dma_wait3A_1427 = tpu.memref_squeeze %dma_wait3A_1426 : memref<1x200x128xf32, #tpu.memory_space<hbm>> -> memref<200x128xf32, #tpu.memory_space<hbm>>
      tpu.wait_dma2 semaphore(%arg10 : memref<!tpu.dma_semaphore, #tpu.memory_space<semaphore_mem>>) src(%dma_wait3A_1427 : memref<200x128xf32, #tpu.memory_space<hbm>>) dst(%dma_wait3A_1423 : memref<200x128xf32, #tpu.memory_space<vmem_shared>>)
      %dma_start3A_1428 = arith.constant 1 : i32
      %dma_start3A_1429 = arith.constant 1 : i32
      %dma_start3A_1430 = arith.constant 0 : i32
      %dma_start3A_1431 = tpu.memref_slice %arg5[%dma_start3A_1429, %dma_start3A_1430] : memref<216x128xf32, #tpu.memory_space<vmem>> -> memref<128x128xf32, #tpu.memory_space<vmem>>
      %dma_start3A_1432 = arith.constant 0 : i32
      %dma_start3A_1433 = arith.constant 0 : i32
      %dma_start3A_1434 = tpu.memref_slice %arg8[%arg1, %dma_start3A_1428, %dma_start3A_1432, %dma_start3A_1433] : memref<16x4x200x128xf32, #tpu.memory_space<vmem_shared>> -> memref<1x1x200x128xf32, #tpu.memory_space<vmem_shared>>
      %dma_start3A_1435 = tpu.memref_squeeze %dma_start3A_1434 : memref<1x1x200x128xf32, #tpu.memory_space<vmem_shared>> -> memref<200x128xf32, #tpu.memory_space<vmem_shared>>
      %dma_start3A_1436 = arith.constant 0 : i32
      %dma_start3A_1437 = arith.constant 0 : i32
      %dma_start3A_1438 = tpu.memref_slice %dma_start3A_1435[%dma_start3A_1436, %dma_start3A_1437] : memref<200x128xf32, #tpu.memory_space<vmem_shared>> -> memref<200x128xf32, #tpu.memory_space<vmem_shared>>
      tpu.enqueue_indirect_dma source(%dma_start3A_1431 : memref<128x128xf32, #tpu.memory_space<vmem>>) target(%dma_start3A_1438 : memref<200x128xf32, #tpu.memory_space<vmem_shared>>) offsets(%arg6 : memref<128xi32, #tpu.memory_space<vmem>>) semaphore(%arg10 : memref<!tpu.dma_semaphore, #tpu.memory_space<semaphore_mem>>) {add = true}
      %dma_start3A_1439 = arith.constant 1 : i32
      %dma_start3A_1440 = arith.constant 129 : i32
      %dma_start3A_1441 = arith.constant 0 : i32
      %dma_start3A_1442 = tpu.memref_slice %arg5[%dma_start3A_1440, %dma_start3A_1441] : memref<216x128xf32, #tpu.memory_space<vmem>> -> memref<80x128xf32, #tpu.memory_space<vmem>>
      %dma_start3A_1443 = arith.constant 0 : i32
      %dma_start3A_1444 = arith.constant 0 : i32
      %dma_start3A_1445 = tpu.memref_slice %arg8[%arg1, %dma_start3A_1439, %dma_start3A_1443, %dma_start3A_1444] : memref<16x4x200x128xf32, #tpu.memory_space<vmem_shared>> -> memref<1x1x200x128xf32, #tpu.memory_space<vmem_shared>>
      %dma_start3A_1446 = tpu.memref_squeeze %dma_start3A_1445 : memref<1x1x200x128xf32, #tpu.memory_space<vmem_shared>> -> memref<200x128xf32, #tpu.memory_space<vmem_shared>>
      %dma_start3A_1447 = arith.constant 0 : i32
      %dma_start3A_1448 = arith.constant 0 : i32
      %dma_start3A_1449 = tpu.memref_slice %dma_start3A_1446[%dma_start3A_1447, %dma_start3A_1448] : memref<200x128xf32, #tpu.memory_space<vmem_shared>> -> memref<200x128xf32, #tpu.memory_space<vmem_shared>>
      tpu.enqueue_indirect_dma source(%dma_start3A_1442 : memref<80x128xf32, #tpu.memory_space<vmem>>) target(%dma_start3A_1449 : memref<200x128xf32, #tpu.memory_space<vmem_shared>>) offsets(%arg7 : memref<80xi32, #tpu.memory_space<vmem>>) semaphore(%arg10 : memref<!tpu.dma_semaphore, #tpu.memory_space<semaphore_mem>>) {add = true}
      %dma_wait3A_1450 = arith.constant 0 : i32
      %dma_wait3A_1451 = arith.constant 1 : i32
      %dma_wait3A_1452 = arith.constant 0 : i32
      %dma_wait3A_1453 = tpu.memref_slice %arg5[%dma_wait3A_1451, %dma_wait3A_1452] : memref<216x128xf32, #tpu.memory_space<vmem>> -> memref<128x128xf32, #tpu.memory_space<vmem>>
      %dma_wait3A_1454 = arith.constant 0 : i32
      %dma_wait3A_1455 = arith.constant 0 : i32
      %dma_wait3A_1456 = tpu.memref_slice %arg8[%arg1, %dma_wait3A_1450, %dma_wait3A_1454, %dma_wait3A_1455] : memref<16x4x200x128xf32, #tpu.memory_space<vmem_shared>> -> memref<1x1x200x128xf32, #tpu.memory_space<vmem_shared>>
      %dma_wait3A_1457 = tpu.memref_squeeze %dma_wait3A_1456 : memref<1x1x200x128xf32, #tpu.memory_space<vmem_shared>> -> memref<200x128xf32, #tpu.memory_space<vmem_shared>>
      %dma_wait3A_1458 = arith.constant 0 : i32
      %dma_wait3A_1459 = arith.constant 0 : i32
      %dma_wait3A_1460 = tpu.memref_slice %dma_wait3A_1457[%dma_wait3A_1458, %dma_wait3A_1459] : memref<200x128xf32, #tpu.memory_space<vmem_shared>> -> memref<200x128xf32, #tpu.memory_space<vmem_shared>>
      tpu.wait_indirect_dma semaphore(%arg9 : memref<!tpu.dma_semaphore, #tpu.memory_space<semaphore_mem>>) src(%dma_wait3A_1453 : memref<128x128xf32, #tpu.memory_space<vmem>>) dst(%dma_wait3A_1460 : memref<200x128xf32, #tpu.memory_space<vmem_shared>>)
      %dma_wait3A_1461 = arith.constant 0 : i32
      %dma_wait3A_1462 = arith.constant 129 : i32
      %dma_wait3A_1463 = arith.constant 0 : i32
      %dma_wait3A_1464 = tpu.memref_slice %arg5[%dma_wait3A_1462, %dma_wait3A_1463] : memref<216x128xf32, #tpu.memory_space<vmem>> -> memref<80x128xf32, #tpu.memory_space<vmem>>
      %dma_wait3A_1465 = arith.constant 0 : i32
      %dma_wait3A_1466 = arith.constant 0 : i32
      %dma_wait3A_1467 = tpu.memref_slice %arg8[%arg1, %dma_wait3A_1461, %dma_wait3A_1465, %dma_wait3A_1466] : memref<16x4x200x128xf32, #tpu.memory_space<vmem_shared>> -> memref<1x1x200x128xf32, #tpu.memory_space<vmem_shared>>
      %dma_wait3A_1468 = tpu.memref_squeeze %dma_wait3A_1467 : memref<1x1x200x128xf32, #tpu.memory_space<vmem_shared>> -> memref<200x128xf32, #tpu.memory_space<vmem_shared>>
      %dma_wait3A_1469 = arith.constant 0 : i32
      %dma_wait3A_1470 = arith.constant 0 : i32
      %dma_wait3A_1471 = tpu.memref_slice %dma_wait3A_1468[%dma_wait3A_1469, %dma_wait3A_1470] : memref<200x128xf32, #tpu.memory_space<vmem_shared>> -> memref<200x128xf32, #tpu.memory_space<vmem_shared>>
      tpu.wait_indirect_dma semaphore(%arg9 : memref<!tpu.dma_semaphore, #tpu.memory_space<semaphore_mem>>) src(%dma_wait3A_1464 : memref<80x128xf32, #tpu.memory_space<vmem>>) dst(%dma_wait3A_1471 : memref<200x128xf32, #tpu.memory_space<vmem_shared>>)
      %add3A_1472 = arith.addi %mul3A_2, %add3A_1383 : i32
      %dma_start3A_1473 = arith.constant 0 : i32
      %dma_start3A_1474 = arith.constant 0 : i32
      %dma_start3A_1475 = arith.constant 0 : i32
      %dma_start3A_1476 = tpu.memref_slice %arg4[%add3A_1472, %dma_start3A_1474, %dma_start3A_1475] : memref<4096x200x128xf32, #tpu.memory_space<hbm>> -> memref<1x200x128xf32, #tpu.memory_space<hbm>>
      %dma_start3A_1477 = tpu.memref_squeeze %dma_start3A_1476 : memref<1x200x128xf32, #tpu.memory_space<hbm>> -> memref<200x128xf32, #tpu.memory_space<hbm>>
      %dma_start3A_1478 = arith.constant 0 : i32
      %dma_start3A_1479 = arith.constant 0 : i32
      %dma_start3A_1480 = tpu.memref_slice %arg8[%arg1, %dma_start3A_1473, %dma_start3A_1478, %dma_start3A_1479] : memref<16x4x200x128xf32, #tpu.memory_space<vmem_shared>> -> memref<1x1x200x128xf32, #tpu.memory_space<vmem_shared>>
      %dma_start3A_1481 = tpu.memref_squeeze %dma_start3A_1480 : memref<1x1x200x128xf32, #tpu.memory_space<vmem_shared>> -> memref<200x128xf32, #tpu.memory_space<vmem_shared>>
      tpu.enqueue_dma source(%dma_start3A_1481 : memref<200x128xf32, #tpu.memory_space<vmem_shared>>) target(%dma_start3A_1477 : memref<200x128xf32, #tpu.memory_space<hbm>>) target_semaphore(%arg13 : memref<!tpu.dma_semaphore, #tpu.memory_space<semaphore_mem>>)
      %dma_wait3A_1482 = arith.constant 1 : i32
      %dma_wait3A_1483 = arith.constant 1 : i32
      %dma_wait3A_1484 = arith.constant 0 : i32
      %dma_wait3A_1485 = tpu.memref_slice %arg5[%dma_wait3A_1483, %dma_wait3A_1484] : memref<216x128xf32, #tpu.memory_space<vmem>> -> memref<128x128xf32, #tpu.memory_space<vmem>>
      %dma_wait3A_1486 = arith.constant 0 : i32
      %dma_wait3A_1487 = arith.constant 0 : i32
      %dma_wait3A_1488 = tpu.memref_slice %arg8[%arg1, %dma_wait3A_1482, %dma_wait3A_1486, %dma_wait3A_1487] : memref<16x4x200x128xf32, #tpu.memory_space<vmem_shared>> -> memref<1x1x200x128xf32, #tpu.memory_space<vmem_shared>>
      %dma_wait3A_1489 = tpu.memref_squeeze %dma_wait3A_1488 : memref<1x1x200x128xf32, #tpu.memory_space<vmem_shared>> -> memref<200x128xf32, #tpu.memory_space<vmem_shared>>
      %dma_wait3A_1490 = arith.constant 0 : i32
      %dma_wait3A_1491 = arith.constant 0 : i32
      %dma_wait3A_1492 = tpu.memref_slice %dma_wait3A_1489[%dma_wait3A_1490, %dma_wait3A_1491] : memref<200x128xf32, #tpu.memory_space<vmem_shared>> -> memref<200x128xf32, #tpu.memory_space<vmem_shared>>
      tpu.wait_indirect_dma semaphore(%arg10 : memref<!tpu.dma_semaphore, #tpu.memory_space<semaphore_mem>>) src(%dma_wait3A_1485 : memref<128x128xf32, #tpu.memory_space<vmem>>) dst(%dma_wait3A_1492 : memref<200x128xf32, #tpu.memory_space<vmem_shared>>)
      %dma_wait3A_1493 = arith.constant 1 : i32
      %dma_wait3A_1494 = arith.constant 129 : i32
      %dma_wait3A_1495 = arith.constant 0 : i32
      %dma_wait3A_1496 = tpu.memref_slice %arg5[%dma_wait3A_1494, %dma_wait3A_1495] : memref<216x128xf32, #tpu.memory_space<vmem>> -> memref<80x128xf32, #tpu.memory_space<vmem>>
      %dma_wait3A_1497 = arith.constant 0 : i32
      %dma_wait3A_1498 = arith.constant 0 : i32
      %dma_wait3A_1499 = tpu.memref_slice %arg8[%arg1, %dma_wait3A_1493, %dma_wait3A_1497, %dma_wait3A_1498] : memref<16x4x200x128xf32, #tpu.memory_space<vmem_shared>> -> memref<1x1x200x128xf32, #tpu.memory_space<vmem_shared>>
      %dma_wait3A_1500 = tpu.memref_squeeze %dma_wait3A_1499 : memref<1x1x200x128xf32, #tpu.memory_space<vmem_shared>> -> memref<200x128xf32, #tpu.memory_space<vmem_shared>>
      %dma_wait3A_1501 = arith.constant 0 : i32
      %dma_wait3A_1502 = arith.constant 0 : i32
      %dma_wait3A_1503 = tpu.memref_slice %dma_wait3A_1500[%dma_wait3A_1501, %dma_wait3A_1502] : memref<200x128xf32, #tpu.memory_space<vmem_shared>> -> memref<200x128xf32, #tpu.memory_space<vmem_shared>>
      tpu.wait_indirect_dma semaphore(%arg10 : memref<!tpu.dma_semaphore, #tpu.memory_space<semaphore_mem>>) src(%dma_wait3A_1496 : memref<80x128xf32, #tpu.memory_space<vmem>>) dst(%dma_wait3A_1503 : memref<200x128xf32, #tpu.memory_space<vmem_shared>>)
      %add3A_1504 = arith.addi %mul3A_2, %add3A_1385 : i32
      %dma_start3A_1505 = arith.constant 1 : i32
      %dma_start3A_1506 = arith.constant 0 : i32
      %dma_start3A_1507 = arith.constant 0 : i32
      %dma_start3A_1508 = tpu.memref_slice %arg4[%add3A_1504, %dma_start3A_1506, %dma_start3A_1507] : memref<4096x200x128xf32, #tpu.memory_space<hbm>> -> memref<1x200x128xf32, #tpu.memory_space<hbm>>
      %dma_start3A_1509 = tpu.memref_squeeze %dma_start3A_1508 : memref<1x200x128xf32, #tpu.memory_space<hbm>> -> memref<200x128xf32, #tpu.memory_space<hbm>>
      %dma_start3A_1510 = arith.constant 0 : i32
      %dma_start3A_1511 = arith.constant 0 : i32
      %dma_start3A_1512 = tpu.memref_slice %arg8[%arg1, %dma_start3A_1505, %dma_start3A_1510, %dma_start3A_1511] : memref<16x4x200x128xf32, #tpu.memory_space<vmem_shared>> -> memref<1x1x200x128xf32, #tpu.memory_space<vmem_shared>>
      %dma_start3A_1513 = tpu.memref_squeeze %dma_start3A_1512 : memref<1x1x200x128xf32, #tpu.memory_space<vmem_shared>> -> memref<200x128xf32, #tpu.memory_space<vmem_shared>>
      tpu.enqueue_dma source(%dma_start3A_1513 : memref<200x128xf32, #tpu.memory_space<vmem_shared>>) target(%dma_start3A_1509 : memref<200x128xf32, #tpu.memory_space<hbm>>) target_semaphore(%arg14 : memref<!tpu.dma_semaphore, #tpu.memory_space<semaphore_mem>>)
      %add3A_1514 = arith.constant 2 : i32
      %add3A_1515 = arith.addi %mul3A_1197, %add3A_1514 : i32
      %add3A_1516 = arith.constant 0 : i32
      %add3A_1517 = arith.addi %add3A_1515, %add3A_1516 : i32
      %add3A_1518 = arith.addi %mul3A_2, %add3A_1517 : i32
      %dma_wait3A_1519 = arith.constant 2 : i32
      %dma_wait3A_1520 = arith.constant 0 : i32
      %dma_wait3A_1521 = arith.constant 0 : i32
      %dma_wait3A_1522 = tpu.memref_slice %arg4[%add3A_1518, %dma_wait3A_1520, %dma_wait3A_1521] : memref<4096x200x128xf32, #tpu.memory_space<hbm>> -> memref<1x200x128xf32, #tpu.memory_space<hbm>>
      %dma_wait3A_1523 = tpu.memref_squeeze %dma_wait3A_1522 : memref<1x200x128xf32, #tpu.memory_space<hbm>> -> memref<200x128xf32, #tpu.memory_space<hbm>>
      %dma_wait3A_1524 = arith.constant 0 : i32
      %dma_wait3A_1525 = arith.constant 0 : i32
      %dma_wait3A_1526 = tpu.memref_slice %arg8[%arg1, %dma_wait3A_1519, %dma_wait3A_1524, %dma_wait3A_1525] : memref<16x4x200x128xf32, #tpu.memory_space<vmem_shared>> -> memref<1x1x200x128xf32, #tpu.memory_space<vmem_shared>>
      %dma_wait3A_1527 = tpu.memref_squeeze %dma_wait3A_1526 : memref<1x1x200x128xf32, #tpu.memory_space<vmem_shared>> -> memref<200x128xf32, #tpu.memory_space<vmem_shared>>
      tpu.wait_dma2 semaphore(%arg15 : memref<!tpu.dma_semaphore, #tpu.memory_space<semaphore_mem>>) src(%dma_wait3A_1527 : memref<200x128xf32, #tpu.memory_space<vmem_shared>>) dst(%dma_wait3A_1523 : memref<200x128xf32, #tpu.memory_space<hbm>>)
      %add3A_1528 = arith.constant 6 : i32
      %add3A_1529 = arith.addi %mul3A_1197, %add3A_1528 : i32
      %add3A_1530 = arith.constant 0 : i32
      %add3A_1531 = arith.addi %add3A_1529, %add3A_1530 : i32
      %add3A_1532 = arith.addi %mul3A_2, %add3A_1531 : i32
      %dma_start3A_1533 = arith.constant 2 : i32
      %dma_start3A_1534 = arith.constant 0 : i32
      %dma_start3A_1535 = arith.constant 0 : i32
      %dma_start3A_1536 = tpu.memref_slice %arg8[%arg1, %dma_start3A_1533, %dma_start3A_1534, %dma_start3A_1535] : memref<16x4x200x128xf32, #tpu.memory_space<vmem_shared>> -> memref<1x1x200x128xf32, #tpu.memory_space<vmem_shared>>
      %dma_start3A_1537 = tpu.memref_squeeze %dma_start3A_1536 : memref<1x1x200x128xf32, #tpu.memory_space<vmem_shared>> -> memref<200x128xf32, #tpu.memory_space<vmem_shared>>
      %dma_start3A_1538 = arith.constant 0 : i32
      %dma_start3A_1539 = arith.constant 0 : i32
      %dma_start3A_1540 = tpu.memref_slice %arg2[%add3A_1532, %dma_start3A_1538, %dma_start3A_1539] : memref<4096x200x128xf32, #tpu.memory_space<hbm>> -> memref<1x200x128xf32, #tpu.memory_space<hbm>>
      %dma_start3A_1541 = tpu.memref_squeeze %dma_start3A_1540 : memref<1x200x128xf32, #tpu.memory_space<hbm>> -> memref<200x128xf32, #tpu.memory_space<hbm>>
      tpu.enqueue_dma source(%dma_start3A_1541 : memref<200x128xf32, #tpu.memory_space<hbm>>) target(%dma_start3A_1537 : memref<200x128xf32, #tpu.memory_space<vmem_shared>>) target_semaphore(%arg11 : memref<!tpu.dma_semaphore, #tpu.memory_space<semaphore_mem>>)
      %add3A_1542 = arith.constant 2 : i32
      %add3A_1543 = arith.addi %mul3A_1197, %add3A_1542 : i32
      %add3A_1544 = arith.constant 1 : i32
      %add3A_1545 = arith.addi %add3A_1543, %add3A_1544 : i32
      %add3A_1546 = arith.addi %mul3A_2, %add3A_1545 : i32
      %dma_wait3A_1547 = arith.constant 3 : i32
      %dma_wait3A_1548 = arith.constant 0 : i32
      %dma_wait3A_1549 = arith.constant 0 : i32
      %dma_wait3A_1550 = tpu.memref_slice %arg4[%add3A_1546, %dma_wait3A_1548, %dma_wait3A_1549] : memref<4096x200x128xf32, #tpu.memory_space<hbm>> -> memref<1x200x128xf32, #tpu.memory_space<hbm>>
      %dma_wait3A_1551 = tpu.memref_squeeze %dma_wait3A_1550 : memref<1x200x128xf32, #tpu.memory_space<hbm>> -> memref<200x128xf32, #tpu.memory_space<hbm>>
      %dma_wait3A_1552 = arith.constant 0 : i32
      %dma_wait3A_1553 = arith.constant 0 : i32
      %dma_wait3A_1554 = tpu.memref_slice %arg8[%arg1, %dma_wait3A_1547, %dma_wait3A_1552, %dma_wait3A_1553] : memref<16x4x200x128xf32, #tpu.memory_space<vmem_shared>> -> memref<1x1x200x128xf32, #tpu.memory_space<vmem_shared>>
      %dma_wait3A_1555 = tpu.memref_squeeze %dma_wait3A_1554 : memref<1x1x200x128xf32, #tpu.memory_space<vmem_shared>> -> memref<200x128xf32, #tpu.memory_space<vmem_shared>>
      tpu.wait_dma2 semaphore(%arg16 : memref<!tpu.dma_semaphore, #tpu.memory_space<semaphore_mem>>) src(%dma_wait3A_1555 : memref<200x128xf32, #tpu.memory_space<vmem_shared>>) dst(%dma_wait3A_1551 : memref<200x128xf32, #tpu.memory_space<hbm>>)
      %add3A_1556 = arith.constant 6 : i32
      %add3A_1557 = arith.addi %mul3A_1197, %add3A_1556 : i32
      %add3A_1558 = arith.constant 1 : i32
      %add3A_1559 = arith.addi %add3A_1557, %add3A_1558 : i32
      %add3A_1560 = arith.addi %mul3A_2, %add3A_1559 : i32
      %dma_start3A_1561 = arith.constant 3 : i32
      %dma_start3A_1562 = arith.constant 0 : i32
      %dma_start3A_1563 = arith.constant 0 : i32
      %dma_start3A_1564 = tpu.memref_slice %arg8[%arg1, %dma_start3A_1561, %dma_start3A_1562, %dma_start3A_1563] : memref<16x4x200x128xf32, #tpu.memory_space<vmem_shared>> -> memref<1x1x200x128xf32, #tpu.memory_space<vmem_shared>>
      %dma_start3A_1565 = tpu.memref_squeeze %dma_start3A_1564 : memref<1x1x200x128xf32, #tpu.memory_space<vmem_shared>> -> memref<200x128xf32, #tpu.memory_space<vmem_shared>>
      %dma_start3A_1566 = arith.constant 0 : i32
      %dma_start3A_1567 = arith.constant 0 : i32
      %dma_start3A_1568 = tpu.memref_slice %arg2[%add3A_1560, %dma_start3A_1566, %dma_start3A_1567] : memref<4096x200x128xf32, #tpu.memory_space<hbm>> -> memref<1x200x128xf32, #tpu.memory_space<hbm>>
      %dma_start3A_1569 = tpu.memref_squeeze %dma_start3A_1568 : memref<1x200x128xf32, #tpu.memory_space<hbm>> -> memref<200x128xf32, #tpu.memory_space<hbm>>
      tpu.enqueue_dma source(%dma_start3A_1569 : memref<200x128xf32, #tpu.memory_space<hbm>>) target(%dma_start3A_1565 : memref<200x128xf32, #tpu.memory_space<vmem_shared>>) target_semaphore(%arg12 : memref<!tpu.dma_semaphore, #tpu.memory_space<semaphore_mem>>)
    }
    %scan3A_1018 = arith.constant 31 : i32
    %add3A_1019 = arith.constant 126 : i32
    %add3A_1020 = arith.addi %mul3A_2, %add3A_1019 : i32
    %dma_wait3A_1021 = arith.constant 2 : i32
    %dma_wait3A_1022 = arith.constant 0 : i32
    %dma_wait3A_1023 = arith.constant 0 : i32
    %dma_wait3A_1024 = tpu.memref_slice %arg8[%arg1, %dma_wait3A_1021, %dma_wait3A_1022, %dma_wait3A_1023] : memref<16x4x200x128xf32, #tpu.memory_space<vmem_shared>> -> memref<1x1x200x128xf32, #tpu.memory_space<vmem_shared>>
    %dma_wait3A_1025 = tpu.memref_squeeze %dma_wait3A_1024 : memref<1x1x200x128xf32, #tpu.memory_space<vmem_shared>> -> memref<200x128xf32, #tpu.memory_space<vmem_shared>>
    %dma_wait3A_1026 = arith.constant 0 : i32
    %dma_wait3A_1027 = arith.constant 0 : i32
    %dma_wait3A_1028 = tpu.memref_slice %arg2[%add3A_1020, %dma_wait3A_1026, %dma_wait3A_1027] : memref<4096x200x128xf32, #tpu.memory_space<hbm>> -> memref<1x200x128xf32, #tpu.memory_space<hbm>>
    %dma_wait3A_1029 = tpu.memref_squeeze %dma_wait3A_1028 : memref<1x200x128xf32, #tpu.memory_space<hbm>> -> memref<200x128xf32, #tpu.memory_space<hbm>>
    tpu.wait_dma2 semaphore(%arg11 : memref<!tpu.dma_semaphore, #tpu.memory_space<semaphore_mem>>) src(%dma_wait3A_1029 : memref<200x128xf32, #tpu.memory_space<hbm>>) dst(%dma_wait3A_1025 : memref<200x128xf32, #tpu.memory_space<vmem_shared>>)
    %dma_start3A_1030 = arith.constant 2 : i32
    %dma_start3A_1031 = arith.constant 1 : i32
    %dma_start3A_1032 = arith.constant 0 : i32
    %dma_start3A_1033 = tpu.memref_slice %arg5[%dma_start3A_1031, %dma_start3A_1032] : memref<216x128xf32, #tpu.memory_space<vmem>> -> memref<128x128xf32, #tpu.memory_space<vmem>>
    %dma_start3A_1034 = arith.constant 0 : i32
    %dma_start3A_1035 = arith.constant 0 : i32
    %dma_start3A_1036 = tpu.memref_slice %arg8[%arg1, %dma_start3A_1030, %dma_start3A_1034, %dma_start3A_1035] : memref<16x4x200x128xf32, #tpu.memory_space<vmem_shared>> -> memref<1x1x200x128xf32, #tpu.memory_space<vmem_shared>>
    %dma_start3A_1037 = tpu.memref_squeeze %dma_start3A_1036 : memref<1x1x200x128xf32, #tpu.memory_space<vmem_shared>> -> memref<200x128xf32, #tpu.memory_space<vmem_shared>>
    %dma_start3A_1038 = arith.constant 0 : i32
    %dma_start3A_1039 = arith.constant 0 : i32
    %dma_start3A_1040 = tpu.memref_slice %dma_start3A_1037[%dma_start3A_1038, %dma_start3A_1039] : memref<200x128xf32, #tpu.memory_space<vmem_shared>> -> memref<200x128xf32, #tpu.memory_space<vmem_shared>>
    tpu.enqueue_indirect_dma source(%dma_start3A_1033 : memref<128x128xf32, #tpu.memory_space<vmem>>) target(%dma_start3A_1040 : memref<200x128xf32, #tpu.memory_space<vmem_shared>>) offsets(%arg6 : memref<128xi32, #tpu.memory_space<vmem>>) semaphore(%arg11 : memref<!tpu.dma_semaphore, #tpu.memory_space<semaphore_mem>>) {add = true}
    %dma_start3A_1041 = arith.constant 2 : i32
    %dma_start3A_1042 = arith.constant 129 : i32
    %dma_start3A_1043 = arith.constant 0 : i32
    %dma_start3A_1044 = tpu.memref_slice %arg5[%dma_start3A_1042, %dma_start3A_1043] : memref<216x128xf32, #tpu.memory_space<vmem>> -> memref<80x128xf32, #tpu.memory_space<vmem>>
    %dma_start3A_1045 = arith.constant 0 : i32
    %dma_start3A_1046 = arith.constant 0 : i32
    %dma_start3A_1047 = tpu.memref_slice %arg8[%arg1, %dma_start3A_1041, %dma_start3A_1045, %dma_start3A_1046] : memref<16x4x200x128xf32, #tpu.memory_space<vmem_shared>> -> memref<1x1x200x128xf32, #tpu.memory_space<vmem_shared>>
    %dma_start3A_1048 = tpu.memref_squeeze %dma_start3A_1047 : memref<1x1x200x128xf32, #tpu.memory_space<vmem_shared>> -> memref<200x128xf32, #tpu.memory_space<vmem_shared>>
    %dma_start3A_1049 = arith.constant 0 : i32
    %dma_start3A_1050 = arith.constant 0 : i32
    %dma_start3A_1051 = tpu.memref_slice %dma_start3A_1048[%dma_start3A_1049, %dma_start3A_1050] : memref<200x128xf32, #tpu.memory_space<vmem_shared>> -> memref<200x128xf32, #tpu.memory_space<vmem_shared>>
    tpu.enqueue_indirect_dma source(%dma_start3A_1044 : memref<80x128xf32, #tpu.memory_space<vmem>>) target(%dma_start3A_1051 : memref<200x128xf32, #tpu.memory_space<vmem_shared>>) offsets(%arg7 : memref<80xi32, #tpu.memory_space<vmem>>) semaphore(%arg11 : memref<!tpu.dma_semaphore, #tpu.memory_space<semaphore_mem>>) {add = true}
    %add3A_1052 = arith.constant 127 : i32
    %add3A_1053 = arith.addi %mul3A_2, %add3A_1052 : i32
    %dma_wait3A_1054 = arith.constant 3 : i32
    %dma_wait3A_1055 = arith.constant 0 : i32
    %dma_wait3A_1056 = arith.constant 0 : i32
    %dma_wait3A_1057 = tpu.memref_slice %arg8[%arg1, %dma_wait3A_1054, %dma_wait3A_1055, %dma_wait3A_1056] : memref<16x4x200x128xf32, #tpu.memory_space<vmem_shared>> -> memref<1x1x200x128xf32, #tpu.memory_space<vmem_shared>>
    %dma_wait3A_1058 = tpu.memref_squeeze %dma_wait3A_1057 : memref<1x1x200x128xf32, #tpu.memory_space<vmem_shared>> -> memref<200x128xf32, #tpu.memory_space<vmem_shared>>
    %dma_wait3A_1059 = arith.constant 0 : i32
    %dma_wait3A_1060 = arith.constant 0 : i32
    %dma_wait3A_1061 = tpu.memref_slice %arg2[%add3A_1053, %dma_wait3A_1059, %dma_wait3A_1060] : memref<4096x200x128xf32, #tpu.memory_space<hbm>> -> memref<1x200x128xf32, #tpu.memory_space<hbm>>
    %dma_wait3A_1062 = tpu.memref_squeeze %dma_wait3A_1061 : memref<1x200x128xf32, #tpu.memory_space<hbm>> -> memref<200x128xf32, #tpu.memory_space<hbm>>
    tpu.wait_dma2 semaphore(%arg12 : memref<!tpu.dma_semaphore, #tpu.memory_space<semaphore_mem>>) src(%dma_wait3A_1062 : memref<200x128xf32, #tpu.memory_space<hbm>>) dst(%dma_wait3A_1058 : memref<200x128xf32, #tpu.memory_space<vmem_shared>>)
    %dma_start3A_1063 = arith.constant 3 : i32
    %dma_start3A_1064 = arith.constant 1 : i32
    %dma_start3A_1065 = arith.constant 0 : i32
    %dma_start3A_1066 = tpu.memref_slice %arg5[%dma_start3A_1064, %dma_start3A_1065] : memref<216x128xf32, #tpu.memory_space<vmem>> -> memref<128x128xf32, #tpu.memory_space<vmem>>
    %dma_start3A_1067 = arith.constant 0 : i32
    %dma_start3A_1068 = arith.constant 0 : i32
    %dma_start3A_1069 = tpu.memref_slice %arg8[%arg1, %dma_start3A_1063, %dma_start3A_1067, %dma_start3A_1068] : memref<16x4x200x128xf32, #tpu.memory_space<vmem_shared>> -> memref<1x1x200x128xf32, #tpu.memory_space<vmem_shared>>
    %dma_start3A_1070 = tpu.memref_squeeze %dma_start3A_1069 : memref<1x1x200x128xf32, #tpu.memory_space<vmem_shared>> -> memref<200x128xf32, #tpu.memory_space<vmem_shared>>
    %dma_start3A_1071 = arith.constant 0 : i32
    %dma_start3A_1072 = arith.constant 0 : i32
    %dma_start3A_1073 = tpu.memref_slice %dma_start3A_1070[%dma_start3A_1071, %dma_start3A_1072] : memref<200x128xf32, #tpu.memory_space<vmem_shared>> -> memref<200x128xf32, #tpu.memory_space<vmem_shared>>
    tpu.enqueue_indirect_dma source(%dma_start3A_1066 : memref<128x128xf32, #tpu.memory_space<vmem>>) target(%dma_start3A_1073 : memref<200x128xf32, #tpu.memory_space<vmem_shared>>) offsets(%arg6 : memref<128xi32, #tpu.memory_space<vmem>>) semaphore(%arg12 : memref<!tpu.dma_semaphore, #tpu.memory_space<semaphore_mem>>) {add = true}
    %dma_start3A_1074 = arith.constant 3 : i32
    %dma_start3A_1075 = arith.constant 129 : i32
    %dma_start3A_1076 = arith.constant 0 : i32
    %dma_start3A_1077 = tpu.memref_slice %arg5[%dma_start3A_1075, %dma_start3A_1076] : memref<216x128xf32, #tpu.memory_space<vmem>> -> memref<80x128xf32, #tpu.memory_space<vmem>>
    %dma_start3A_1078 = arith.constant 0 : i32
    %dma_start3A_1079 = arith.constant 0 : i32
    %dma_start3A_1080 = tpu.memref_slice %arg8[%arg1, %dma_start3A_1074, %dma_start3A_1078, %dma_start3A_1079] : memref<16x4x200x128xf32, #tpu.memory_space<vmem_shared>> -> memref<1x1x200x128xf32, #tpu.memory_space<vmem_shared>>
    %dma_start3A_1081 = tpu.memref_squeeze %dma_start3A_1080 : memref<1x1x200x128xf32, #tpu.memory_space<vmem_shared>> -> memref<200x128xf32, #tpu.memory_space<vmem_shared>>
    %dma_start3A_1082 = arith.constant 0 : i32
    %dma_start3A_1083 = arith.constant 0 : i32
    %dma_start3A_1084 = tpu.memref_slice %dma_start3A_1081[%dma_start3A_1082, %dma_start3A_1083] : memref<200x128xf32, #tpu.memory_space<vmem_shared>> -> memref<200x128xf32, #tpu.memory_space<vmem_shared>>
    tpu.enqueue_indirect_dma source(%dma_start3A_1077 : memref<80x128xf32, #tpu.memory_space<vmem>>) target(%dma_start3A_1084 : memref<200x128xf32, #tpu.memory_space<vmem_shared>>) offsets(%arg7 : memref<80xi32, #tpu.memory_space<vmem>>) semaphore(%arg12 : memref<!tpu.dma_semaphore, #tpu.memory_space<semaphore_mem>>) {add = true}
    %dma_wait3A_1085 = arith.constant 2 : i32
    %dma_wait3A_1086 = arith.constant 1 : i32
    %dma_wait3A_1087 = arith.constant 0 : i32
    %dma_wait3A_1088 = tpu.memref_slice %arg5[%dma_wait3A_1086, %dma_wait3A_1087] : memref<216x128xf32, #tpu.memory_space<vmem>> -> memref<128x128xf32, #tpu.memory_space<vmem>>
    %dma_wait3A_1089 = arith.constant 0 : i32
    %dma_wait3A_1090 = arith.constant 0 : i32
    %dma_wait3A_1091 = tpu.memref_slice %arg8[%arg1, %dma_wait3A_1085, %dma_wait3A_1089, %dma_wait3A_1090] : memref<16x4x200x128xf32, #tpu.memory_space<vmem_shared>> -> memref<1x1x200x128xf32, #tpu.memory_space<vmem_shared>>
    %dma_wait3A_1092 = tpu.memref_squeeze %dma_wait3A_1091 : memref<1x1x200x128xf32, #tpu.memory_space<vmem_shared>> -> memref<200x128xf32, #tpu.memory_space<vmem_shared>>
    %dma_wait3A_1093 = arith.constant 0 : i32
    %dma_wait3A_1094 = arith.constant 0 : i32
    %dma_wait3A_1095 = tpu.memref_slice %dma_wait3A_1092[%dma_wait3A_1093, %dma_wait3A_1094] : memref<200x128xf32, #tpu.memory_space<vmem_shared>> -> memref<200x128xf32, #tpu.memory_space<vmem_shared>>
    tpu.wait_indirect_dma semaphore(%arg11 : memref<!tpu.dma_semaphore, #tpu.memory_space<semaphore_mem>>) src(%dma_wait3A_1088 : memref<128x128xf32, #tpu.memory_space<vmem>>) dst(%dma_wait3A_1095 : memref<200x128xf32, #tpu.memory_space<vmem_shared>>)
    %dma_wait3A_1096 = arith.constant 2 : i32
    %dma_wait3A_1097 = arith.constant 129 : i32
    %dma_wait3A_1098 = arith.constant 0 : i32
    %dma_wait3A_1099 = tpu.memref_slice %arg5[%dma_wait3A_1097, %dma_wait3A_1098] : memref<216x128xf32, #tpu.memory_space<vmem>> -> memref<80x128xf32, #tpu.memory_space<vmem>>
    %dma_wait3A_1100 = arith.constant 0 : i32
    %dma_wait3A_1101 = arith.constant 0 : i32
    %dma_wait3A_1102 = tpu.memref_slice %arg8[%arg1, %dma_wait3A_1096, %dma_wait3A_1100, %dma_wait3A_1101] : memref<16x4x200x128xf32, #tpu.memory_space<vmem_shared>> -> memref<1x1x200x128xf32, #tpu.memory_space<vmem_shared>>
    %dma_wait3A_1103 = tpu.memref_squeeze %dma_wait3A_1102 : memref<1x1x200x128xf32, #tpu.memory_space<vmem_shared>> -> memref<200x128xf32, #tpu.memory_space<vmem_shared>>
    %dma_wait3A_1104 = arith.constant 0 : i32
    %dma_wait3A_1105 = arith.constant 0 : i32
    %dma_wait3A_1106 = tpu.memref_slice %dma_wait3A_1103[%dma_wait3A_1104, %dma_wait3A_1105] : memref<200x128xf32, #tpu.memory_space<vmem_shared>> -> memref<200x128xf32, #tpu.memory_space<vmem_shared>>
    tpu.wait_indirect_dma semaphore(%arg11 : memref<!tpu.dma_semaphore, #tpu.memory_space<semaphore_mem>>) src(%dma_wait3A_1099 : memref<80x128xf32, #tpu.memory_space<vmem>>) dst(%dma_wait3A_1106 : memref<200x128xf32, #tpu.memory_space<vmem_shared>>)
    %add3A_1107 = arith.constant 126 : i32
    %add3A_1108 = arith.addi %mul3A_2, %add3A_1107 : i32
    %dma_start3A_1109 = arith.constant 2 : i32
    %dma_start3A_1110 = arith.constant 0 : i32
    %dma_start3A_1111 = arith.constant 0 : i32
    %dma_start3A_1112 = tpu.memref_slice %arg4[%add3A_1108, %dma_start3A_1110, %dma_start3A_1111] : memref<4096x200x128xf32, #tpu.memory_space<hbm>> -> memref<1x200x128xf32, #tpu.memory_space<hbm>>
    %dma_start3A_1113 = tpu.memref_squeeze %dma_start3A_1112 : memref<1x200x128xf32, #tpu.memory_space<hbm>> -> memref<200x128xf32, #tpu.memory_space<hbm>>
    %dma_start3A_1114 = arith.constant 0 : i32
    %dma_start3A_1115 = arith.constant 0 : i32
    %dma_start3A_1116 = tpu.memref_slice %arg8[%arg1, %dma_start3A_1109, %dma_start3A_1114, %dma_start3A_1115] : memref<16x4x200x128xf32, #tpu.memory_space<vmem_shared>> -> memref<1x1x200x128xf32, #tpu.memory_space<vmem_shared>>
    %dma_start3A_1117 = tpu.memref_squeeze %dma_start3A_1116 : memref<1x1x200x128xf32, #tpu.memory_space<vmem_shared>> -> memref<200x128xf32, #tpu.memory_space<vmem_shared>>
    tpu.enqueue_dma source(%dma_start3A_1117 : memref<200x128xf32, #tpu.memory_space<vmem_shared>>) target(%dma_start3A_1113 : memref<200x128xf32, #tpu.memory_space<hbm>>) target_semaphore(%arg15 : memref<!tpu.dma_semaphore, #tpu.memory_space<semaphore_mem>>)
    %dma_wait3A_1118 = arith.constant 3 : i32
    %dma_wait3A_1119 = arith.constant 1 : i32
    %dma_wait3A_1120 = arith.constant 0 : i32
    %dma_wait3A_1121 = tpu.memref_slice %arg5[%dma_wait3A_1119, %dma_wait3A_1120] : memref<216x128xf32, #tpu.memory_space<vmem>> -> memref<128x128xf32, #tpu.memory_space<vmem>>
    %dma_wait3A_1122 = arith.constant 0 : i32
    %dma_wait3A_1123 = arith.constant 0 : i32
    %dma_wait3A_1124 = tpu.memref_slice %arg8[%arg1, %dma_wait3A_1118, %dma_wait3A_1122, %dma_wait3A_1123] : memref<16x4x200x128xf32, #tpu.memory_space<vmem_shared>> -> memref<1x1x200x128xf32, #tpu.memory_space<vmem_shared>>
    %dma_wait3A_1125 = tpu.memref_squeeze %dma_wait3A_1124 : memref<1x1x200x128xf32, #tpu.memory_space<vmem_shared>> -> memref<200x128xf32, #tpu.memory_space<vmem_shared>>
    %dma_wait3A_1126 = arith.constant 0 : i32
    %dma_wait3A_1127 = arith.constant 0 : i32
    %dma_wait3A_1128 = tpu.memref_slice %dma_wait3A_1125[%dma_wait3A_1126, %dma_wait3A_1127] : memref<200x128xf32, #tpu.memory_space<vmem_shared>> -> memref<200x128xf32, #tpu.memory_space<vmem_shared>>
    tpu.wait_indirect_dma semaphore(%arg12 : memref<!tpu.dma_semaphore, #tpu.memory_space<semaphore_mem>>) src(%dma_wait3A_1121 : memref<128x128xf32, #tpu.memory_space<vmem>>) dst(%dma_wait3A_1128 : memref<200x128xf32, #tpu.memory_space<vmem_shared>>)
    %dma_wait3A_1129 = arith.constant 3 : i32
    %dma_wait3A_1130 = arith.constant 129 : i32
    %dma_wait3A_1131 = arith.constant 0 : i32
    %dma_wait3A_1132 = tpu.memref_slice %arg5[%dma_wait3A_1130, %dma_wait3A_1131] : memref<216x128xf32, #tpu.memory_space<vmem>> -> memref<80x128xf32, #tpu.memory_space<vmem>>
    %dma_wait3A_1133 = arith.constant 0 : i32
    %dma_wait3A_1134 = arith.constant 0 : i32
    %dma_wait3A_1135 = tpu.memref_slice %arg8[%arg1, %dma_wait3A_1129, %dma_wait3A_1133, %dma_wait3A_1134] : memref<16x4x200x128xf32, #tpu.memory_space<vmem_shared>> -> memref<1x1x200x128xf32, #tpu.memory_space<vmem_shared>>
    %dma_wait3A_1136 = tpu.memref_squeeze %dma_wait3A_1135 : memref<1x1x200x128xf32, #tpu.memory_space<vmem_shared>> -> memref<200x128xf32, #tpu.memory_space<vmem_shared>>
    %dma_wait3A_1137 = arith.constant 0 : i32
    %dma_wait3A_1138 = arith.constant 0 : i32
    %dma_wait3A_1139 = tpu.memref_slice %dma_wait3A_1136[%dma_wait3A_1137, %dma_wait3A_1138] : memref<200x128xf32, #tpu.memory_space<vmem_shared>> -> memref<200x128xf32, #tpu.memory_space<vmem_shared>>
    tpu.wait_indirect_dma semaphore(%arg12 : memref<!tpu.dma_semaphore, #tpu.memory_space<semaphore_mem>>) src(%dma_wait3A_1132 : memref<80x128xf32, #tpu.memory_space<vmem>>) dst(%dma_wait3A_1139 : memref<200x128xf32, #tpu.memory_space<vmem_shared>>)
    %add3A_1140 = arith.constant 127 : i32
    %add3A_1141 = arith.addi %mul3A_2, %add3A_1140 : i32
    %dma_start3A_1142 = arith.constant 3 : i32
    %dma_start3A_1143 = arith.constant 0 : i32
    %dma_start3A_1144 = arith.constant 0 : i32
    %dma_start3A_1145 = tpu.memref_slice %arg4[%add3A_1141, %dma_start3A_1143, %dma_start3A_1144] : memref<4096x200x128xf32, #tpu.memory_space<hbm>> -> memref<1x200x128xf32, #tpu.memory_space<hbm>>
    %dma_start3A_1146 = tpu.memref_squeeze %dma_start3A_1145 : memref<1x200x128xf32, #tpu.memory_space<hbm>> -> memref<200x128xf32, #tpu.memory_space<hbm>>
    %dma_start3A_1147 = arith.constant 0 : i32
    %dma_start3A_1148 = arith.constant 0 : i32
    %dma_start3A_1149 = tpu.memref_slice %arg8[%arg1, %dma_start3A_1142, %dma_start3A_1147, %dma_start3A_1148] : memref<16x4x200x128xf32, #tpu.memory_space<vmem_shared>> -> memref<1x1x200x128xf32, #tpu.memory_space<vmem_shared>>
    %dma_start3A_1150 = tpu.memref_squeeze %dma_start3A_1149 : memref<1x1x200x128xf32, #tpu.memory_space<vmem_shared>> -> memref<200x128xf32, #tpu.memory_space<vmem_shared>>
    tpu.enqueue_dma source(%dma_start3A_1150 : memref<200x128xf32, #tpu.memory_space<vmem_shared>>) target(%dma_start3A_1146 : memref<200x128xf32, #tpu.memory_space<hbm>>) target_semaphore(%arg16 : memref<!tpu.dma_semaphore, #tpu.memory_space<semaphore_mem>>)
    %add3A_1151 = arith.constant 124 : i32
    %add3A_1152 = arith.addi %mul3A_2, %add3A_1151 : i32
    %dma_wait3A_1153 = arith.constant 0 : i32
    %dma_wait3A_1154 = arith.constant 0 : i32
    %dma_wait3A_1155 = arith.constant 0 : i32
    %dma_wait3A_1156 = tpu.memref_slice %arg4[%add3A_1152, %dma_wait3A_1154, %dma_wait3A_1155] : memref<4096x200x128xf32, #tpu.memory_space<hbm>> -> memref<1x200x128xf32, #tpu.memory_space<hbm>>
    %dma_wait3A_1157 = tpu.memref_squeeze %dma_wait3A_1156 : memref<1x200x128xf32, #tpu.memory_space<hbm>> -> memref<200x128xf32, #tpu.memory_space<hbm>>
    %dma_wait3A_1158 = arith.constant 0 : i32
    %dma_wait3A_1159 = arith.constant 0 : i32
    %dma_wait3A_1160 = tpu.memref_slice %arg8[%arg1, %dma_wait3A_1153, %dma_wait3A_1158, %dma_wait3A_1159] : memref<16x4x200x128xf32, #tpu.memory_space<vmem_shared>> -> memref<1x1x200x128xf32, #tpu.memory_space<vmem_shared>>
    %dma_wait3A_1161 = tpu.memref_squeeze %dma_wait3A_1160 : memref<1x1x200x128xf32, #tpu.memory_space<vmem_shared>> -> memref<200x128xf32, #tpu.memory_space<vmem_shared>>
    tpu.wait_dma2 semaphore(%arg13 : memref<!tpu.dma_semaphore, #tpu.memory_space<semaphore_mem>>) src(%dma_wait3A_1161 : memref<200x128xf32, #tpu.memory_space<vmem_shared>>) dst(%dma_wait3A_1157 : memref<200x128xf32, #tpu.memory_space<hbm>>)
    %add3A_1162 = arith.constant 125 : i32
    %add3A_1163 = arith.addi %mul3A_2, %add3A_1162 : i32
    %dma_wait3A_1164 = arith.constant 1 : i32
    %dma_wait3A_1165 = arith.constant 0 : i32
    %dma_wait3A_1166 = arith.constant 0 : i32
    %dma_wait3A_1167 = tpu.memref_slice %arg4[%add3A_1163, %dma_wait3A_1165, %dma_wait3A_1166] : memref<4096x200x128xf32, #tpu.memory_space<hbm>> -> memref<1x200x128xf32, #tpu.memory_space<hbm>>
    %dma_wait3A_1168 = tpu.memref_squeeze %dma_wait3A_1167 : memref<1x200x128xf32, #tpu.memory_space<hbm>> -> memref<200x128xf32, #tpu.memory_space<hbm>>
    %dma_wait3A_1169 = arith.constant 0 : i32
    %dma_wait3A_1170 = arith.constant 0 : i32
    %dma_wait3A_1171 = tpu.memref_slice %arg8[%arg1, %dma_wait3A_1164, %dma_wait3A_1169, %dma_wait3A_1170] : memref<16x4x200x128xf32, #tpu.memory_space<vmem_shared>> -> memref<1x1x200x128xf32, #tpu.memory_space<vmem_shared>>
    %dma_wait3A_1172 = tpu.memref_squeeze %dma_wait3A_1171 : memref<1x1x200x128xf32, #tpu.memory_space<vmem_shared>> -> memref<200x128xf32, #tpu.memory_space<vmem_shared>>
    tpu.wait_dma2 semaphore(%arg14 : memref<!tpu.dma_semaphore, #tpu.memory_space<semaphore_mem>>) src(%dma_wait3A_1172 : memref<200x128xf32, #tpu.memory_space<vmem_shared>>) dst(%dma_wait3A_1168 : memref<200x128xf32, #tpu.memory_space<hbm>>)
    %add3A_1173 = arith.constant 126 : i32
    %add3A_1174 = arith.addi %mul3A_2, %add3A_1173 : i32
    %dma_wait3A_1175 = arith.constant 2 : i32
    %dma_wait3A_1176 = arith.constant 0 : i32
    %dma_wait3A_1177 = arith.constant 0 : i32
    %dma_wait3A_1178 = tpu.memref_slice %arg4[%add3A_1174, %dma_wait3A_1176, %dma_wait3A_1177] : memref<4096x200x128xf32, #tpu.memory_space<hbm>> -> memref<1x200x128xf32, #tpu.memory_space<hbm>>
    %dma_wait3A_1179 = tpu.memref_squeeze %dma_wait3A_1178 : memref<1x200x128xf32, #tpu.memory_space<hbm>> -> memref<200x128xf32, #tpu.memory_space<hbm>>
    %dma_wait3A_1180 = arith.constant 0 : i32
    %dma_wait3A_1181 = arith.constant 0 : i32
    %dma_wait3A_1182 = tpu.memref_slice %arg8[%arg1, %dma_wait3A_1175, %dma_wait3A_1180, %dma_wait3A_1181] : memref<16x4x200x128xf32, #tpu.memory_space<vmem_shared>> -> memref<1x1x200x128xf32, #tpu.memory_space<vmem_shared>>
    %dma_wait3A_1183 = tpu.memref_squeeze %dma_wait3A_1182 : memref<1x1x200x128xf32, #tpu.memory_space<vmem_shared>> -> memref<200x128xf32, #tpu.memory_space<vmem_shared>>
    tpu.wait_dma2 semaphore(%arg15 : memref<!tpu.dma_semaphore, #tpu.memory_space<semaphore_mem>>) src(%dma_wait3A_1183 : memref<200x128xf32, #tpu.memory_space<vmem_shared>>) dst(%dma_wait3A_1179 : memref<200x128xf32, #tpu.memory_space<hbm>>)
    %add3A_1184 = arith.constant 127 : i32
    %add3A_1185 = arith.addi %mul3A_2, %add3A_1184 : i32
    %dma_wait3A_1186 = arith.constant 3 : i32
    %dma_wait3A_1187 = arith.constant 0 : i32
    %dma_wait3A_1188 = arith.constant 0 : i32
    %dma_wait3A_1189 = tpu.memref_slice %arg4[%add3A_1185, %dma_wait3A_1187, %dma_wait3A_1188] : memref<4096x200x128xf32, #tpu.memory_space<hbm>> -> memref<1x200x128xf32, #tpu.memory_space<hbm>>
    %dma_wait3A_1190 = tpu.memref_squeeze %dma_wait3A_1189 : memref<1x200x128xf32, #tpu.memory_space<hbm>> -> memref<200x128xf32, #tpu.memory_space<hbm>>
    %dma_wait3A_1191 = arith.constant 0 : i32
    %dma_wait3A_1192 = arith.constant 0 : i32
    %dma_wait3A_1193 = tpu.memref_slice %arg8[%arg1, %dma_wait3A_1186, %dma_wait3A_1191, %dma_wait3A_1192] : memref<16x4x200x128xf32, #tpu.memory_space<vmem_shared>> -> memref<1x1x200x128xf32, #tpu.memory_space<vmem_shared>>
    %dma_wait3A_1194 = tpu.memref_squeeze %dma_wait3A_1193 : memref<1x1x200x128xf32, #tpu.memory_space<vmem_shared>> -> memref<200x128xf32, #tpu.memory_space<vmem_shared>>
    tpu.wait_dma2 semaphore(%arg16 : memref<!tpu.dma_semaphore, #tpu.memory_space<semaphore_mem>>) src(%dma_wait3A_1194 : memref<200x128xf32, #tpu.memory_space<vmem_shared>>) dst(%dma_wait3A_1190 : memref<200x128xf32, #tpu.memory_space<hbm>>)
    return
  }
}

</mosaic_0001>

<sc_bundles>
// kernel: kernel.3.cloned.1.call-start
scs
__scs_entry_jumppad:
0x0: {  	(pc) =	sbr.rel $0x88, $3  }
0x1: {  	(tag) =	ssettag $0x0;
	lr =	simm.s32 $0x1  }
0x2: {  	[smem:$0x3F9F] =	sst lr;
	_ =	strace $0xD0000000  }
0x3: {  	_ = 	snop  }
0x4: {  	_ = 	snop  }
0x5: {  	_ = 	snop  }
0x6: {  	_ = 	snop  }
0x7: {  	_ = 	snop  }
__scs_overlays_trampoline_lowered:
0x8: {  	[smem:$0x3FAE] =	sst s0  }
0x9: {  	[smem:$0x3FAF] =	sst s1  }
0xa: {  	[smem:$0x3FB0] =	sst s2  }
0xb: {  	[smem:$0x3FB1] =	sst s3  }
0xc: {  	[smem:$0x3FB2] =	sst s4  }
0xd: {  	[smem:$0x3FB3] =	sst s5  }
0xe: {  	[smem:$0x3FB4] =	sst s6  }
0xf: {  	[smem:$0x3FB5] =	sst s7  }
0x10: {  	[smem:$0x3FB6] =	sst s8  }
0x11: {  	[smem:$0x3FB7] =	sst s9;
	s0 =	simm.s32 @!p0 $0x0  }
0x12: {  	s1 =	sld [smem:$0x3F9D];
	s0 =	simm.s32 @p0 $0x1  }
0x13: {  	[smem:$0x3FB8] =	sst s0;
	s0 =	simm.s32 @!p1 $0x0  }
0x14: {  	s2 =	sld [smem:$0x3F9C];
	s0 =	simm.s32 @p1 $0x1  }
0x15: {  	[smem:$0x3FB9] =	sst s0;
	s0 =	simm.s32 @!p2 $0x0  }
0x16: {  	s3 =	sld [smem:$0x3FDB];
	s0 =	simm.s32 @p2 $0x1  }
0x17: {  	s4 =	simm.s32 $0x1BF5;
	[smem:$0x3FBB] =	sst s0  }
0x18: {  	s0 =	sld [smem:$0x3F9E];
	_ =	swait.ge [sflag:s4], $0x0  }
0x19: {  	s7 =	sld [smem:$0x3F9F]  }
0x1a: {  	s8 =	sadd.s32 $0xFFFFE003, lr  }
0x1b: {  	s9 =	sadd.s32 $0xFFFFFEF7, lr;
	s5 =	simm.s32 $0xFFFFFFFF;
	p2 =	slt.u32 s8, $0xFFFFF086  }
0x1c: {  	p1 =	slt.u32 s9, $0xF7A;
	s5 =	simm.s32 @!p2 $0x0  }
0x1d: {  	s5 =	simm.s32 @p1 $0x1;
	p0 =	seq.s32 s7, s2  }
0x1e: {  	s7 =	smul.u32 @!p0 $0xF7A, s2;
	p2 =	seq.s32 @!p0 s5, $0x0  }
0x1f: {  	s9 =	smul.u32 $0xF7A, s1;
	s8 =	simm.s32 @!p0 $0x1BF5;
	p2 =	por !p2, p0  }
0x20: {  	[sflag:s8] =	ssyncset.s32 @!p0 $0xFFFFF086;
	s6 =	sadd.s32 @!p0 s3, s7;
	s7 =	simm.s32 @!p0 $0x108  }
0x21: {  	s3 =	sadd.s32 s3, s9;
	s6 =	sadd.s32 @!p0 $0x88, s6;
	s7 =	simm.s32 @p2 $0x1082  }
0x22: {  	[simem:s7], [sflag:s8] =	dma.local @!p0 [hbm:s6], $0xF7A  }
0x23: {  	s9 =	sor.u32 $0xD0000000, s2;
	s6 =	simm.s32 $0x108;
	_ =	swait.ge @!p0 [sflag:s8], $0x0  }
0x24: {  	s3 =	sadd.s32 $0x88, s3;
	s6 =	simm.s32 @!p1 $0x1082;
	[sflag:s4] =	ssyncset.s32 $0xFFFFF086  }
0x25: {  	[simem:s6], [sflag:s4] =	dma.local [hbm:s3], $0xF7A  }
0x26: {  	[smem:$0x3F9F] =	sst s1;
	(tag) =	ssettag s2;
	_ =	strace s9  }
0x27: {  	s1 =	sld [smem:$0x3FAF]  }
0x28: {  	s2 =	sld [smem:$0x3FB0]  }
0x29: {  	s4 =	sld [smem:$0x3FB2]  }
0x2a: {  	p0 =	seq.s32 s5, $0x0;
	s5 =	sld [smem:$0x3FB3]  }
0x2b: {  	s6 =	sld [smem:$0x3FB4]  }
0x2c: {  	s7 =	sld [smem:$0x3FB5]  }
0x2d: {  	s3 =	simm.s32 $0x108;
	s8 =	sld [smem:$0x3FB6]  }
0x2e: {  	s3 =	simm.s32 @!p0 $0x1082;
	s9 =	sld [smem:$0x3FB7]  }
0x2f: {  	lr =	sadd.s32 s0, s3;
	s0 =	sld [smem:$0x3FAE]  }
0x30: {  	s3 =	sld [smem:$0x3FB1]  }
0x31: {  	[smem:$0x3FBA] =	sst s10  }
0x32: {  	s10 =	sld [smem:$0x3FB8];
	_ =	sdelay $0x3  }
0x33: {  	p0 =	seq.s32 s10, $0x1;
	s10 =	sld [smem:$0x3FBA];
	_ =	sdelay $0x3  }
0x34: {  	[smem:$0x3FBA] =	sst s10  }
0x35: {  	s10 =	sld [smem:$0x3FB9];
	_ =	sdelay $0x3  }
0x36: {  	p1 =	seq.s32 s10, $0x1;
	s10 =	sld [smem:$0x3FBA];
	_ =	sdelay $0x3  }
0x37: {  	[smem:$0x3FBA] =	sst s10  }
0x38: {  	s10 =	sld [smem:$0x3FBB]  }
0x39: {  	_ = 	snop;
	(pc) =	sbr.ind lr, $3  }
0x3a: {  	_ = 	snop  }
0x3b: {  	_ = 	snop  }
0x3c: {  	p2 =	seq.s32 s10, $0x1;
	s10 =	sld [smem:$0x3FBA]  }
0x3d: {  	_ =	shalt  }
0x3e: {  	_ =	shalt  }
0x3f: {  	_ =	shalt  }
0x40: {  	_ =	shalt  }
0x41: {  	_ =	shalt  }
0x42: {  	_ =	shalt  }
0x43: {  	_ =	shalt  }
0x44: {  	_ =	shalt  }
0x45: {  	_ =	shalt  }
0x46: {  	_ =	shalt  }
0x47: {  	_ =	shalt  }
0x48: {  	_ =	shalt  }
0x49: {  	_ =	shalt  }
0x4a: {  	_ =	shalt  }
0x4b: {  	_ =	shalt  }
0x4c: {  	_ =	shalt  }
0x4d: {  	_ =	shalt  }
0x4e: {  	_ =	shalt  }
0x4f: {  	_ =	shalt  }
0x50: {  	_ =	shalt  }
0x51: {  	_ =	shalt  }
0x52: {  	_ =	shalt  }
0x53: {  	_ =	shalt  }
0x54: {  	_ =	shalt  }
0x55: {  	_ =	shalt  }
0x56: {  	_ =	shalt  }
0x57: {  	_ =	shalt  }
0x58: {  	_ =	shalt  }
0x59: {  	_ =	shalt  }
0x5a: {  	_ =	shalt  }
0x5b: {  	_ =	shalt  }
0x5c: {  	_ =	shalt  }
0x5d: {  	_ =	shalt  }
0x5e: {  	_ =	shalt  }
0x5f: {  	_ =	shalt  }
0x60: {  	_ =	shalt  }
0x61: {  	_ =	shalt  }
0x62: {  	_ =	shalt  }
0x63: {  	_ =	shalt  }
0x64: {  	_ =	shalt  }
0x65: {  	_ =	shalt  }
0x66: {  	_ =	shalt  }
0x67: {  	_ =	shalt  }
0x68: {  	_ =	shalt  }
0x69: {  	_ =	shalt  }
0x6a: {  	_ =	shalt  }
0x6b: {  	_ =	shalt  }
0x6c: {  	_ =	shalt  }
0x6d: {  	_ =	shalt  }
0x6e: {  	_ =	shalt  }
0x6f: {  	_ =	shalt  }
0x70: {  	_ =	shalt  }
0x71: {  	_ =	shalt  }
0x72: {  	_ =	shalt  }
0x73: {  	_ =	shalt  }
0x74: {  	_ =	shalt  }
0x75: {  	_ =	shalt  }
0x76: {  	_ =	shalt  }
0x77: {  	_ =	shalt  }
0x78: {  	_ =	shalt  }
0x79: {  	_ =	shalt  }
0x7a: {  	_ =	shalt  }
0x7b: {  	_ =	shalt  }
0x7c: {  	_ =	shalt  }
0x7d: {  	_ =	shalt  }
0x7e: {  	_ =	shalt  }
0x7f: {  	_ =	shalt  }
0x80: {  	_ =	shalt  }
0x81: {  	_ =	shalt  }
0x82: {  	_ =	shalt  }
0x83: {  	_ =	shalt  }
0x84: {  	_ =	shalt  }
0x85: {  	_ =	shalt  }
0x86: {  	_ =	shalt  }
0x87: {  	_ =	shalt  }
.Lfunc_end0:
.L_simem_size_0:
called_computation_lowered:
.L_overlay_start_0:
0x88: {  	s2 =	sld [smem:$0x3FD9]  }
0x89: {  	s3 =	sld [smem:$0x3FFE];
	_ =	sdelay $0x1  }
0x8a: {  	s1 =	srdreg.scid  }
0x8b: {  	s0 =	sand.u32 $0x1, s1  }
0x8c: {  	s18 =	sshll.u32 s0, $0xA;
	s2 =	sadd.s32 s3, s2  }
0x8d: {  	s2 =	sadd.s32 s2, s18  }
0x8e: {  	[smem:$0x3FC6] =	sst s2  }
0x8f: {  	_ = 	snop  }
0x90: {  	s2 =	sld [smem:$0x3FC9]  }
0x91: {  	s19 =	sld [smem:$0x3FC8]  }
0x92: {  	s4 =	sld [smem:$0x3FD0];
	(tm) =	ssettm $0x1  }
0x93: {  	s5 =	sld [smem:$0x3FFB];
	_ =	sdelay $0x3  }
0x94: {  	_ =	strace s5  }
0x95: {  	s5 =	sld [smem:$0x3FFC];
	_ =	sdelay $0x3  }
0x96: {  	_ =	strace s5  }
0x97: {  	s5 =	sld [smem:$0x3FFD];
	_ =	sdelay $0x3  }
0x98: {  	_ =	strace s5  }
0x99: {  	_ =	strace $0x8FFFFFFF  }
0x9a: {  	s20 =	sld [smem:$0x3FDB];
	_ =	sdelay $0x1  }
0x9b: {  	s6 =	simm.s32 $_scs_section_size  }
0x9c: {  	s7 =	simm.s32 $_size__tile_overlayer_lowered;
	s8 =	simm.s32 $_tile_overlayer_lowered  }
0x9d: {  	s23 =	simm.s32 $0x1BFF;
	s22 =	sshll.u32 s8, $0x1;
	s5 =	sadd.s32 s6, s20  }
0x9e: {  	s9 =	simm.s32 $0x0;
	s21 =	sshll.u32 s7, $0x1;
	s7 =	sadd.s32 s22, s5  }
0x9f: {  	[timem:s9], [sflag:s23] =	dma.local [hbm:s7], s21  }
0xa0: {  	_ =	swait.ge [sflag:s23], s21  }
0xa1: {  	s6 =	ssub.s32 $0x0, s21;
	[sflag:s23] =	ssyncset.done $0x0  }
0xa2: {  	[sflag:s23] =	ssyncadd.s32 s6;
	_ =	sdelay $0x1  }
0xa3: {  	s24 =	simm.s32 $0x1B8B  }
0xa4: {  	_ =	swait.ge [sflag:s24], $0x1  }
0xa5: {  	[sflag:s24] =	ssyncset.done $0x0  }
0xa6: {  	s25 =	simm.s32 $0x1B8E;
	[sflag:s24] =	ssyncadd.s32 $0xFFFFFFFF  }
0xa7: {  	s26 =	simm.s32 $execute0_lowered;
	[smem:$0x3FD2] =	sst s25  }
0xa8: {  	s6 =	sshll.u32 s26, $0x1;
	_ =	strace $0x80000046;
	[dreg:$0x1] =	wrdreg $0xFFFFFFFF  }
0xa9: {  	s28 =	simm.s32 $_size_execute0_lowered;
	s5 =	sadd.s32 s5, s6;
	[dreg:$0x0] =	wrdreg $0x0  }
0xaa: {  	s6 =	sshll.u32 s28, $0x1;
	[dreg:$0x2] =	wrdreg s5  }
0xab: {  	[dreg:$0x3] =	wrdreg s6  }
0xac: {  	[dreg:$0x4] =	wrdreg $0xC0  }
0xad: {  	_ =	task [dreg:s9], $0x5FFFF  }
0xae: {  	[dreg:$0x1] =	wrdreg $0xFFFFFFFF  }
0xaf: {  	[dreg:$0x0] =	wrdreg $0x60  }
0xb0: {  	[dreg:$0x2] =	wrdreg s2  }
0xb1: {  	[dreg:$0x3] =	wrdreg s19  }
0xb2: {  	[dreg:$0x4] =	wrdreg s4  }
0xb3: {  	[dreg:$0x5] =	wrdreg $0x6D000  }
0xb4: {  	[dreg:$0x6] =	wrdreg $0x9  }
0xb5: {  	_ =	task.clear_ibuf [dreg:s9], $0x7FFFF;
	_ =	strace $0x90000046  }
0xb6: {  	s29 =	simm.s32 $0x9;
	_ =	strace $0x80000048  }
0xb7: {  	_ =	swait.ge [sflag:s29], $0x1  }
0xb8: {  	[sflag:s29] =	ssyncadd.s32 $0xFFFFFFFF  }
0xb9: {  	_ =	strace $0x90000048  }
0xba: {  	_ =	sfence  }
0xbb: {  	s30 =	sld [smem:$0x0];
	_ =	sdelay $0x2  }
0xbc: {  	s31 =	sshll.u32 s1, $0xD;
	s1 =	sshrl.u32 s1, $0x2  }
0xbd: {  	s3 =	sand.u32 $0x4000, s31;
	s1 =	sadd.s32 s1, s30  }
0xbe: {  	s0 =	sor.u32 s3, s0;
	s1 =	sshll.u32 s1, $0x11  }
0xbf: {  	s0 =	sor.u32 s1, s0  }
0xc0: {  	s0 =	sadd.s32 $0x8F2B, s0  }
0xc1: {  	[sflag:s0] =	ssyncadd.remote.s32 $0x1  }
0xc2: {  	_ =	sfence.sel $0xFFFF  }
0xc3: {  	[dreg:$0x0] =	wrdreg $0xFFFFFFFF;
	(pc) =	sbr.abs _section_cstart, $3  }
0xc4: {  	[dreg:$0x1] =	wrdreg $0xFFFFFFFF  }
0xc5: {  	_ =	task.clear_ibuf [dreg:s9], $0x2FFFF;
	_ =	strace $0x9FFFFFFF  }
0xc6: {  	(tm) =	ssettm $0x7FFFFFFF  }
0xc7: {  	_ =	shalt  }
tec
execute0_lowered:
.L_overlay_start_1:
0x0: {  	(tag) =	ssettag $0x1  }
0x1: {  	s0 =	rddreg [dreg:$0x0]  }
0x2: {  	s1 =	rddreg [dreg:$0x2];
	s2 =	srdreg.scid  }
0x3: {  	s3 =	rddreg [dreg:$0x3];
	s12 =	stileid.u32;
	s6 =	simm.s32 $0x0  }
0x4: {  	s29 =	simm.s32 $0x3;
	s30 =	simm.s32 $0x4;
	s31 =	simm.s32 $0x7  }
0x5: {  	s2 =	sand.u32 $0x1, s2;
	s4 =	sshll.u32 s12, $0x8;
	s19 =	smul.u32 $0x64000, s12  }
0x6: {  	[smem:$0x7FF] =	sst s6;
	s23 =	smul.u32 $0xC8000, s12;
	s28 =	sshll.u32 s12, $0x6  }
0x7: {  	s5 =	sshll.u32 s2, $0x7;
	s20 =	ssub.s32 $0x2, s2;
	_ =	strace $0x80000047  }
0x8: {  	s2 =	smul.u32 $0x64000, s2;
	[dreg:$0x10] =	wrdreg s28;
	s5 =	sor.u32 s5, s4  }
0x9: {  	s8 =	sshrl.u32 s20, $0x1;
	s4 =	sshrl.u32 s19, $0x2;
	s19 =	simm.s32 $0x1  }
0xa: {  	s7 =	smul.u32 $0xC80, s5;
	s9 =	ssub.s32 s20, s8;
	s4 =	sadd.s32 s4, s3  }
0xb: {  	s5 =	smul.u32 $0x6400, s5;
	s20 =	simm.s32 $0x6C00;
	s6 =	sadd.s32 $0x6400, s4  }
0xc: {  	s8 =	sadd.s32 $0xC800, s4;
	s26 =	smax.u32 s9, $0x1;
	s21 =	sor.u32 $0xC80, s7  }
0xd: {  	s11 =	sadd.s32 s0, s7;
	s7 =	sadd.s32 s1, s7;
	[dreg:$0xf] =	wrdreg s26  }
0xe: {  	s5 =	sshrl.u32 s5, $0x3;
	s22 =	sadd.s32 s0, s21;
	[dreg:$0x7] =	wrdreg s11  }
0xf: {  	s10 =	sadd.s32 $0x1900, s11;
	s11 =	sadd.s32 $0x2580, s11;
	[dreg:$0xb] =	wrdreg s7  }
0x10: {  	v0 =	vlaneseq.u32;
	s3 =	sadd.s32 s1, s21;
	s24 =	sadd.s32 s1, s5;
	[dreg:$0x8] =	wrdreg s22  }
0x11: {  	v1 =	vimm.f32 $0.0e+00;
	v7 =	vimm.s32 $0xC3C2C1C0;
	v8 =	vimm.s32 $0xC7C6C5C4;
	s0 =	sadd.s32 s23, s0;
	s1 =	sadd.s32 s23, s1;
	[dreg:$0x9] =	wrdreg s10  }
0x12: {  	vm0 =	vcmask $0xF00;
	vm15 =	vcmask $0x1F10;
	v2 =	vor.u32 $0x10, v0;
	s21 =	simm.s32 $0x80;
	s23 =	simm.s32 $0x6C80;
	[dreg:$0xa] =	wrdreg s11  }
0x13: {  	v3 =	vor.u32 $0x20, v0;
	v4 =	vor.u32 $0x30, v0;
	v9 =	vunpack.c.0.s8.s32 v7;
	s10 =	sadd.s32 $0x12C00, s4;
	[dreg:$0xc] =	wrdreg s3;
	s5 =	sadd.s32 $0x62700, s24  }
0x14: {  	v5 =	vor.u32 $0x40, v0;
	v6 =	vor.u32 $0x50, v0;
	v11 =	vunpack.c.0.s8.s32 v8;
	s0 =	sadd.s32 s2, s0;
	s3 =	sadd.s32 $0x63380, s24;
	[dreg:$0xd] =	wrdreg s5  }
0x15: {  	v7 =	vor.u32 $0x60, v0;
	v8 =	vor.u32 $0x70, v0;
	v12 =	vnsel vm0, $0xC7, v9;
	s25 =	sadd.s32 s2, s1;
	s22 =	simm.s32 $0x50;
	[dreg:$0xe] =	wrdreg s3  }
0x16: {  	v10 =	vor.u32 $0x90, v0;
	v9 =	vor.u32 $0x80, v0;
	v13 =	vsel vm15, v11, v12;
	s24 =	simm.s32 $0x4080;
	s2 =	simm.s32 $0x0;
	[dreg:$0x5] =	wrdreg s0  }
0x17: {  	v11 =	vor.u32 $0xA0, v0;
	v12 =	vor.u32 $0xB0, v0;
	v13 =	vand.u32 $0xFF, v13;
	[dreg:$0x6] =	wrdreg s25;
	s25 =	simm.s32 $0x2;
	s0 =	simm.s32 $0x8  }
.LBB2_1:
0x18: {  	[dreg:$0x11] =	wrdreg s2  }
0x19: {  	s1 =	rddreg [dreg:$0x1];
	s14 =	simm.s32 $0x0;
	s15 =	simm.s32 $0x9  }
0x1a: {  	[tilespmem:s14], [sflag:$0x9] =	stream.linear.gather [hbm4b:s1+s14], $0x6800, $0x38;
	[tilespmem:$0x1FD00] =	vst v63  }
0x1b: {  	_ =	swait.ge [sflag:s15], $0x6800  }
0x1c: {  	[sflag:s15] =	ssyncset.done $0x0  }
0x1d: {  	[sflag:s15] =	ssyncadd.s32 $0xFFFF9800  }
0x1e: {  	[tilespmem:$0x6480] =	vst v1  }
0x1f: {  	[tilespmem:$0x6490] =	vst v1  }
0x20: {  	[tilespmem:$0x64A0] =	vst v1  }
0x21: {  	[tilespmem:$0x64B0] =	vst v1  }
0x22: {  	[tilespmem:$0x64C0] =	vst v1  }
0x23: {  	[tilespmem:$0x64D0] =	vst v1  }
0x24: {  	[tilespmem:$0x64E0] =	vst v1  }
0x25: {  	[tilespmem:$0x64F0] =	vst v1  }
0x26: {  	[tilespmem:$0x6500] =	vst v1  }
0x27: {  	[tilespmem:$0x6510] =	vst v1  }
0x28: {  	[tilespmem:$0x6520] =	vst v1  }
0x29: {  	[tilespmem:$0x6530] =	vst v1  }
0x2a: {  	[tilespmem:$0x6540] =	vst v1  }
0x2b: {  	[tilespmem:$0x6550] =	vst v1  }
0x2c: {  	[tilespmem:$0x6560] =	vst v1  }
0x2d: {  	[tilespmem:$0x6570] =	vst v1  }
0x2e: {  	[tilespmem:$0x6580] =	vst v1  }
0x2f: {  	[tilespmem:$0x6590] =	vst v1  }
0x30: {  	[tilespmem:$0x65A0] =	vst v1  }
0x31: {  	[tilespmem:$0x65B0] =	vst v1  }
0x32: {  	[tilespmem:$0x65C0] =	vst v1  }
0x33: {  	[tilespmem:$0x65D0] =	vst v1  }
0x34: {  	[tilespmem:$0x65E0] =	vst v1  }
0x35: {  	[tilespmem:$0x65F0] =	vst v1  }
0x36: {  	[tilespmem:$0x6600] =	vst v1  }
0x37: {  	[tilespmem:$0x6610] =	vst v1  }
0x38: {  	[tilespmem:$0x6620] =	vst v1  }
0x39: {  	[tilespmem:$0x6630] =	vst v1  }
0x3a: {  	[tilespmem:$0x6640] =	vst v1  }
0x3b: {  	[tilespmem:$0x6650] =	vst v1  }
0x3c: {  	[tilespmem:$0x6660] =	vst v1  }
0x3d: {  	[tilespmem:$0x6670] =	vst v1  }
0x3e: {  	[tilespmem:$0x6680] =	vst v1  }
0x3f: {  	[tilespmem:$0x6690] =	vst v1  }
0x40: {  	[tilespmem:$0x66A0] =	vst v1  }
0x41: {  	[tilespmem:$0x66B0] =	vst v1  }
0x42: {  	[tilespmem:$0x66C0] =	vst v1  }
0x43: {  	[tilespmem:$0x66D0] =	vst v1  }
0x44: {  	[tilespmem:$0x66E0] =	vst v1  }
0x45: {  	[tilespmem:$0x66F0] =	vst v1  }
0x46: {  	[tilespmem:$0x6700] =	vst v1  }
0x47: {  	[tilespmem:$0x6710] =	vst v1  }
0x48: {  	[tilespmem:$0x6720] =	vst v1  }
0x49: {  	[tilespmem:$0x6730] =	vst v1  }
0x4a: {  	[tilespmem:$0x6740] =	vst v1  }
0x4b: {  	[tilespmem:$0x6750] =	vst v1  }
0x4c: {  	[tilespmem:$0x6760] =	vst v1  }
0x4d: {  	[tilespmem:$0x6770] =	vst v1  }
0x4e: {  	[tilespmem:$0x6780] =	vst v1  }
0x4f: {  	[tilespmem:$0x6790] =	vst v1  }
0x50: {  	[tilespmem:$0x67A0] =	vst v1  }
0x51: {  	[tilespmem:$0x67B0] =	vst v1  }
0x52: {  	[tilespmem:$0x67C0] =	vst v1  }
0x53: {  	[tilespmem:$0x67D0] =	vst v1  }
0x54: {  	[tilespmem:$0x67E0] =	vst v1  }
0x55: {  	[tilespmem:$0x67F0] =	vst v1  }
0x56: {  	[tilespmem:$0x6800] =	vst v1  }
0x57: {  	[tilespmem:$0x6810] =	vst v1  }
0x58: {  	[tilespmem:$0x6820] =	vst v1  }
0x59: {  	[tilespmem:$0x6830] =	vst v1  }
0x5a: {  	[tilespmem:$0x6840] =	vst v1  }
0x5b: {  	[tilespmem:$0x6850] =	vst v1  }
0x5c: {  	[tilespmem:$0x6860] =	vst v1  }
0x5d: {  	[tilespmem:$0x6870] =	vst v1  }
0x5e: {  	[tilespmem:$0x6880] =	vst v1  }
0x5f: {  	[tilespmem:$0x6890] =	vst v1  }
0x60: {  	[tilespmem:$0x68A0] =	vst v1  }
0x61: {  	[tilespmem:$0x68B0] =	vst v1  }
0x62: {  	[tilespmem:$0x68C0] =	vst v1  }
0x63: {  	[tilespmem:$0x68D0] =	vst v1  }
0x64: {  	[tilespmem:$0x68E0] =	vst v1  }
0x65: {  	[tilespmem:$0x68F0] =	vst v1  }
0x66: {  	[tilespmem:$0x6900] =	vst v1  }
0x67: {  	[tilespmem:$0x6910] =	vst v1  }
0x68: {  	[tilespmem:$0x6920] =	vst v1  }
0x69: {  	[tilespmem:$0x6930] =	vst v1  }
0x6a: {  	[tilespmem:$0x6940] =	vst v1  }
0x6b: {  	[tilespmem:$0x6950] =	vst v1  }
0x6c: {  	[tilespmem:$0x6960] =	vst v1  }
0x6d: {  	[tilespmem:$0x6970] =	vst v1  }
0x6e: {  	[tilespmem:$0x6980] =	vst v1  }
0x6f: {  	[tilespmem:$0x6990] =	vst v1  }
0x70: {  	[tilespmem:$0x69A0] =	vst v1  }
0x71: {  	[tilespmem:$0x69B0] =	vst v1  }
0x72: {  	[tilespmem:$0x69C0] =	vst v1  }
0x73: {  	[tilespmem:$0x69D0] =	vst v1  }
0x74: {  	[tilespmem:$0x69E0] =	vst v1  }
0x75: {  	[tilespmem:$0x69F0] =	vst v1  }
0x76: {  	[tilespmem:$0x6A00] =	vst v1  }
0x77: {  	[tilespmem:$0x6A10] =	vst v1  }
0x78: {  	[tilespmem:$0x6A20] =	vst v1  }
0x79: {  	[tilespmem:$0x6A30] =	vst v1  }
0x7a: {  	[tilespmem:$0x6A40] =	vst v1  }
0x7b: {  	[tilespmem:$0x6A50] =	vst v1  }
0x7c: {  	[tilespmem:$0x6A60] =	vst v1  }
0x7d: {  	[tilespmem:$0x6A70] =	vst v1  }
0x7e: {  	[tilespmem:$0x6A80] =	vst v1  }
0x7f: {  	[tilespmem:$0x6A90] =	vst v1  }
0x80: {  	[tilespmem:$0x6AA0] =	vst v1  }
0x81: {  	[tilespmem:$0x6AB0] =	vst v1  }
0x82: {  	[tilespmem:$0x6AC0] =	vst v1  }
0x83: {  	[tilespmem:$0x6AD0] =	vst v1  }
0x84: {  	[tilespmem:$0x6AE0] =	vst v1  }
0x85: {  	[tilespmem:$0x6AF0] =	vst v1  }
0x86: {  	[tilespmem:$0x6B00] =	vst v1  }
0x87: {  	[tilespmem:$0x6B10] =	vst v1  }
0x88: {  	[tilespmem:$0x6B20] =	vst v1  }
0x89: {  	[tilespmem:$0x6B30] =	vst v1  }
0x8a: {  	[tilespmem:$0x6B40] =	vst v1  }
0x8b: {  	[tilespmem:$0x6B50] =	vst v1  }
0x8c: {  	[tilespmem:$0x6B60] =	vst v1  }
0x8d: {  	[tilespmem:$0x6B70] =	vst v1  }
0x8e: {  	[tilespmem:$0x6B80] =	vst v1  }
0x8f: {  	[tilespmem:$0x6B90] =	vst v1  }
0x90: {  	[tilespmem:$0x6BA0] =	vst v1  }
0x91: {  	[tilespmem:$0x6BB0] =	vst v1  }
0x92: {  	[tilespmem:$0x6BC0] =	vst v1  }
0x93: {  	[tilespmem:$0x6BD0] =	vst v1  }
0x94: {  	[tilespmem:$0x6BE0] =	vst v1  }
0x95: {  	[tilespmem:$0x6BF0] =	vst v1  }
0x96: {  	[tilespmem:$0x6C00] =	vst v0  }
0x97: {  	[tilespmem:$0x6C10] =	vst v2  }
0x98: {  	[tilespmem:$0x6C20] =	vst v3  }
0x99: {  	[tilespmem:$0x6C30] =	vst v4  }
0x9a: {  	[tilespmem:$0x6C40] =	vst v5  }
0x9b: {  	[tilespmem:$0x6C50] =	vst v6  }
0x9c: {  	[tilespmem:$0x6C60] =	vst v7  }
0x9d: {  	[tilespmem:$0x6C70] =	vst v8  }
0x9e: {  	[tilespmem:$0x6C80] =	vst v9  }
0x9f: {  	[tilespmem:$0x6C90] =	vst v10  }
0xa0: {  	[tilespmem:$0x6CA0] =	vst v11  }
0xa1: {  	s28 =	rddreg [dreg:$0x10];
	[tilespmem:$0x6CB0] =	vst v12  }
0xa2: {  	s9 =	sshrl.u32 s4, $0x3;
	s16 =	rddreg [dreg:$0x7];
	s7 =	sor.u32 $0x1C01, s28;
	[tilespmem:$0x6CC0] =	vst v13  }
0xa3: {  	[spmem:s9], [sflag:s7] =	dma.local [hbm:s16], $0xC80  }
0xa4: {  	s12 =	sshrl.u32 s6, $0x3;
	s11 =	sor.u32 $0x1C02, s28;
	s1 =	rddreg [dreg:$0x8]  }
0xa5: {  	[spmem:s12], [sflag:s11] =	dma.local [hbm:s1], $0xC80  }
0xa6: {  	s3 =	sshrl.u32 s8, $0x3;
	s13 =	sor.u32 $0x1C03, s28;
	s1 =	rddreg [dreg:$0x9]  }
0xa7: {  	[spmem:s3], [sflag:s13] =	dma.local [hbm:s1], $0xC80  }
0xa8: {  	s2 =	sshrl.u32 s10, $0x3;
	s14 =	sor.u32 $0x1C04, s28;
	s1 =	rddreg [dreg:$0xa]  }
0xa9: {  	[spmem:s2], [sflag:s14] =	dma.local [hbm:s1], $0xC80  }
0xaa: {  	_ =	swait.ge [sflag:s19], $0xC80  }
0xab: {  	[sflag:s19] =	ssyncset.done $0x0  }
0xac: {  	[sflag:s19] =	ssyncadd.s32 $0xFFFFF380  }
0xad: {  	[spmem:s4] =	stream.indirect.scatter.add.f32 [tilespmem:s21], [sflag:$0x1], $0x80, s20, s21, $0xb8;
	[tilespmem:$0x1FD00] =	vst v63  }
0xae: {  	_ = 	snop  }
0xaf: {  	[spmem:s4] =	stream.indirect.scatter.add.f32 [tilespmem:s24], [sflag:$0x1], $0x80, s23, s22, $0xb8;
	[tilespmem:$0x1FD00] =	vst v63  }
0xb0: {  	_ =	swait.ge [sflag:s25], $0xC80  }
0xb1: {  	[sflag:s25] =	ssyncset.done $0x0  }
0xb2: {  	[sflag:s25] =	ssyncadd.s32 $0xFFFFF380  }
0xb3: {  	[spmem:s6] =	stream.indirect.scatter.add.f32 [tilespmem:s21], [sflag:$0x2], $0x80, s20, s21, $0xb8;
	[tilespmem:$0x1FD00] =	vst v63  }
0xb4: {  	_ = 	snop  }
0xb5: {  	[spmem:s6] =	stream.indirect.scatter.add.f32 [tilespmem:s24], [sflag:$0x2], $0x80, s23, s22, $0xb8;
	[tilespmem:$0x1FD00] =	vst v63  }
0xb6: {  	_ =	swait.ge [sflag:s19], $0x4000  }
0xb7: {  	[sflag:s19] =	ssyncset.done $0x0  }
0xb8: {  	[sflag:s19] =	ssyncadd.s32 $0xFFFFC000  }
0xb9: {  	_ =	swait.ge [sflag:s19], $0x2800  }
0xba: {  	[sflag:s19] =	ssyncset.done $0x0  }
0xbb: {  	s15 =	sor.u32 $0x1C05, s28;
	s17 =	rddreg [dreg:$0xb];
	[sflag:s19] =	ssyncadd.s32 $0xFFFFD800  }
0xbc: {  	[hbm:s17], [sflag:s15] =	dma.local [spmem:s9], $0xC80  }
0xbd: {  	_ =	swait.ge [sflag:s25], $0x4000  }
0xbe: {  	[sflag:s25] =	ssyncset.done $0x0  }
0xbf: {  	[sflag:s25] =	ssyncadd.s32 $0xFFFFC000  }
0xc0: {  	_ =	swait.ge [sflag:s25], $0x2800  }
0xc1: {  	s5 =	simm.s32 $0x5;
	[sflag:s25] =	ssyncset.done $0x0  }
0xc2: {  	s16 =	sor.u32 $0x1C06, s28;
	s18 =	rddreg [dreg:$0xc];
	[sflag:s25] =	ssyncadd.s32 $0xFFFFD800  }
0xc3: {  	[hbm:s18], [sflag:s16] =	dma.local [spmem:s12], $0xC80  }
0xc4: {  	_ =	swait.ge [sflag:s5], $0xC80  }
0xc5: {  	s26 =	rddreg [dreg:$0x5]  }
0xc6: {  	[sflag:s5] =	ssyncset.done $0x0;
	s18 =	sadd.s32 $0x0, s26  }
0xc7: {  	[sflag:s5] =	ssyncadd.s32 $0xFFFFF380;
	s5 =	simm.s32 $0x6;
	s1 =	sadd.s32 $0x3200, s18  }
0xc8: {  	[spmem:s9], [sflag:s7] =	dma.local [hbm:s1], $0xC80  }
0xc9: {  	_ =	swait.ge [sflag:s5], $0xC80  }
0xca: {  	[sflag:s5] =	ssyncset.done $0x0  }
0xcb: {  	s17 =	sadd.s32 $0x3E80, s18;
	[sflag:s5] =	ssyncadd.s32 $0xFFFFF380  }
0xcc: {  	[spmem:s12], [sflag:s11] =	dma.local [hbm:s17], $0xC80  }
0xcd: {  	_ =	swait.ge [sflag:s29], $0xC80  }
0xce: {  	[sflag:s29] =	ssyncset.done $0x0  }
0xcf: {  	[sflag:s29] =	ssyncadd.s32 $0xFFFFF380  }
0xd0: {  	[spmem:s8] =	stream.indirect.scatter.add.f32 [tilespmem:s21], [sflag:$0x3], $0x80, s20, s21, $0xb8;
	[tilespmem:$0x1FD00] =	vst v63  }
0xd1: {  	_ = 	snop  }
0xd2: {  	[spmem:s8] =	stream.indirect.scatter.add.f32 [tilespmem:s24], [sflag:$0x3], $0x80, s23, s22, $0xb8;
	[tilespmem:$0x1FD00] =	vst v63  }
0xd3: {  	_ =	swait.ge [sflag:s30], $0xC80  }
0xd4: {  	[sflag:s30] =	ssyncset.done $0x0  }
0xd5: {  	[sflag:s30] =	ssyncadd.s32 $0xFFFFF380  }
0xd6: {  	[spmem:s10] =	stream.indirect.scatter.add.f32 [tilespmem:s21], [sflag:$0x4], $0x80, s20, s21, $0xb8;
	[tilespmem:$0x1FD00] =	vst v63  }
0xd7: {  	_ = 	snop  }
0xd8: {  	[spmem:s10] =	stream.indirect.scatter.add.f32 [tilespmem:s24], [sflag:$0x4], $0x80, s23, s22, $0xb8;
	[tilespmem:$0x1FD00] =	vst v63  }
0xd9: {  	_ =	swait.ge [sflag:s29], $0x4000  }
0xda: {  	[sflag:s29] =	ssyncset.done $0x0  }
0xdb: {  	[sflag:s29] =	ssyncadd.s32 $0xFFFFC000  }
0xdc: {  	_ =	swait.ge [sflag:s29], $0x2800  }
0xdd: {  	s26 =	rddreg [dreg:$0x6]  }
0xde: {  	[sflag:s29] =	ssyncset.done $0x0;
	s1 =	sadd.s32 $0x0, s26  }
0xdf: {  	s5 =	sor.u32 $0x1C07, s28;
	[sflag:s29] =	ssyncadd.s32 $0xFFFFD800;
	s17 =	sadd.s32 $0x1900, s1  }
0xe0: {  	[hbm:s17], [sflag:s5] =	dma.local [spmem:s3], $0xC80  }
0xe1: {  	_ =	swait.ge [sflag:s30], $0x4000  }
0xe2: {  	[sflag:s30] =	ssyncset.done $0x0  }
0xe3: {  	[sflag:s30] =	ssyncadd.s32 $0xFFFFC000  }
0xe4: {  	_ =	swait.ge [sflag:s30], $0x2800  }
0xe5: {  	[sflag:s30] =	ssyncset.done $0x0  }
0xe6: {  	s26 =	sadd.s32 $0x2580, s1;
	s17 =	sor.u32 $0x1C08, s28;
	[sflag:s30] =	ssyncadd.s32 $0xFFFFD800  }
0xe7: {  	[hbm:s26], [sflag:s17] =	dma.local [spmem:s2], $0xC80  }
0xe8: {  	_ =	swait.ge [sflag:s19], $0xC80  }
0xe9: {  	[sflag:s19] =	ssyncset.done $0x0  }
0xea: {  	[sflag:s19] =	ssyncadd.s32 $0xFFFFF380  }
0xeb: {  	[spmem:s4] =	stream.indirect.scatter.add.f32 [tilespmem:s21], [sflag:$0x1], $0x80, s20, s21, $0xb8;
	[tilespmem:$0x1FD00] =	vst v63  }
0xec: {  	_ = 	snop  }
0xed: {  	[spmem:s4] =	stream.indirect.scatter.add.f32 [tilespmem:s24], [sflag:$0x1], $0x80, s23, s22, $0xb8;
	[tilespmem:$0x1FD00] =	vst v63  }
0xee: {  	_ =	swait.ge [sflag:s25], $0xC80  }
0xef: {  	[sflag:s25] =	ssyncset.done $0x0  }
0xf0: {  	[sflag:s25] =	ssyncadd.s32 $0xFFFFF380  }
0xf1: {  	[spmem:s6] =	stream.indirect.scatter.add.f32 [tilespmem:s21], [sflag:$0x2], $0x80, s20, s21, $0xb8;
	[tilespmem:$0x1FD00] =	vst v63  }
0xf2: {  	_ = 	snop  }
0xf3: {  	[spmem:s6] =	stream.indirect.scatter.add.f32 [tilespmem:s24], [sflag:$0x2], $0x80, s23, s22, $0xb8;
	[tilespmem:$0x1FD00] =	vst v63  }
0xf4: {  	_ =	swait.ge [sflag:s19], $0x4000  }
0xf5: {  	[sflag:s19] =	ssyncset.done $0x0  }
0xf6: {  	[sflag:s19] =	ssyncadd.s32 $0xFFFFC000  }
0xf7: {  	_ =	swait.ge [sflag:s19], $0x2800  }
0xf8: {  	[sflag:s19] =	ssyncset.done $0x0  }
0xf9: {  	s28 =	sadd.s32 $0x3200, s1;
	[sflag:s19] =	ssyncadd.s32 $0xFFFFD800  }
0xfa: {  	[hbm:s28], [sflag:s15] =	dma.local [spmem:s9], $0xC80  }
0xfb: {  	_ =	swait.ge [sflag:s25], $0x4000  }
0xfc: {  	[sflag:s25] =	ssyncset.done $0x0  }
0xfd: {  	[sflag:s25] =	ssyncadd.s32 $0xFFFFC000  }
0xfe: {  	_ =	swait.ge [sflag:s25], $0x2800  }
0xff: {  	[sflag:s25] =	ssyncset.done $0x0  }
0x100: {  	s1 =	sadd.s32 $0x3E80, s1;
	[sflag:s25] =	ssyncadd.s32 $0xFFFFD800  }
0x101: {  	[hbm:s1], [sflag:s16] =	dma.local [spmem:s12], $0xC80  }
0x102: {  	_ =	swait.ge [sflag:s31], $0xC80  }
0x103: {  	[sflag:s31] =	ssyncset.done $0x0  }
0x104: {  	s28 =	sadd.s32 $0x4B00, s18;
	[sflag:s31] =	ssyncadd.s32 $0xFFFFF380  }
0x105: {  	[spmem:s3], [sflag:s13] =	dma.local [hbm:s28], $0xC80  }
0x106: {  	_ =	swait.ge [sflag:s0], $0xC80  }
0x107: {  	[sflag:s0] =	ssyncset.done $0x0  }
0x108: {  	s18 =	sadd.s32 $0x5780, s18;
	s1 =	simm.s32 $0x3200;
	[sflag:s0] =	ssyncadd.s32 $0xFFFFF380  }
.LBB2_2:
0x109: {  	[spmem:s2], [sflag:s14] =	dma.local [hbm:s18], $0xC80  }
0x10a: {  	s28 =	simm.s32 $0x5  }
0x10b: {  	_ =	swait.ge [sflag:s28], $0xC80  }
0x10c: {  	s26 =	smov.u32 s1;
	s18 =	rddreg [dreg:$0x5]  }
0x10d: {  	[sflag:s28] =	ssyncset.done $0x0;
	s18 =	sadd.s32 s26, s18  }
0x10e: {  	[sflag:s28] =	ssyncadd.s32 $0xFFFFF380;
	s28 =	sadd.s32 $0x3200, s18  }
0x10f: {  	[spmem:s9], [sflag:s7] =	dma.local [hbm:s28], $0xC80  }
0x110: {  	s28 =	simm.s32 $0x6  }
0x111: {  	_ =	swait.ge [sflag:s28], $0xC80  }
0x112: {  	[sflag:s28] =	ssyncset.done $0x0  }
0x113: {  	[sflag:s28] =	ssyncadd.s32 $0xFFFFF380;
	s28 =	sadd.s32 $0x3E80, s18  }
0x114: {  	[spmem:s12], [sflag:s11] =	dma.local [hbm:s28], $0xC80  }
0x115: {  	_ =	swait.ge [sflag:s29], $0xC80  }
0x116: {  	[sflag:s29] =	ssyncset.done $0x0  }
0x117: {  	[sflag:s29] =	ssyncadd.s32 $0xFFFFF380  }
0x118: {  	[spmem:s8] =	stream.indirect.scatter.add.f32 [tilespmem:s21], [sflag:$0x3], $0x80, s20, s21, $0xb8;
	[tilespmem:$0x1FD00] =	vst v63  }
0x119: {  	_ = 	snop  }
0x11a: {  	[spmem:s8] =	stream.indirect.scatter.add.f32 [tilespmem:s24], [sflag:$0x3], $0x80, s23, s22, $0xb8;
	[tilespmem:$0x1FD00] =	vst v63  }
0x11b: {  	_ =	swait.ge [sflag:s30], $0xC80  }
0x11c: {  	[sflag:s30] =	ssyncset.done $0x0  }
0x11d: {  	[sflag:s30] =	ssyncadd.s32 $0xFFFFF380  }
0x11e: {  	[spmem:s10] =	stream.indirect.scatter.add.f32 [tilespmem:s21], [sflag:$0x4], $0x80, s20, s21, $0xb8;
	[tilespmem:$0x1FD00] =	vst v63  }
0x11f: {  	_ = 	snop  }
0x120: {  	[spmem:s10] =	stream.indirect.scatter.add.f32 [tilespmem:s24], [sflag:$0x4], $0x80, s23, s22, $0xb8;
	[tilespmem:$0x1FD00] =	vst v63  }
0x121: {  	_ =	swait.ge [sflag:s29], $0x4000  }
0x122: {  	[sflag:s29] =	ssyncset.done $0x0  }
0x123: {  	[sflag:s29] =	ssyncadd.s32 $0xFFFFC000  }
0x124: {  	_ =	swait.ge [sflag:s29], $0x2800  }
0x125: {  	s28 =	rddreg [dreg:$0x6]  }
0x126: {  	[sflag:s29] =	ssyncset.done $0x0;
	s26 =	sadd.s32 s26, s28  }
0x127: {  	[sflag:s29] =	ssyncadd.s32 $0xFFFFD800;
	s28 =	sadd.s32 $0x1900, s26  }
0x128: {  	[hbm:s28], [sflag:s5] =	dma.local [spmem:s3], $0xC80  }
0x129: {  	_ =	swait.ge [sflag:s30], $0x4000  }
0x12a: {  	[sflag:s30] =	ssyncset.done $0x0  }
0x12b: {  	[sflag:s30] =	ssyncadd.s32 $0xFFFFC000  }
0x12c: {  	_ =	swait.ge [sflag:s30], $0x2800  }
0x12d: {  	[sflag:s30] =	ssyncset.done $0x0  }
0x12e: {  	s28 =	sadd.s32 $0x2580, s26;
	[sflag:s30] =	ssyncadd.s32 $0xFFFFD800  }
0x12f: {  	[hbm:s28], [sflag:s17] =	dma.local [spmem:s2], $0xC80  }
0x130: {  	_ =	swait.ge [sflag:s19], $0xC80  }
0x131: {  	[sflag:s19] =	ssyncset.done $0x0  }
0x132: {  	[sflag:s19] =	ssyncadd.s32 $0xFFFFF380  }
0x133: {  	[spmem:s4] =	stream.indirect.scatter.add.f32 [tilespmem:s21], [sflag:$0x1], $0x80, s20, s21, $0xb8;
	[tilespmem:$0x1FD00] =	vst v63  }
0x134: {  	_ = 	snop  }
0x135: {  	[spmem:s4] =	stream.indirect.scatter.add.f32 [tilespmem:s24], [sflag:$0x1], $0x80, s23, s22, $0xb8;
	[tilespmem:$0x1FD00] =	vst v63  }
0x136: {  	_ =	swait.ge [sflag:s25], $0xC80  }
0x137: {  	[sflag:s25] =	ssyncset.done $0x0  }
0x138: {  	[sflag:s25] =	ssyncadd.s32 $0xFFFFF380  }
0x139: {  	[spmem:s6] =	stream.indirect.scatter.add.f32 [tilespmem:s21], [sflag:$0x2], $0x80, s20, s21, $0xb8;
	[tilespmem:$0x1FD00] =	vst v63  }
0x13a: {  	_ = 	snop  }
0x13b: {  	[spmem:s6] =	stream.indirect.scatter.add.f32 [tilespmem:s24], [sflag:$0x2], $0x80, s23, s22, $0xb8;
	[tilespmem:$0x1FD00] =	vst v63  }
0x13c: {  	_ =	swait.ge [sflag:s19], $0x4000  }
0x13d: {  	[sflag:s19] =	ssyncset.done $0x0  }
0x13e: {  	[sflag:s19] =	ssyncadd.s32 $0xFFFFC000  }
0x13f: {  	_ =	swait.ge [sflag:s19], $0x2800  }
0x140: {  	[sflag:s19] =	ssyncset.done $0x0  }
0x141: {  	s28 =	sadd.s32 $0x3200, s26;
	[sflag:s19] =	ssyncadd.s32 $0xFFFFD800  }
0x142: {  	[hbm:s28], [sflag:s15] =	dma.local [spmem:s9], $0xC80  }
0x143: {  	_ =	swait.ge [sflag:s25], $0x4000  }
0x144: {  	[sflag:s25] =	ssyncset.done $0x0  }
0x145: {  	[sflag:s25] =	ssyncadd.s32 $0xFFFFC000  }
0x146: {  	_ =	swait.ge [sflag:s25], $0x2800  }
0x147: {  	[sflag:s25] =	ssyncset.done $0x0  }
0x148: {  	s26 =	sadd.s32 $0x3E80, s26;
	[sflag:s25] =	ssyncadd.s32 $0xFFFFD800  }
0x149: {  	[hbm:s26], [sflag:s16] =	dma.local [spmem:s12], $0xC80  }
0x14a: {  	_ =	swait.ge [sflag:s31], $0xC80  }
0x14b: {  	p0 =	sne.s32 s1, $0x5DC00;
	[sflag:s31] =	ssyncset.done $0x0  }
.Ltmp0:
0x14c: {  	s28 =	sadd.s32 $0x4B00, s18;
	[sflag:s31] =	ssyncadd.s32 $0xFFFFF380;
	(pc) =	sbr.rel @p0 .LBB2_2-.Ltmp0, $4  }
0x14d: {  	[spmem:s3], [sflag:s13] =	dma.local [hbm:s28], $0xC80  }
0x14e: {  	_ =	swait.ge [sflag:s0], $0xC80  }
0x14f: {  	[sflag:s0] =	ssyncset.done $0x0  }
0x150: {  	s1 =	sadd.s32 $0x3200, s1;
	s18 =	sadd.s32 $0x5780, s18;
	[sflag:s0] =	ssyncadd.s32 $0xFFFFF380  }
0x151: {  	[spmem:s2], [sflag:s14] =	dma.local [hbm:s18], $0xC80  }
0x152: {  	_ =	swait.ge [sflag:s29], $0xC80  }
0x153: {  	[sflag:s29] =	ssyncset.done $0x0  }
0x154: {  	[sflag:s29] =	ssyncadd.s32 $0xFFFFF380  }
0x155: {  	[spmem:s8] =	stream.indirect.scatter.add.f32 [tilespmem:s21], [sflag:$0x3], $0x80, s20, s21, $0xb8;
	[tilespmem:$0x1FD00] =	vst v63  }
0x156: {  	_ = 	snop  }
0x157: {  	[spmem:s8] =	stream.indirect.scatter.add.f32 [tilespmem:s24], [sflag:$0x3], $0x80, s23, s22, $0xb8;
	[tilespmem:$0x1FD00] =	vst v63  }
0x158: {  	_ =	swait.ge [sflag:s30], $0xC80  }
0x159: {  	[sflag:s30] =	ssyncset.done $0x0  }
0x15a: {  	[sflag:s30] =	ssyncadd.s32 $0xFFFFF380  }
0x15b: {  	[spmem:s10] =	stream.indirect.scatter.add.f32 [tilespmem:s21], [sflag:$0x4], $0x80, s20, s21, $0xb8;
	[tilespmem:$0x1FD00] =	vst v63  }
0x15c: {  	_ = 	snop  }
0x15d: {  	[spmem:s10] =	stream.indirect.scatter.add.f32 [tilespmem:s24], [sflag:$0x4], $0x80, s23, s22, $0xb8;
	[tilespmem:$0x1FD00] =	vst v63  }
0x15e: {  	_ =	swait.ge [sflag:s29], $0x4000  }
0x15f: {  	[sflag:s29] =	ssyncset.done $0x0  }
0x160: {  	[sflag:s29] =	ssyncadd.s32 $0xFFFFC000  }
0x161: {  	_ =	swait.ge [sflag:s29], $0x2800  }
0x162: {  	[sflag:s29] =	ssyncset.done $0x0  }
0x163: {  	s1 =	rddreg [dreg:$0xd];
	[sflag:s29] =	ssyncadd.s32 $0xFFFFD800  }
0x164: {  	[hbm:s1], [sflag:s5] =	dma.local [spmem:s3], $0xC80  }
0x165: {  	_ =	swait.ge [sflag:s30], $0x4000  }
0x166: {  	[sflag:s30] =	ssyncset.done $0x0  }
0x167: {  	[sflag:s30] =	ssyncadd.s32 $0xFFFFC000  }
0x168: {  	_ =	swait.ge [sflag:s30], $0x2800  }
0x169: {  	[sflag:s30] =	ssyncset.done $0x0  }
0x16a: {  	s16 =	rddreg [dreg:$0xe];
	[sflag:s30] =	ssyncadd.s32 $0xFFFFD800  }
0x16b: {  	[hbm:s16], [sflag:s17] =	dma.local [spmem:s2], $0xC80  }
0x16c: {  	s17 =	simm.s32 $0x5  }
0x16d: {  	_ =	swait.ge [sflag:s17], $0xC80  }
0x16e: {  	[sflag:s17] =	ssyncset.done $0x0  }
0x16f: {  	s18 =	simm.s32 $0x6;
	[sflag:s17] =	ssyncadd.s32 $0xFFFFF380  }
0x170: {  	_ =	swait.ge [sflag:s18], $0xC80  }
0x171: {  	[sflag:s18] =	ssyncset.done $0x0  }
0x172: {  	[sflag:s18] =	ssyncadd.s32 $0xFFFFF380  }
0x173: {  	_ =	swait.ge [sflag:s31], $0xC80  }
0x174: {  	[sflag:s31] =	ssyncset.done $0x0  }
0x175: {  	[sflag:s31] =	ssyncadd.s32 $0xFFFFF380  }
0x176: {  	_ =	swait.ge [sflag:s0], $0xC80  }
0x177: {  	s26 =	rddreg [dreg:$0x11]  }
0x178: {  	s28 =	rddreg [dreg:$0xf];
	s2 =	sadd.s32 $0x1, s26  }
0x179: {  	p0 =	sne.s32 s2, s28  }
.Ltmp1:
0x17a: {  	_ = 	snop;
	(pc) =	sbr.rel @p0 .LBB2_1-.Ltmp1, $3  }
0x17b: {  	_ =	sdelay $0x1  }
0x17c: {  	[sflag:s0] =	ssyncset.done $0x0  }
0x17d: {  	[sflag:s0] =	ssyncadd.s32 $0xFFFFF380  }
0x17e: {  	_ =	sfence.sel $0x180000  }
0x17f: {  	[bflag:$0x0] =	sbarrier.arrive $0xFFFF  }
0x180: {  	_ =	strace $0x90000047  }
0x181: {  	s0 =	stileid.u32;
	[bflag:$0x2] =	sbarrier.arrive $0xFFFF  }
0x182: {  	p0 =	sne.s32 s0, $0x0;
	s0 =	rddreg [dreg:$0x4]  }
0x183: {  	s0 =	sadd.s32 @!p0 $0x100000, s0  }
0x184: {  	[sflag:s0] =	ssyncadd.tile.s32 @!p0 $0x1;
	_ =	shalt  }
.Lfunc_end2:
_tile_overlayer_lowered:
.L_overlay_start_2:
0x185: {  	(tag) =	ssettag $0x2  }
0x186: {  	s0 =	rddreg [dreg:$0x0];
	s2 =	stileid.u32  }
0x187: {  	s1 =	rddreg [dreg:$0x1];
	p0 =	sne.s32 s2, $0x0  }
0x188: {  	s3 =	rddreg [dreg:$0x2];
	[bflag:$0x3] =	sbarrier.arrive $0xFFFF;
	s2 =	simm.s32 @!p0 $0x1C09  }
0x189: {  	[timem:s3], [sflag:s2] =	dma.local @!p0 [hbm:s0], s1  }
0x18a: {  	s0 =	simm.s32 @!p0 $0x9  }
0x18b: {  	_ =	swait.ge @!p0 [sflag:s0], s1  }
0x18c: {  	s1 =	ssub.s32 @!p0 $0x0, s1;
	[sflag:s0] =	ssyncset.done @!p0 $0x0  }
0x18d: {  	[sflag:s0] =	ssyncadd.s32 @!p0 s1  }
0x18e: {  	[bflag:$0x3] =	sbarrier.arrive $0xFFFF  }
0x18f: {  	_ =	shalt  }

</sc_bundles>
